<compile_context>
chip_gen: v7x
topology: tpu7x:2x2x1
jax: 0.10.2.dev20260603
libtpu: 0.0.44.dev20260713+nightly
codegen_flags: <defaults>
</compile_context>

<pallas_src>
import functools

import jax
import jax.numpy as jnp
from jax import lax
from jax.experimental import pallas as pl
from jax.experimental.pallas import tpu as pltpu
from jax.experimental.pallas import tpu_sc as plsc

N = 100000
D = 128
DEG = 3

NC = 2
NS = 16
NW = NC * NS
CHUNK = 3136
NPAD = NW * CHUNK
RSUB = 224
KSUB = CHUNK // RSUB
PW = 16
NBUF = 2


def _sc_gather_body(ns_hbm, pos_hbm, nb0, nb1, nb2,
                    g0, g1, g2, p0, p1, p2,
                    idx_v, rows_v, prow_v, gsem, psem, ssem, qsem):
    wid = lax.axis_index("s") * NC + lax.axis_index("c")
    base = wid * CHUNK

    def gather(k, b):
        sl = idx_v.at[pl.ds(k * RSUB, RSUB)]
        pltpu.async_copy(ns_hbm.at[sl], rows_v.at[b], gsem.at[b])
        pltpu.async_copy(pos_hbm.at[sl], prow_v.at[b], psem.at[b])

    def scatter(k, b, g, p):
        dst = pl.ds(base + k * RSUB, RSUB)
        pltpu.async_copy(rows_v.at[b], g.at[dst], ssem.at[b])
        pltpu.async_copy(prow_v.at[b], p.at[dst], qsem.at[b])

    def wait_gather(b):
        pltpu.make_async_copy(ns_hbm.at[idx_v.at[pl.ds(0, RSUB)]],
                              rows_v.at[b], gsem.at[b]).wait()
        pltpu.make_async_copy(pos_hbm.at[idx_v.at[pl.ds(0, RSUB)]],
                              prow_v.at[b], psem.at[b]).wait()

    def wait_scatter(b, g, p):
        dst = pl.ds(base, RSUB)
        pltpu.make_async_copy(rows_v.at[b], g.at[dst], ssem.at[b]).wait()
        pltpu.make_async_copy(prow_v.at[b], p.at[dst], qsem.at[b]).wait()

    tabs = ((nb0, g0, p0), (nb1, g1, p1), (nb2, g2, p2))
    for j, (nb, g, p) in enumerate(tabs):
        pltpu.sync_copy(nb.at[pl.ds(base, CHUNK)], idx_v)
        for b in range(NBUF):
            if j > 0:
                wait_scatter(b, tabs[j - 1][1], tabs[j - 1][2])
            gather(b, b)

        @pl.loop(0, KSUB - NBUF, step=NBUF)
        def _(kk):
            for b in range(NBUF):
                k = kk + b
                wait_gather(b)
                scatter(k, b, g, p)
                wait_scatter(b, g, p)
                gather(k + NBUF, b)

        for b in range(NBUF):
            wait_gather(b)
            scatter(KSUB - NBUF + b, b, g, p)
    for b in range(NBUF):
        wait_scatter(b, g2, p2)


@functools.cache
def _sc_gather():
    return functools.partial(
        pl.kernel,
        mesh=plsc.VectorSubcoreMesh(core_axis_name="c", subcore_axis_name="s",
                                    num_cores=NC, num_subcores=NS),
        out_type=[jax.ShapeDtypeStruct((NPAD, D), jnp.float32)] * 3
               + [jax.ShapeDtypeStruct((NPAD, PW), jnp.float32)] * 3,
        scratch_types=[
            pltpu.VMEM((CHUNK,), jnp.int32),
            pltpu.VMEM((NBUF, RSUB, D), jnp.float32),
            pltpu.VMEM((NBUF, RSUB, PW), jnp.float32),
            pltpu.SemaphoreType.DMA((NBUF,)),
            pltpu.SemaphoreType.DMA((NBUF,)),
            pltpu.SemaphoreType.DMA((NBUF,)),
            pltpu.SemaphoreType.DMA((NBUF,)),
        ],
        compiler_params=pltpu.CompilerParams(use_tc_tiling_on_sc=False),
    )(_sc_gather_body)


BLK = 2000


def _tc_body(g0, g1, g2, p0, p1, p2, posb, chib,
             w1r, b1r, w3r, b3r, w4r, b4r, w5r, b5r, w6r, b6r, out):
    q0 = p0[...]
    q1 = p1[...]
    q2 = p2[...]
    c = (q0 + q1 + q2) * (1.0 / 3.0)
    a = q1 - q0
    b = q2 - q0
    bv = posb[...] - c

    def comp(x, i):
        return x[:, i:i + 1]

    nx = comp(a, 1) * comp(b, 2) - comp(a, 2) * comp(b, 1)
    ny = comp(a, 2) * comp(b, 0) - comp(a, 0) * comp(b, 2)
    nz = comp(a, 0) * comp(b, 1) - comp(a, 1) * comp(b, 0)
    dot = nx * comp(bv, 0) + ny * comp(bv, 1) + nz * comp(bv, 2)
    s = jnp.where(dot < 0, -1.0, 1.0)

    def mm(x, w):
        return jax.lax.dot_general(x, w, (((1,), (1,)), ((), ())),
                                   preferred_element_type=jnp.float32)

    w1 = w1r[...]
    e0 = mm(g0[...], w1) + b1r[...]
    e1 = mm(g1[...], w1) + b1r[...]
    e2 = mm(g2[...], w1) + b1r[...]
    m0 = s * (e2 - e1)
    m1 = s * (e0 - e2)
    m2 = s * (e1 - e0)

    w3 = w3r[...]
    w4 = w4r[...]
    w5 = w5r[...]
    w6 = w6r[...]
    b3 = b3r[...]
    b4 = b4r[...]
    b5 = b5r[...]
    b6 = b6r[...]

    def silu(x):
        return x * jax.lax.logistic(x)

    acc = chib[...]
    for e, m in ((e0, m0), (e1, m1), (e2, m2)):
        cu = mm(silu(mm(m, w3) + b3), w4) + b4
        h = mm(silu(mm(e + cu, w5) + b5), w6) + b6
        acc = acc + h
    out[...] = acc


def _tc_call(g0, g1, g2, p0, p1, p2, pos_pad, node_chiral, *wb):
    nblk = N // BLK
    row = lambda i: (i, 0)
    fixed = lambda i: (0, 0)
    gspec = pl.BlockSpec((BLK, D), row)
    pspec = pl.BlockSpec((BLK, PW), row)
    wspec = pl.BlockSpec((D, D), fixed)
    bspec = pl.BlockSpec((1, D), fixed)
    in_specs = [gspec] * 3 + [pspec] * 4 + [gspec]
    for _ in range(5):
        in_specs += [wspec, bspec]
    return pl.pallas_call(
        _tc_body,
        grid=(nblk,),
        in_specs=in_specs,
        out_specs=gspec,
        out_shape=jax.ShapeDtypeStruct((N, D), jnp.float32),
        compiler_params=pltpu.CompilerParams(
            dimension_semantics=("arbitrary",)),
    )(g0, g1, g2, p0, p1, p2, pos_pad, node_chiral, *wb)


def kernel(node_scalar, node_chiral, edge_index, pos,
           W1, b1, W3, b3, W4, b4, W5, b5, W6, b6):
    nbr = edge_index[:, 1].reshape(N, DEG)
    pad = NPAD - N
    nbrT = jnp.concatenate(
        [nbr.T, jnp.zeros((DEG, pad), jnp.int32)], axis=1)
    pos_pad = jnp.pad(pos, ((0, 0), (0, PW - 3)))
    g0, g1, g2, p0, p1, p2 = _sc_gather()(
        node_scalar, pos_pad, nbrT[0], nbrT[1], nbrT[2])
    wb = []
    for W, b in ((W1, b1), (W3, b3), (W4, b4), (W5, b5), (W6, b6)):
        wb += [W, b.reshape(1, D)]
    return _tc_call(g0, g1, g2, p0, p1, p2, pos_pad, node_chiral, *wb)

# --- scband reference (transcript-rebuilt; emitter-appended) ---
"""Pipeline reference for scband-chiral-message-33423435498372 (READ-ONLY COPY).

The authoritative reference and input builder live on the scoring server;
editing this copy changes nothing except your own understanding.
"""

import jax, jax.numpy as jnp
import numpy as np

N = 100000
D = 128
DEG = 3


def _linear_params(key, d):
    k1, k2 = jax.random.split(key)
    s = 1.0 / np.sqrt(d)
    W = jax.random.uniform(k1, (d, d), minval=-s, maxval=s, dtype=jnp.float32)
    b = jax.random.uniform(k2, (d,), minval=-s, maxval=s, dtype=jnp.float32)
    return W, b


def setup_inputs(seed: int = 0) -> dict:
    key = jax.random.key(seed)
    ks = jax.random.split(key, 10)
    node_scalar = jax.random.normal(ks[0], (N, D), dtype=jnp.float32)
    node_chiral = jax.random.normal(ks[1], (N, D), dtype=jnp.float32)
    pos = jax.random.normal(ks[2], (N, 3), dtype=jnp.float32)
    base = jnp.repeat(jnp.arange(N, dtype=jnp.int32), DEG)
    nbr = jax.random.randint(ks[3], (N * DEG,), 0, N, dtype=jnp.int32)
    edge_index = jnp.stack([base, nbr], axis=1)
    inp = {"node_scalar": node_scalar, "node_chiral": node_chiral, "edge_index": edge_index, "pos": pos}
    for i, layer in enumerate([1, 3, 4, 5, 6]):
        W, b = _linear_params(ks[4 + i], D)
        inp["W%d" % layer] = W
        inp["b%d" % layer] = b
    return inp


def _forward(node_scalar, node_chiral, pos, neighbors, W1, b1, W3, b3, W4, b4, W5, b5, W6, b6):
    # neighbors: [N, 3] int, the 3 neighbors of each base node (each node is a base).
    npos = pos[neighbors]                                  # [N, 3, 3]
    centroid = jnp.mean(npos, axis=1)                      # [N, 3]
    centered = npos - centroid[:, None, :]                 # [N, 3, 3]
    v0 = centered[:, 0]
    v1 = centered[:, 1]
    v2 = centered[:, 2]
    normal = jnp.cross(v1 - v0, v2 - v0)                   # [N, 3]
    base_vec = pos - centroid                              # [N, 3]
    dot = jnp.sum(normal * base_vec, axis=-1, keepdims=True)
    normal = jnp.where(dot < 0, -normal, normal)
    normal = normal / jnp.linalg.norm(normal, axis=-1, keepdims=True)
    x_axis = v1 - v0
    x_axis = x_axis / jnp.linalg.norm(x_axis, axis=-1, keepdims=True)
    y_axis = jnp.cross(normal, x_axis)
    px = jnp.sum(centered * x_axis[:, None, :], axis=-1)   # [N, 3]
    py = jnp.sum(centered * y_axis[:, None, :], axis=-1)   # [N, 3]
    angles = jnp.arctan2(py, px)
    angles = jnp.mod(angles + 2.0 * jnp.pi, 2.0 * jnp.pi)
    ordering = jnp.argsort(angles, axis=1)                 # [N, 3] (stable, matches sorted())
    nb_ordered = jnp.take_along_axis(neighbors, ordering, axis=1)  # [N, 3]
    ns_ordered = node_scalar[nb_ordered]                   # [N, 3, D]
    emb = ns_ordered @ W1.T + b1                           # linear1
    prev = emb[:, jnp.array([2, 0, 1]), :]                 # (arange(3)-1)%3
    nxt = emb[:, jnp.array([1, 2, 0]), :]                  # (arange(3)+1)%3
    message = prev - nxt
    chiral_update = jax.nn.silu(message @ W3.T + b3) @ W4.T + b4
    neighbors_chiral = jax.nn.silu((emb + chiral_update) @ W5.T + b5) @ W6.T + b6
    base_update = jnp.sum(neighbors_chiral, axis=1)        # sum over the triplet
    return node_chiral + base_update


def reference(node_scalar, node_chiral, edge_index, pos, W1, b1, W3, b3, W4, b4, W5, b5, W6, b6):
    # Base column is repeat(arange(N), 3), so unique base nodes == arange(N) (sorted, as torch.unique)
    # and each group of 3 consecutive rows are the neighbors of that base node -> exactly one triplet.
    neighbors = edge_index[:, 1].reshape(N, DEG)
    return _forward(node_scalar, node_chiral, pos, neighbors, W1, b1, W3, b3, W4, b4, W5, b5, W6, b6)

if __name__ == "__main__":
    import jax
    _d = setup_inputs()
    print(jax.jit(kernel)(*tuple(_d.values())))

</pallas_src>

<mosaic_0001>
#map = affine_map<(d0, d1) -> (0, 0)>
#map1 = affine_map<(d0, d1) -> (0)>
module attributes {stable_mosaic.version = 14 : i64} {
  func.func @_sc_gather_body(%arg0: i32, %arg1: i32, %arg2: memref<100000x128xf32, #tpu.memory_space<hbm>>, %arg3: memref<100000x16xf32, #tpu.memory_space<hbm>>, %arg4: memref<100352xi32, #tpu.memory_space<hbm>>, %arg5: memref<100352xi32, #tpu.memory_space<hbm>>, %arg6: memref<100352xi32, #tpu.memory_space<hbm>>, %arg7: memref<100352x128xf32, #tpu.memory_space<hbm>>, %arg8: memref<100352x128xf32, #tpu.memory_space<hbm>>, %arg9: memref<100352x128xf32, #tpu.memory_space<hbm>>, %arg10: memref<100352x16xf32, #tpu.memory_space<hbm>>, %arg11: memref<100352x16xf32, #tpu.memory_space<hbm>>, %arg12: memref<100352x16xf32, #tpu.memory_space<hbm>>, %arg13: memref<3136xi32, #tpu.memory_space<vmem>>, %arg14: memref<2x224x128xf32, #tpu.memory_space<vmem>>, %arg15: memref<2x224x16xf32, #tpu.memory_space<vmem>>, %arg16: memref<2x!tpu.dma_semaphore, #tpu.memory_space<semaphore_mem>>, %arg17: memref<2x!tpu.dma_semaphore, #tpu.memory_space<semaphore_mem>>, %arg18: memref<2x!tpu.dma_semaphore, #tpu.memory_space<semaphore_mem>>, %arg19: memref<2x!tpu.dma_semaphore, #tpu.memory_space<semaphore_mem>>) attributes {dimension_semantics = [#tpu.dimension_semantics<core_parallel>, #tpu.dimension_semantics<subcore_parallel>], iteration_bounds = array<i64: 2, 16>, scalar_prefetch = 0 : i64, scratch_operands = 7 : i64, tpu.core_type = #tpu.core_type<sc_vector_subcore>, window_params = [{transform_indices = #map}, {transform_indices = #map}, {transform_indices = #map1}, {transform_indices = #map1}, {transform_indices = #map1}, {transform_indices = #map}, {transform_indices = #map}, {transform_indices = #map}, {transform_indices = #map}, {transform_indices = #map}, {transform_indices = #map}]} {
    %mul3A = arith.constant 2 : i32
    %mul3A_0 = arith.muli %arg1, %mul3A : i32
    %add3A = arith.addi %mul3A_0, %arg0 : i32
    %mul3A_1 = arith.constant 3136 : i32
    %mul3A_2 = arith.muli %add3A, %mul3A_1 : i32
    "tpu.region"() ({
      %run_scoped3A = tpu.sem_alloc : memref<!tpu.dma_semaphore, #tpu.memory_space<semaphore_mem>>
      %dma_start3A_723 = tpu.memref_slice %arg4[%mul3A_2] : memref<100352xi32, #tpu.memory_space<hbm>> -> memref<3136xi32, #tpu.memory_space<hbm>>
      %dma_start3A_724 = tpu.memref_slice %arg4[%mul3A_2] : memref<100352xi32, #tpu.memory_space<hbm>> -> memref<3136xi32, #tpu.memory_space<hbm>>
      tpu.enqueue_dma source(%dma_start3A_724 : memref<3136xi32, #tpu.memory_space<hbm>>) target(%arg13 : memref<3136xi32, #tpu.memory_space<vmem>>) target_semaphore(%run_scoped3A : memref<!tpu.dma_semaphore, #tpu.memory_space<semaphore_mem>>)
      %dma_wait3A_725 = tpu.memref_slice %arg4[%mul3A_2] : memref<100352xi32, #tpu.memory_space<hbm>> -> memref<3136xi32, #tpu.memory_space<hbm>>
      %dma_wait3A_726 = tpu.memref_slice %arg4[%mul3A_2] : memref<100352xi32, #tpu.memory_space<hbm>> -> memref<3136xi32, #tpu.memory_space<hbm>>
      tpu.wait_dma2 semaphore(%run_scoped3A : memref<!tpu.dma_semaphore, #tpu.memory_space<semaphore_mem>>) src(%dma_wait3A_726 : memref<3136xi32, #tpu.memory_space<hbm>>) dst(%arg13 : memref<3136xi32, #tpu.memory_space<vmem>>)
      tpu.yield
    }) : () -> ()
    %dma_start3A = arith.constant 0 : i32
    %dma_start3A_3 = arith.constant 0 : i32
    %dma_start3A_4 = arith.constant 0 : i32
    %dma_start3A_5 = arith.constant 0 : i32
    %dma_start3A_6 = tpu.memref_slice %arg14[%dma_start3A, %dma_start3A_4, %dma_start3A_5] : memref<2x224x128xf32, #tpu.memory_space<vmem>> -> memref<1x224x128xf32, #tpu.memory_space<vmem>>
    %dma_start3A_7 = tpu.memref_squeeze %dma_start3A_6 : memref<1x224x128xf32, #tpu.memory_space<vmem>> -> memref<224x128xf32, #tpu.memory_space<vmem>>
    %dma_start3A_8 = arith.constant 0 : i32
    %dma_start3A_9 = tpu.memref_slice %arg13[%dma_start3A_8] : memref<3136xi32, #tpu.memory_space<vmem>> -> memref<224xi32, #tpu.memory_space<vmem>>
    %dma_start3A_10 = arith.constant 0 : i32
    %dma_start3A_11 = arith.constant 0 : i32
    %dma_start3A_12 = tpu.memref_slice %arg2[%dma_start3A_10, %dma_start3A_11] : memref<100000x128xf32, #tpu.memory_space<hbm>> -> memref<100000x128xf32, #tpu.memory_space<hbm>>
    %dma_start3A_13 = tpu.memref_slice %arg16[%dma_start3A_3] : memref<2x!tpu.dma_semaphore, #tpu.memory_space<semaphore_mem>> -> memref<1x!tpu.dma_semaphore, #tpu.memory_space<semaphore_mem>>
    %dma_start3A_14 = tpu.memref_squeeze %dma_start3A_13 : memref<1x!tpu.dma_semaphore, #tpu.memory_space<semaphore_mem>> -> memref<!tpu.dma_semaphore, #tpu.memory_space<semaphore_mem>>
    tpu.enqueue_indirect_dma source(%dma_start3A_12 : memref<100000x128xf32, #tpu.memory_space<hbm>>) target(%dma_start3A_7 : memref<224x128xf32, #tpu.memory_space<vmem>>) offsets(%dma_start3A_9 : memref<224xi32, #tpu.memory_space<vmem>>) semaphore(%dma_start3A_14 : memref<!tpu.dma_semaphore, #tpu.memory_space<semaphore_mem>>)
    %dma_start3A_15 = arith.constant 0 : i32
    %dma_start3A_16 = arith.constant 0 : i32
    %dma_start3A_17 = arith.constant 0 : i32
    %dma_start3A_18 = arith.constant 0 : i32
    %dma_start3A_19 = tpu.memref_slice %arg15[%dma_start3A_15, %dma_start3A_17, %dma_start3A_18] : memref<2x224x16xf32, #tpu.memory_space<vmem>> -> memref<1x224x16xf32, #tpu.memory_space<vmem>>
    %dma_start3A_20 = tpu.memref_squeeze %dma_start3A_19 : memref<1x224x16xf32, #tpu.memory_space<vmem>> -> memref<224x16xf32, #tpu.memory_space<vmem>>
    %dma_start3A_21 = arith.constant 0 : i32
    %dma_start3A_22 = tpu.memref_slice %arg13[%dma_start3A_21] : memref<3136xi32, #tpu.memory_space<vmem>> -> memref<224xi32, #tpu.memory_space<vmem>>
    %dma_start3A_23 = arith.constant 0 : i32
    %dma_start3A_24 = arith.constant 0 : i32
    %dma_start3A_25 = tpu.memref_slice %arg3[%dma_start3A_23, %dma_start3A_24] : memref<100000x16xf32, #tpu.memory_space<hbm>> -> memref<100000x16xf32, #tpu.memory_space<hbm>>
    %dma_start3A_26 = tpu.memref_slice %arg17[%dma_start3A_16] : memref<2x!tpu.dma_semaphore, #tpu.memory_space<semaphore_mem>> -> memref<1x!tpu.dma_semaphore, #tpu.memory_space<semaphore_mem>>
    %dma_start3A_27 = tpu.memref_squeeze %dma_start3A_26 : memref<1x!tpu.dma_semaphore, #tpu.memory_space<semaphore_mem>> -> memref<!tpu.dma_semaphore, #tpu.memory_space<semaphore_mem>>
    tpu.enqueue_indirect_dma source(%dma_start3A_25 : memref<100000x16xf32, #tpu.memory_space<hbm>>) target(%dma_start3A_20 : memref<224x16xf32, #tpu.memory_space<vmem>>) offsets(%dma_start3A_22 : memref<224xi32, #tpu.memory_space<vmem>>) semaphore(%dma_start3A_27 : memref<!tpu.dma_semaphore, #tpu.memory_space<semaphore_mem>>)
    %dma_start3A_28 = arith.constant 1 : i32
    %dma_start3A_29 = arith.constant 1 : i32
    %dma_start3A_30 = arith.constant 0 : i32
    %dma_start3A_31 = arith.constant 0 : i32
    %dma_start3A_32 = tpu.memref_slice %arg14[%dma_start3A_28, %dma_start3A_30, %dma_start3A_31] : memref<2x224x128xf32, #tpu.memory_space<vmem>> -> memref<1x224x128xf32, #tpu.memory_space<vmem>>
    %dma_start3A_33 = tpu.memref_squeeze %dma_start3A_32 : memref<1x224x128xf32, #tpu.memory_space<vmem>> -> memref<224x128xf32, #tpu.memory_space<vmem>>
    %dma_start3A_34 = arith.constant 224 : i32
    %dma_start3A_35 = tpu.memref_slice %arg13[%dma_start3A_34] : memref<3136xi32, #tpu.memory_space<vmem>> -> memref<224xi32, #tpu.memory_space<vmem>>
    %dma_start3A_36 = arith.constant 0 : i32
    %dma_start3A_37 = arith.constant 0 : i32
    %dma_start3A_38 = tpu.memref_slice %arg2[%dma_start3A_36, %dma_start3A_37] : memref<100000x128xf32, #tpu.memory_space<hbm>> -> memref<100000x128xf32, #tpu.memory_space<hbm>>
    %dma_start3A_39 = tpu.memref_slice %arg16[%dma_start3A_29] : memref<2x!tpu.dma_semaphore, #tpu.memory_space<semaphore_mem>> -> memref<1x!tpu.dma_semaphore, #tpu.memory_space<semaphore_mem>>
    %dma_start3A_40 = tpu.memref_squeeze %dma_start3A_39 : memref<1x!tpu.dma_semaphore, #tpu.memory_space<semaphore_mem>> -> memref<!tpu.dma_semaphore, #tpu.memory_space<semaphore_mem>>
    tpu.enqueue_indirect_dma source(%dma_start3A_38 : memref<100000x128xf32, #tpu.memory_space<hbm>>) target(%dma_start3A_33 : memref<224x128xf32, #tpu.memory_space<vmem>>) offsets(%dma_start3A_35 : memref<224xi32, #tpu.memory_space<vmem>>) semaphore(%dma_start3A_40 : memref<!tpu.dma_semaphore, #tpu.memory_space<semaphore_mem>>)
    %dma_start3A_41 = arith.constant 1 : i32
    %dma_start3A_42 = arith.constant 1 : i32
    %dma_start3A_43 = arith.constant 0 : i32
    %dma_start3A_44 = arith.constant 0 : i32
    %dma_start3A_45 = tpu.memref_slice %arg15[%dma_start3A_41, %dma_start3A_43, %dma_start3A_44] : memref<2x224x16xf32, #tpu.memory_space<vmem>> -> memref<1x224x16xf32, #tpu.memory_space<vmem>>
    %dma_start3A_46 = tpu.memref_squeeze %dma_start3A_45 : memref<1x224x16xf32, #tpu.memory_space<vmem>> -> memref<224x16xf32, #tpu.memory_space<vmem>>
    %dma_start3A_47 = arith.constant 224 : i32
    %dma_start3A_48 = tpu.memref_slice %arg13[%dma_start3A_47] : memref<3136xi32, #tpu.memory_space<vmem>> -> memref<224xi32, #tpu.memory_space<vmem>>
    %dma_start3A_49 = arith.constant 0 : i32
    %dma_start3A_50 = arith.constant 0 : i32
    %dma_start3A_51 = tpu.memref_slice %arg3[%dma_start3A_49, %dma_start3A_50] : memref<100000x16xf32, #tpu.memory_space<hbm>> -> memref<100000x16xf32, #tpu.memory_space<hbm>>
    %dma_start3A_52 = tpu.memref_slice %arg17[%dma_start3A_42] : memref<2x!tpu.dma_semaphore, #tpu.memory_space<semaphore_mem>> -> memref<1x!tpu.dma_semaphore, #tpu.memory_space<semaphore_mem>>
    %dma_start3A_53 = tpu.memref_squeeze %dma_start3A_52 : memref<1x!tpu.dma_semaphore, #tpu.memory_space<semaphore_mem>> -> memref<!tpu.dma_semaphore, #tpu.memory_space<semaphore_mem>>
    tpu.enqueue_indirect_dma source(%dma_start3A_51 : memref<100000x16xf32, #tpu.memory_space<hbm>>) target(%dma_start3A_46 : memref<224x16xf32, #tpu.memory_space<vmem>>) offsets(%dma_start3A_48 : memref<224xi32, #tpu.memory_space<vmem>>) semaphore(%dma_start3A_53 : memref<!tpu.dma_semaphore, #tpu.memory_space<semaphore_mem>>)
    %scan3A = arith.constant 0 : i32
    %scan3A_54 = arith.constant 6 : i32
    %scan3A_55 = arith.addi %scan3A, %scan3A_54 : i32
    %scan3A_56 = arith.constant 1 : i32
    scf.for %scan3A_723 = %scan3A to %scan3A_55 step %scan3A_56  : i32 {
      %mul3A_724 = arith.constant 2 : i32
      %mul3A_725 = arith.muli %scan3A_723, %mul3A_724 : i32
      %add3A_726 = arith.constant 0 : i32
      %add3A_727 = arith.addi %add3A_726, %mul3A_725 : i32
      %add3A_728 = arith.constant 0 : i32
      %add3A_729 = arith.addi %add3A_727, %add3A_728 : i32
      %dma_wait3A_730 = arith.constant 0 : i32
      %dma_wait3A_731 = arith.constant 0 : i32
      %dma_wait3A_732 = arith.constant 0 : i32
      %dma_wait3A_733 = arith.constant 0 : i32
      %dma_wait3A_734 = tpu.memref_slice %arg14[%dma_wait3A_730, %dma_wait3A_732, %dma_wait3A_733] : memref<2x224x128xf32, #tpu.memory_space<vmem>> -> memref<1x224x128xf32, #tpu.memory_space<vmem>>
      %dma_wait3A_735 = tpu.memref_squeeze %dma_wait3A_734 : memref<1x224x128xf32, #tpu.memory_space<vmem>> -> memref<224x128xf32, #tpu.memory_space<vmem>>
      %dma_wait3A_736 = arith.constant 0 : i32
      %dma_wait3A_737 = tpu.memref_slice %arg13[%dma_wait3A_736] : memref<3136xi32, #tpu.memory_space<vmem>> -> memref<224xi32, #tpu.memory_space<vmem>>
      %dma_wait3A_738 = arith.constant 0 : i32
      %dma_wait3A_739 = arith.constant 0 : i32
      %dma_wait3A_740 = tpu.memref_slice %arg2[%dma_wait3A_738, %dma_wait3A_739] : memref<100000x128xf32, #tpu.memory_space<hbm>> -> memref<100000x128xf32, #tpu.memory_space<hbm>>
      %dma_wait3A_741 = tpu.memref_slice %arg16[%dma_wait3A_731] : memref<2x!tpu.dma_semaphore, #tpu.memory_space<semaphore_mem>> -> memref<1x!tpu.dma_semaphore, #tpu.memory_space<semaphore_mem>>
      %dma_wait3A_742 = tpu.memref_squeeze %dma_wait3A_741 : memref<1x!tpu.dma_semaphore, #tpu.memory_space<semaphore_mem>> -> memref<!tpu.dma_semaphore, #tpu.memory_space<semaphore_mem>>
      tpu.wait_indirect_dma semaphore(%dma_wait3A_742 : memref<!tpu.dma_semaphore, #tpu.memory_space<semaphore_mem>>) src(%dma_wait3A_740 : memref<100000x128xf32, #tpu.memory_space<hbm>>) dst(%dma_wait3A_735 : memref<224x128xf32, #tpu.memory_space<vmem>>)
      %dma_wait3A_743 = arith.constant 0 : i32
      %dma_wait3A_744 = arith.constant 0 : i32
      %dma_wait3A_745 = arith.constant 0 : i32
      %dma_wait3A_746 = arith.constant 0 : i32
      %dma_wait3A_747 = tpu.memref_slice %arg15[%dma_wait3A_743, %dma_wait3A_745, %dma_wait3A_746] : memref<2x224x16xf32, #tpu.memory_space<vmem>> -> memref<1x224x16xf32, #tpu.memory_space<vmem>>
      %dma_wait3A_748 = tpu.memref_squeeze %dma_wait3A_747 : memref<1x224x16xf32, #tpu.memory_space<vmem>> -> memref<224x16xf32, #tpu.memory_space<vmem>>
      %dma_wait3A_749 = arith.constant 0 : i32
      %dma_wait3A_750 = tpu.memref_slice %arg13[%dma_wait3A_749] : memref<3136xi32, #tpu.memory_space<vmem>> -> memref<224xi32, #tpu.memory_space<vmem>>
      %dma_wait3A_751 = arith.constant 0 : i32
      %dma_wait3A_752 = arith.constant 0 : i32
      %dma_wait3A_753 = tpu.memref_slice %arg3[%dma_wait3A_751, %dma_wait3A_752] : memref<100000x16xf32, #tpu.memory_space<hbm>> -> memref<100000x16xf32, #tpu.memory_space<hbm>>
      %dma_wait3A_754 = tpu.memref_slice %arg17[%dma_wait3A_744] : memref<2x!tpu.dma_semaphore, #tpu.memory_space<semaphore_mem>> -> memref<1x!tpu.dma_semaphore, #tpu.memory_space<semaphore_mem>>
      %dma_wait3A_755 = tpu.memref_squeeze %dma_wait3A_754 : memref<1x!tpu.dma_semaphore, #tpu.memory_space<semaphore_mem>> -> memref<!tpu.dma_semaphore, #tpu.memory_space<semaphore_mem>>
      tpu.wait_indirect_dma semaphore(%dma_wait3A_755 : memref<!tpu.dma_semaphore, #tpu.memory_space<semaphore_mem>>) src(%dma_wait3A_753 : memref<100000x16xf32, #tpu.memory_space<hbm>>) dst(%dma_wait3A_748 : memref<224x16xf32, #tpu.memory_space<vmem>>)
      %mul3A_756 = arith.constant 224 : i32
      %mul3A_757 = arith.muli %add3A_729, %mul3A_756 : i32
      %add3A_758 = arith.addi %mul3A_2, %mul3A_757 : i32
      %dma_start3A_759 = arith.constant 0 : i32
      %dma_start3A_760 = arith.constant 0 : i32
      %dma_start3A_761 = arith.constant 0 : i32
      %dma_start3A_762 = arith.constant 0 : i32
      %dma_start3A_763 = tpu.memref_slice %arg14[%dma_start3A_759, %dma_start3A_761, %dma_start3A_762] : memref<2x224x128xf32, #tpu.memory_space<vmem>> -> memref<1x224x128xf32, #tpu.memory_space<vmem>>
      %dma_start3A_764 = tpu.memref_squeeze %dma_start3A_763 : memref<1x224x128xf32, #tpu.memory_space<vmem>> -> memref<224x128xf32, #tpu.memory_space<vmem>>
      %dma_start3A_765 = arith.constant 0 : i32
      %dma_start3A_766 = tpu.memref_slice %arg7[%add3A_758, %dma_start3A_765] : memref<100352x128xf32, #tpu.memory_space<hbm>> -> memref<224x128xf32, #tpu.memory_space<hbm>>
      %dma_start3A_767 = tpu.memref_slice %arg18[%dma_start3A_760] : memref<2x!tpu.dma_semaphore, #tpu.memory_space<semaphore_mem>> -> memref<1x!tpu.dma_semaphore, #tpu.memory_space<semaphore_mem>>
      %dma_start3A_768 = tpu.memref_squeeze %dma_start3A_767 : memref<1x!tpu.dma_semaphore, #tpu.memory_space<semaphore_mem>> -> memref<!tpu.dma_semaphore, #tpu.memory_space<semaphore_mem>>
      %dma_start3A_769 = arith.constant 0 : i32
      %dma_start3A_770 = tpu.memref_slice %arg7[%add3A_758, %dma_start3A_769] : memref<100352x128xf32, #tpu.memory_space<hbm>> -> memref<224x128xf32, #tpu.memory_space<hbm>>
      %dma_start3A_771 = arith.constant 0 : i32
      %dma_start3A_772 = arith.constant 0 : i32
      %dma_start3A_773 = tpu.memref_slice %arg14[%dma_start3A_759, %dma_start3A_771, %dma_start3A_772] : memref<2x224x128xf32, #tpu.memory_space<vmem>> -> memref<1x224x128xf32, #tpu.memory_space<vmem>>
      %dma_start3A_774 = tpu.memref_squeeze %dma_start3A_773 : memref<1x224x128xf32, #tpu.memory_space<vmem>> -> memref<224x128xf32, #tpu.memory_space<vmem>>
      tpu.enqueue_dma source(%dma_start3A_774 : memref<224x128xf32, #tpu.memory_space<vmem>>) target(%dma_start3A_770 : memref<224x128xf32, #tpu.memory_space<hbm>>) target_semaphore(%dma_start3A_768 : memref<!tpu.dma_semaphore, #tpu.memory_space<semaphore_mem>>)
      %dma_start3A_775 = arith.constant 0 : i32
      %dma_start3A_776 = arith.constant 0 : i32
      %dma_start3A_777 = arith.constant 0 : i32
      %dma_start3A_778 = arith.constant 0 : i32
      %dma_start3A_779 = tpu.memref_slice %arg15[%dma_start3A_775, %dma_start3A_777, %dma_start3A_778] : memref<2x224x16xf32, #tpu.memory_space<vmem>> -> memref<1x224x16xf32, #tpu.memory_space<vmem>>
      %dma_start3A_780 = tpu.memref_squeeze %dma_start3A_779 : memref<1x224x16xf32, #tpu.memory_space<vmem>> -> memref<224x16xf32, #tpu.memory_space<vmem>>
      %dma_start3A_781 = arith.constant 0 : i32
      %dma_start3A_782 = tpu.memref_slice %arg10[%add3A_758, %dma_start3A_781] : memref<100352x16xf32, #tpu.memory_space<hbm>> -> memref<224x16xf32, #tpu.memory_space<hbm>>
      %dma_start3A_783 = tpu.memref_slice %arg19[%dma_start3A_776] : memref<2x!tpu.dma_semaphore, #tpu.memory_space<semaphore_mem>> -> memref<1x!tpu.dma_semaphore, #tpu.memory_space<semaphore_mem>>
      %dma_start3A_784 = tpu.memref_squeeze %dma_start3A_783 : memref<1x!tpu.dma_semaphore, #tpu.memory_space<semaphore_mem>> -> memref<!tpu.dma_semaphore, #tpu.memory_space<semaphore_mem>>
      %dma_start3A_785 = arith.constant 0 : i32
      %dma_start3A_786 = tpu.memref_slice %arg10[%add3A_758, %dma_start3A_785] : memref<100352x16xf32, #tpu.memory_space<hbm>> -> memref<224x16xf32, #tpu.memory_space<hbm>>
      %dma_start3A_787 = arith.constant 0 : i32
      %dma_start3A_788 = arith.constant 0 : i32
      %dma_start3A_789 = tpu.memref_slice %arg15[%dma_start3A_775, %dma_start3A_787, %dma_start3A_788] : memref<2x224x16xf32, #tpu.memory_space<vmem>> -> memref<1x224x16xf32, #tpu.memory_space<vmem>>
      %dma_start3A_790 = tpu.memref_squeeze %dma_start3A_789 : memref<1x224x16xf32, #tpu.memory_space<vmem>> -> memref<224x16xf32, #tpu.memory_space<vmem>>
      tpu.enqueue_dma source(%dma_start3A_790 : memref<224x16xf32, #tpu.memory_space<vmem>>) target(%dma_start3A_786 : memref<224x16xf32, #tpu.memory_space<hbm>>) target_semaphore(%dma_start3A_784 : memref<!tpu.dma_semaphore, #tpu.memory_space<semaphore_mem>>)
      %dma_wait3A_791 = arith.constant 0 : i32
      %dma_wait3A_792 = arith.constant 0 : i32
      %dma_wait3A_793 = arith.constant 0 : i32
      %dma_wait3A_794 = arith.constant 0 : i32
      %dma_wait3A_795 = tpu.memref_slice %arg14[%dma_wait3A_791, %dma_wait3A_793, %dma_wait3A_794] : memref<2x224x128xf32, #tpu.memory_space<vmem>> -> memref<1x224x128xf32, #tpu.memory_space<vmem>>
      %dma_wait3A_796 = tpu.memref_squeeze %dma_wait3A_795 : memref<1x224x128xf32, #tpu.memory_space<vmem>> -> memref<224x128xf32, #tpu.memory_space<vmem>>
      %dma_wait3A_797 = arith.constant 0 : i32
      %dma_wait3A_798 = tpu.memref_slice %arg7[%mul3A_2, %dma_wait3A_797] : memref<100352x128xf32, #tpu.memory_space<hbm>> -> memref<224x128xf32, #tpu.memory_space<hbm>>
      %dma_wait3A_799 = tpu.memref_slice %arg18[%dma_wait3A_792] : memref<2x!tpu.dma_semaphore, #tpu.memory_space<semaphore_mem>> -> memref<1x!tpu.dma_semaphore, #tpu.memory_space<semaphore_mem>>
      %dma_wait3A_800 = tpu.memref_squeeze %dma_wait3A_799 : memref<1x!tpu.dma_semaphore, #tpu.memory_space<semaphore_mem>> -> memref<!tpu.dma_semaphore, #tpu.memory_space<semaphore_mem>>
      %dma_wait3A_801 = arith.constant 0 : i32
      %dma_wait3A_802 = tpu.memref_slice %arg7[%mul3A_2, %dma_wait3A_801] : memref<100352x128xf32, #tpu.memory_space<hbm>> -> memref<224x128xf32, #tpu.memory_space<hbm>>
      %dma_wait3A_803 = arith.constant 0 : i32
      %dma_wait3A_804 = arith.constant 0 : i32
      %dma_wait3A_805 = tpu.memref_slice %arg14[%dma_wait3A_791, %dma_wait3A_803, %dma_wait3A_804] : memref<2x224x128xf32, #tpu.memory_space<vmem>> -> memref<1x224x128xf32, #tpu.memory_space<vmem>>
      %dma_wait3A_806 = tpu.memref_squeeze %dma_wait3A_805 : memref<1x224x128xf32, #tpu.memory_space<vmem>> -> memref<224x128xf32, #tpu.memory_space<vmem>>
      tpu.wait_dma2 semaphore(%dma_wait3A_800 : memref<!tpu.dma_semaphore, #tpu.memory_space<semaphore_mem>>) src(%dma_wait3A_806 : memref<224x128xf32, #tpu.memory_space<vmem>>) dst(%dma_wait3A_802 : memref<224x128xf32, #tpu.memory_space<hbm>>)
      %dma_wait3A_807 = arith.constant 0 : i32
      %dma_wait3A_808 = arith.constant 0 : i32
      %dma_wait3A_809 = arith.constant 0 : i32
      %dma_wait3A_810 = arith.constant 0 : i32
      %dma_wait3A_811 = tpu.memref_slice %arg15[%dma_wait3A_807, %dma_wait3A_809, %dma_wait3A_810] : memref<2x224x16xf32, #tpu.memory_space<vmem>> -> memref<1x224x16xf32, #tpu.memory_space<vmem>>
      %dma_wait3A_812 = tpu.memref_squeeze %dma_wait3A_811 : memref<1x224x16xf32, #tpu.memory_space<vmem>> -> memref<224x16xf32, #tpu.memory_space<vmem>>
      %dma_wait3A_813 = arith.constant 0 : i32
      %dma_wait3A_814 = tpu.memref_slice %arg10[%mul3A_2, %dma_wait3A_813] : memref<100352x16xf32, #tpu.memory_space<hbm>> -> memref<224x16xf32, #tpu.memory_space<hbm>>
      %dma_wait3A_815 = tpu.memref_slice %arg19[%dma_wait3A_808] : memref<2x!tpu.dma_semaphore, #tpu.memory_space<semaphore_mem>> -> memref<1x!tpu.dma_semaphore, #tpu.memory_space<semaphore_mem>>
      %dma_wait3A_816 = tpu.memref_squeeze %dma_wait3A_815 : memref<1x!tpu.dma_semaphore, #tpu.memory_space<semaphore_mem>> -> memref<!tpu.dma_semaphore, #tpu.memory_space<semaphore_mem>>
      %dma_wait3A_817 = arith.constant 0 : i32
      %dma_wait3A_818 = tpu.memref_slice %arg10[%mul3A_2, %dma_wait3A_817] : memref<100352x16xf32, #tpu.memory_space<hbm>> -> memref<224x16xf32, #tpu.memory_space<hbm>>
      %dma_wait3A_819 = arith.constant 0 : i32
      %dma_wait3A_820 = arith.constant 0 : i32
      %dma_wait3A_821 = tpu.memref_slice %arg15[%dma_wait3A_807, %dma_wait3A_819, %dma_wait3A_820] : memref<2x224x16xf32, #tpu.memory_space<vmem>> -> memref<1x224x16xf32, #tpu.memory_space<vmem>>
      %dma_wait3A_822 = tpu.memref_squeeze %dma_wait3A_821 : memref<1x224x16xf32, #tpu.memory_space<vmem>> -> memref<224x16xf32, #tpu.memory_space<vmem>>
      tpu.wait_dma2 semaphore(%dma_wait3A_816 : memref<!tpu.dma_semaphore, #tpu.memory_space<semaphore_mem>>) src(%dma_wait3A_822 : memref<224x16xf32, #tpu.memory_space<vmem>>) dst(%dma_wait3A_818 : memref<224x16xf32, #tpu.memory_space<hbm>>)
      %add3A_823 = arith.constant 2 : i32
      %add3A_824 = arith.addi %add3A_729, %add3A_823 : i32
      %mul3A_825 = arith.constant 224 : i32
      %mul3A_826 = arith.muli %add3A_824, %mul3A_825 : i32
      %dma_start3A_827 = arith.constant 0 : i32
      %dma_start3A_828 = arith.constant 0 : i32
      %dma_start3A_829 = arith.constant 0 : i32
      %dma_start3A_830 = arith.constant 0 : i32
      %dma_start3A_831 = tpu.memref_slice %arg14[%dma_start3A_827, %dma_start3A_829, %dma_start3A_830] : memref<2x224x128xf32, #tpu.memory_space<vmem>> -> memref<1x224x128xf32, #tpu.memory_space<vmem>>
      %dma_start3A_832 = tpu.memref_squeeze %dma_start3A_831 : memref<1x224x128xf32, #tpu.memory_space<vmem>> -> memref<224x128xf32, #tpu.memory_space<vmem>>
      %dma_start3A_833 = tpu.memref_slice %arg13[%mul3A_826] : memref<3136xi32, #tpu.memory_space<vmem>> -> memref<224xi32, #tpu.memory_space<vmem>>
      %dma_start3A_834 = arith.constant 0 : i32
      %dma_start3A_835 = arith.constant 0 : i32
      %dma_start3A_836 = tpu.memref_slice %arg2[%dma_start3A_834, %dma_start3A_835] : memref<100000x128xf32, #tpu.memory_space<hbm>> -> memref<100000x128xf32, #tpu.memory_space<hbm>>
      %dma_start3A_837 = tpu.memref_slice %arg16[%dma_start3A_828] : memref<2x!tpu.dma_semaphore, #tpu.memory_space<semaphore_mem>> -> memref<1x!tpu.dma_semaphore, #tpu.memory_space<semaphore_mem>>
      %dma_start3A_838 = tpu.memref_squeeze %dma_start3A_837 : memref<1x!tpu.dma_semaphore, #tpu.memory_space<semaphore_mem>> -> memref<!tpu.dma_semaphore, #tpu.memory_space<semaphore_mem>>
      tpu.enqueue_indirect_dma source(%dma_start3A_836 : memref<100000x128xf32, #tpu.memory_space<hbm>>) target(%dma_start3A_832 : memref<224x128xf32, #tpu.memory_space<vmem>>) offsets(%dma_start3A_833 : memref<224xi32, #tpu.memory_space<vmem>>) semaphore(%dma_start3A_838 : memref<!tpu.dma_semaphore, #tpu.memory_space<semaphore_mem>>)
      %dma_start3A_839 = arith.constant 0 : i32
      %dma_start3A_840 = arith.constant 0 : i32
      %dma_start3A_841 = arith.constant 0 : i32
      %dma_start3A_842 = arith.constant 0 : i32
      %dma_start3A_843 = tpu.memref_slice %arg15[%dma_start3A_839, %dma_start3A_841, %dma_start3A_842] : memref<2x224x16xf32, #tpu.memory_space<vmem>> -> memref<1x224x16xf32, #tpu.memory_space<vmem>>
      %dma_start3A_844 = tpu.memref_squeeze %dma_start3A_843 : memref<1x224x16xf32, #tpu.memory_space<vmem>> -> memref<224x16xf32, #tpu.memory_space<vmem>>
      %dma_start3A_845 = tpu.memref_slice %arg13[%mul3A_826] : memref<3136xi32, #tpu.memory_space<vmem>> -> memref<224xi32, #tpu.memory_space<vmem>>
      %dma_start3A_846 = arith.constant 0 : i32
      %dma_start3A_847 = arith.constant 0 : i32
      %dma_start3A_848 = tpu.memref_slice %arg3[%dma_start3A_846, %dma_start3A_847] : memref<100000x16xf32, #tpu.memory_space<hbm>> -> memref<100000x16xf32, #tpu.memory_space<hbm>>
      %dma_start3A_849 = tpu.memref_slice %arg17[%dma_start3A_840] : memref<2x!tpu.dma_semaphore, #tpu.memory_space<semaphore_mem>> -> memref<1x!tpu.dma_semaphore, #tpu.memory_space<semaphore_mem>>
      %dma_start3A_850 = tpu.memref_squeeze %dma_start3A_849 : memref<1x!tpu.dma_semaphore, #tpu.memory_space<semaphore_mem>> -> memref<!tpu.dma_semaphore, #tpu.memory_space<semaphore_mem>>
      tpu.enqueue_indirect_dma source(%dma_start3A_848 : memref<100000x16xf32, #tpu.memory_space<hbm>>) target(%dma_start3A_844 : memref<224x16xf32, #tpu.memory_space<vmem>>) offsets(%dma_start3A_845 : memref<224xi32, #tpu.memory_space<vmem>>) semaphore(%dma_start3A_850 : memref<!tpu.dma_semaphore, #tpu.memory_space<semaphore_mem>>)
      %add3A_851 = arith.constant 1 : i32
      %add3A_852 = arith.addi %add3A_727, %add3A_851 : i32
      %dma_wait3A_853 = arith.constant 1 : i32
      %dma_wait3A_854 = arith.constant 1 : i32
      %dma_wait3A_855 = arith.constant 0 : i32
      %dma_wait3A_856 = arith.constant 0 : i32
      %dma_wait3A_857 = tpu.memref_slice %arg14[%dma_wait3A_853, %dma_wait3A_855, %dma_wait3A_856] : memref<2x224x128xf32, #tpu.memory_space<vmem>> -> memref<1x224x128xf32, #tpu.memory_space<vmem>>
      %dma_wait3A_858 = tpu.memref_squeeze %dma_wait3A_857 : memref<1x224x128xf32, #tpu.memory_space<vmem>> -> memref<224x128xf32, #tpu.memory_space<vmem>>
      %dma_wait3A_859 = arith.constant 0 : i32
      %dma_wait3A_860 = tpu.memref_slice %arg13[%dma_wait3A_859] : memref<3136xi32, #tpu.memory_space<vmem>> -> memref<224xi32, #tpu.memory_space<vmem>>
      %dma_wait3A_861 = arith.constant 0 : i32
      %dma_wait3A_862 = arith.constant 0 : i32
      %dma_wait3A_863 = tpu.memref_slice %arg2[%dma_wait3A_861, %dma_wait3A_862] : memref<100000x128xf32, #tpu.memory_space<hbm>> -> memref<100000x128xf32, #tpu.memory_space<hbm>>
      %dma_wait3A_864 = tpu.memref_slice %arg16[%dma_wait3A_854] : memref<2x!tpu.dma_semaphore, #tpu.memory_space<semaphore_mem>> -> memref<1x!tpu.dma_semaphore, #tpu.memory_space<semaphore_mem>>
      %dma_wait3A_865 = tpu.memref_squeeze %dma_wait3A_864 : memref<1x!tpu.dma_semaphore, #tpu.memory_space<semaphore_mem>> -> memref<!tpu.dma_semaphore, #tpu.memory_space<semaphore_mem>>
      tpu.wait_indirect_dma semaphore(%dma_wait3A_865 : memref<!tpu.dma_semaphore, #tpu.memory_space<semaphore_mem>>) src(%dma_wait3A_863 : memref<100000x128xf32, #tpu.memory_space<hbm>>) dst(%dma_wait3A_858 : memref<224x128xf32, #tpu.memory_space<vmem>>)
      %dma_wait3A_866 = arith.constant 1 : i32
      %dma_wait3A_867 = arith.constant 1 : i32
      %dma_wait3A_868 = arith.constant 0 : i32
      %dma_wait3A_869 = arith.constant 0 : i32
      %dma_wait3A_870 = tpu.memref_slice %arg15[%dma_wait3A_866, %dma_wait3A_868, %dma_wait3A_869] : memref<2x224x16xf32, #tpu.memory_space<vmem>> -> memref<1x224x16xf32, #tpu.memory_space<vmem>>
      %dma_wait3A_871 = tpu.memref_squeeze %dma_wait3A_870 : memref<1x224x16xf32, #tpu.memory_space<vmem>> -> memref<224x16xf32, #tpu.memory_space<vmem>>
      %dma_wait3A_872 = arith.constant 0 : i32
      %dma_wait3A_873 = tpu.memref_slice %arg13[%dma_wait3A_872] : memref<3136xi32, #tpu.memory_space<vmem>> -> memref<224xi32, #tpu.memory_space<vmem>>
      %dma_wait3A_874 = arith.constant 0 : i32
      %dma_wait3A_875 = arith.constant 0 : i32
      %dma_wait3A_876 = tpu.memref_slice %arg3[%dma_wait3A_874, %dma_wait3A_875] : memref<100000x16xf32, #tpu.memory_space<hbm>> -> memref<100000x16xf32, #tpu.memory_space<hbm>>
      %dma_wait3A_877 = tpu.memref_slice %arg17[%dma_wait3A_867] : memref<2x!tpu.dma_semaphore, #tpu.memory_space<semaphore_mem>> -> memref<1x!tpu.dma_semaphore, #tpu.memory_space<semaphore_mem>>
      %dma_wait3A_878 = tpu.memref_squeeze %dma_wait3A_877 : memref<1x!tpu.dma_semaphore, #tpu.memory_space<semaphore_mem>> -> memref<!tpu.dma_semaphore, #tpu.memory_space<semaphore_mem>>
      tpu.wait_indirect_dma semaphore(%dma_wait3A_878 : memref<!tpu.dma_semaphore, #tpu.memory_space<semaphore_mem>>) src(%dma_wait3A_876 : memref<100000x16xf32, #tpu.memory_space<hbm>>) dst(%dma_wait3A_871 : memref<224x16xf32, #tpu.memory_space<vmem>>)
      %mul3A_879 = arith.constant 224 : i32
      %mul3A_880 = arith.muli %add3A_852, %mul3A_879 : i32
      %add3A_881 = arith.addi %mul3A_2, %mul3A_880 : i32
      %dma_start3A_882 = arith.constant 1 : i32
      %dma_start3A_883 = arith.constant 1 : i32
      %dma_start3A_884 = arith.constant 0 : i32
      %dma_start3A_885 = arith.constant 0 : i32
      %dma_start3A_886 = tpu.memref_slice %arg14[%dma_start3A_882, %dma_start3A_884, %dma_start3A_885] : memref<2x224x128xf32, #tpu.memory_space<vmem>> -> memref<1x224x128xf32, #tpu.memory_space<vmem>>
      %dma_start3A_887 = tpu.memref_squeeze %dma_start3A_886 : memref<1x224x128xf32, #tpu.memory_space<vmem>> -> memref<224x128xf32, #tpu.memory_space<vmem>>
      %dma_start3A_888 = arith.constant 0 : i32
      %dma_start3A_889 = tpu.memref_slice %arg7[%add3A_881, %dma_start3A_888] : memref<100352x128xf32, #tpu.memory_space<hbm>> -> memref<224x128xf32, #tpu.memory_space<hbm>>
      %dma_start3A_890 = tpu.memref_slice %arg18[%dma_start3A_883] : memref<2x!tpu.dma_semaphore, #tpu.memory_space<semaphore_mem>> -> memref<1x!tpu.dma_semaphore, #tpu.memory_space<semaphore_mem>>
      %dma_start3A_891 = tpu.memref_squeeze %dma_start3A_890 : memref<1x!tpu.dma_semaphore, #tpu.memory_space<semaphore_mem>> -> memref<!tpu.dma_semaphore, #tpu.memory_space<semaphore_mem>>
      %dma_start3A_892 = arith.constant 0 : i32
      %dma_start3A_893 = tpu.memref_slice %arg7[%add3A_881, %dma_start3A_892] : memref<100352x128xf32, #tpu.memory_space<hbm>> -> memref<224x128xf32, #tpu.memory_space<hbm>>
      %dma_start3A_894 = arith.constant 0 : i32
      %dma_start3A_895 = arith.constant 0 : i32
      %dma_start3A_896 = tpu.memref_slice %arg14[%dma_start3A_882, %dma_start3A_894, %dma_start3A_895] : memref<2x224x128xf32, #tpu.memory_space<vmem>> -> memref<1x224x128xf32, #tpu.memory_space<vmem>>
      %dma_start3A_897 = tpu.memref_squeeze %dma_start3A_896 : memref<1x224x128xf32, #tpu.memory_space<vmem>> -> memref<224x128xf32, #tpu.memory_space<vmem>>
      tpu.enqueue_dma source(%dma_start3A_897 : memref<224x128xf32, #tpu.memory_space<vmem>>) target(%dma_start3A_893 : memref<224x128xf32, #tpu.memory_space<hbm>>) target_semaphore(%dma_start3A_891 : memref<!tpu.dma_semaphore, #tpu.memory_space<semaphore_mem>>)
      %dma_start3A_898 = arith.constant 1 : i32
      %dma_start3A_899 = arith.constant 1 : i32
      %dma_start3A_900 = arith.constant 0 : i32
      %dma_start3A_901 = arith.constant 0 : i32
      %dma_start3A_902 = tpu.memref_slice %arg15[%dma_start3A_898, %dma_start3A_900, %dma_start3A_901] : memref<2x224x16xf32, #tpu.memory_space<vmem>> -> memref<1x224x16xf32, #tpu.memory_space<vmem>>
      %dma_start3A_903 = tpu.memref_squeeze %dma_start3A_902 : memref<1x224x16xf32, #tpu.memory_space<vmem>> -> memref<224x16xf32, #tpu.memory_space<vmem>>
      %dma_start3A_904 = arith.constant 0 : i32
      %dma_start3A_905 = tpu.memref_slice %arg10[%add3A_881, %dma_start3A_904] : memref<100352x16xf32, #tpu.memory_space<hbm>> -> memref<224x16xf32, #tpu.memory_space<hbm>>
      %dma_start3A_906 = tpu.memref_slice %arg19[%dma_start3A_899] : memref<2x!tpu.dma_semaphore, #tpu.memory_space<semaphore_mem>> -> memref<1x!tpu.dma_semaphore, #tpu.memory_space<semaphore_mem>>
      %dma_start3A_907 = tpu.memref_squeeze %dma_start3A_906 : memref<1x!tpu.dma_semaphore, #tpu.memory_space<semaphore_mem>> -> memref<!tpu.dma_semaphore, #tpu.memory_space<semaphore_mem>>
      %dma_start3A_908 = arith.constant 0 : i32
      %dma_start3A_909 = tpu.memref_slice %arg10[%add3A_881, %dma_start3A_908] : memref<100352x16xf32, #tpu.memory_space<hbm>> -> memref<224x16xf32, #tpu.memory_space<hbm>>
      %dma_start3A_910 = arith.constant 0 : i32
      %dma_start3A_911 = arith.constant 0 : i32
      %dma_start3A_912 = tpu.memref_slice %arg15[%dma_start3A_898, %dma_start3A_910, %dma_start3A_911] : memref<2x224x16xf32, #tpu.memory_space<vmem>> -> memref<1x224x16xf32, #tpu.memory_space<vmem>>
      %dma_start3A_913 = tpu.memref_squeeze %dma_start3A_912 : memref<1x224x16xf32, #tpu.memory_space<vmem>> -> memref<224x16xf32, #tpu.memory_space<vmem>>
      tpu.enqueue_dma source(%dma_start3A_913 : memref<224x16xf32, #tpu.memory_space<vmem>>) target(%dma_start3A_909 : memref<224x16xf32, #tpu.memory_space<hbm>>) target_semaphore(%dma_start3A_907 : memref<!tpu.dma_semaphore, #tpu.memory_space<semaphore_mem>>)
      %dma_wait3A_914 = arith.constant 1 : i32
      %dma_wait3A_915 = arith.constant 1 : i32
      %dma_wait3A_916 = arith.constant 0 : i32
      %dma_wait3A_917 = arith.constant 0 : i32
      %dma_wait3A_918 = tpu.memref_slice %arg14[%dma_wait3A_914, %dma_wait3A_916, %dma_wait3A_917] : memref<2x224x128xf32, #tpu.memory_space<vmem>> -> memref<1x224x128xf32, #tpu.memory_space<vmem>>
      %dma_wait3A_919 = tpu.memref_squeeze %dma_wait3A_918 : memref<1x224x128xf32, #tpu.memory_space<vmem>> -> memref<224x128xf32, #tpu.memory_space<vmem>>
      %dma_wait3A_920 = arith.constant 0 : i32
      %dma_wait3A_921 = tpu.memref_slice %arg7[%mul3A_2, %dma_wait3A_920] : memref<100352x128xf32, #tpu.memory_space<hbm>> -> memref<224x128xf32, #tpu.memory_space<hbm>>
      %dma_wait3A_922 = tpu.memref_slice %arg18[%dma_wait3A_915] : memref<2x!tpu.dma_semaphore, #tpu.memory_space<semaphore_mem>> -> memref<1x!tpu.dma_semaphore, #tpu.memory_space<semaphore_mem>>
      %dma_wait3A_923 = tpu.memref_squeeze %dma_wait3A_922 : memref<1x!tpu.dma_semaphore, #tpu.memory_space<semaphore_mem>> -> memref<!tpu.dma_semaphore, #tpu.memory_space<semaphore_mem>>
      %dma_wait3A_924 = arith.constant 0 : i32
      %dma_wait3A_925 = tpu.memref_slice %arg7[%mul3A_2, %dma_wait3A_924] : memref<100352x128xf32, #tpu.memory_space<hbm>> -> memref<224x128xf32, #tpu.memory_space<hbm>>
      %dma_wait3A_926 = arith.constant 0 : i32
      %dma_wait3A_927 = arith.constant 0 : i32
      %dma_wait3A_928 = tpu.memref_slice %arg14[%dma_wait3A_914, %dma_wait3A_926, %dma_wait3A_927] : memref<2x224x128xf32, #tpu.memory_space<vmem>> -> memref<1x224x128xf32, #tpu.memory_space<vmem>>
      %dma_wait3A_929 = tpu.memref_squeeze %dma_wait3A_928 : memref<1x224x128xf32, #tpu.memory_space<vmem>> -> memref<224x128xf32, #tpu.memory_space<vmem>>
      tpu.wait_dma2 semaphore(%dma_wait3A_923 : memref<!tpu.dma_semaphore, #tpu.memory_space<semaphore_mem>>) src(%dma_wait3A_929 : memref<224x128xf32, #tpu.memory_space<vmem>>) dst(%dma_wait3A_925 : memref<224x128xf32, #tpu.memory_space<hbm>>)
      %dma_wait3A_930 = arith.constant 1 : i32
      %dma_wait3A_931 = arith.constant 1 : i32
      %dma_wait3A_932 = arith.constant 0 : i32
      %dma_wait3A_933 = arith.constant 0 : i32
      %dma_wait3A_934 = tpu.memref_slice %arg15[%dma_wait3A_930, %dma_wait3A_932, %dma_wait3A_933] : memref<2x224x16xf32, #tpu.memory_space<vmem>> -> memref<1x224x16xf32, #tpu.memory_space<vmem>>
      %dma_wait3A_935 = tpu.memref_squeeze %dma_wait3A_934 : memref<1x224x16xf32, #tpu.memory_space<vmem>> -> memref<224x16xf32, #tpu.memory_space<vmem>>
      %dma_wait3A_936 = arith.constant 0 : i32
      %dma_wait3A_937 = tpu.memref_slice %arg10[%mul3A_2, %dma_wait3A_936] : memref<100352x16xf32, #tpu.memory_space<hbm>> -> memref<224x16xf32, #tpu.memory_space<hbm>>
      %dma_wait3A_938 = tpu.memref_slice %arg19[%dma_wait3A_931] : memref<2x!tpu.dma_semaphore, #tpu.memory_space<semaphore_mem>> -> memref<1x!tpu.dma_semaphore, #tpu.memory_space<semaphore_mem>>
      %dma_wait3A_939 = tpu.memref_squeeze %dma_wait3A_938 : memref<1x!tpu.dma_semaphore, #tpu.memory_space<semaphore_mem>> -> memref<!tpu.dma_semaphore, #tpu.memory_space<semaphore_mem>>
      %dma_wait3A_940 = arith.constant 0 : i32
      %dma_wait3A_941 = tpu.memref_slice %arg10[%mul3A_2, %dma_wait3A_940] : memref<100352x16xf32, #tpu.memory_space<hbm>> -> memref<224x16xf32, #tpu.memory_space<hbm>>
      %dma_wait3A_942 = arith.constant 0 : i32
      %dma_wait3A_943 = arith.constant 0 : i32
      %dma_wait3A_944 = tpu.memref_slice %arg15[%dma_wait3A_930, %dma_wait3A_942, %dma_wait3A_943] : memref<2x224x16xf32, #tpu.memory_space<vmem>> -> memref<1x224x16xf32, #tpu.memory_space<vmem>>
      %dma_wait3A_945 = tpu.memref_squeeze %dma_wait3A_944 : memref<1x224x16xf32, #tpu.memory_space<vmem>> -> memref<224x16xf32, #tpu.memory_space<vmem>>
      tpu.wait_dma2 semaphore(%dma_wait3A_939 : memref<!tpu.dma_semaphore, #tpu.memory_space<semaphore_mem>>) src(%dma_wait3A_945 : memref<224x16xf32, #tpu.memory_space<vmem>>) dst(%dma_wait3A_941 : memref<224x16xf32, #tpu.memory_space<hbm>>)
      %add3A_946 = arith.constant 2 : i32
      %add3A_947 = arith.addi %add3A_852, %add3A_946 : i32
      %mul3A_948 = arith.constant 224 : i32
      %mul3A_949 = arith.muli %add3A_947, %mul3A_948 : i32
      %dma_start3A_950 = arith.constant 1 : i32
      %dma_start3A_951 = arith.constant 1 : i32
      %dma_start3A_952 = arith.constant 0 : i32
      %dma_start3A_953 = arith.constant 0 : i32
      %dma_start3A_954 = tpu.memref_slice %arg14[%dma_start3A_950, %dma_start3A_952, %dma_start3A_953] : memref<2x224x128xf32, #tpu.memory_space<vmem>> -> memref<1x224x128xf32, #tpu.memory_space<vmem>>
      %dma_start3A_955 = tpu.memref_squeeze %dma_start3A_954 : memref<1x224x128xf32, #tpu.memory_space<vmem>> -> memref<224x128xf32, #tpu.memory_space<vmem>>
      %dma_start3A_956 = tpu.memref_slice %arg13[%mul3A_949] : memref<3136xi32, #tpu.memory_space<vmem>> -> memref<224xi32, #tpu.memory_space<vmem>>
      %dma_start3A_957 = arith.constant 0 : i32
      %dma_start3A_958 = arith.constant 0 : i32
      %dma_start3A_959 = tpu.memref_slice %arg2[%dma_start3A_957, %dma_start3A_958] : memref<100000x128xf32, #tpu.memory_space<hbm>> -> memref<100000x128xf32, #tpu.memory_space<hbm>>
      %dma_start3A_960 = tpu.memref_slice %arg16[%dma_start3A_951] : memref<2x!tpu.dma_semaphore, #tpu.memory_space<semaphore_mem>> -> memref<1x!tpu.dma_semaphore, #tpu.memory_space<semaphore_mem>>
      %dma_start3A_961 = tpu.memref_squeeze %dma_start3A_960 : memref<1x!tpu.dma_semaphore, #tpu.memory_space<semaphore_mem>> -> memref<!tpu.dma_semaphore, #tpu.memory_space<semaphore_mem>>
      tpu.enqueue_indirect_dma source(%dma_start3A_959 : memref<100000x128xf32, #tpu.memory_space<hbm>>) target(%dma_start3A_955 : memref<224x128xf32, #tpu.memory_space<vmem>>) offsets(%dma_start3A_956 : memref<224xi32, #tpu.memory_space<vmem>>) semaphore(%dma_start3A_961 : memref<!tpu.dma_semaphore, #tpu.memory_space<semaphore_mem>>)
      %dma_start3A_962 = arith.constant 1 : i32
      %dma_start3A_963 = arith.constant 1 : i32
      %dma_start3A_964 = arith.constant 0 : i32
      %dma_start3A_965 = arith.constant 0 : i32
      %dma_start3A_966 = tpu.memref_slice %arg15[%dma_start3A_962, %dma_start3A_964, %dma_start3A_965] : memref<2x224x16xf32, #tpu.memory_space<vmem>> -> memref<1x224x16xf32, #tpu.memory_space<vmem>>
      %dma_start3A_967 = tpu.memref_squeeze %dma_start3A_966 : memref<1x224x16xf32, #tpu.memory_space<vmem>> -> memref<224x16xf32, #tpu.memory_space<vmem>>
      %dma_start3A_968 = tpu.memref_slice %arg13[%mul3A_949] : memref<3136xi32, #tpu.memory_space<vmem>> -> memref<224xi32, #tpu.memory_space<vmem>>
      %dma_start3A_969 = arith.constant 0 : i32
      %dma_start3A_970 = arith.constant 0 : i32
      %dma_start3A_971 = tpu.memref_slice %arg3[%dma_start3A_969, %dma_start3A_970] : memref<100000x16xf32, #tpu.memory_space<hbm>> -> memref<100000x16xf32, #tpu.memory_space<hbm>>
      %dma_start3A_972 = tpu.memref_slice %arg17[%dma_start3A_963] : memref<2x!tpu.dma_semaphore, #tpu.memory_space<semaphore_mem>> -> memref<1x!tpu.dma_semaphore, #tpu.memory_space<semaphore_mem>>
      %dma_start3A_973 = tpu.memref_squeeze %dma_start3A_972 : memref<1x!tpu.dma_semaphore, #tpu.memory_space<semaphore_mem>> -> memref<!tpu.dma_semaphore, #tpu.memory_space<semaphore_mem>>
      tpu.enqueue_indirect_dma source(%dma_start3A_971 : memref<100000x16xf32, #tpu.memory_space<hbm>>) target(%dma_start3A_967 : memref<224x16xf32, #tpu.memory_space<vmem>>) offsets(%dma_start3A_968 : memref<224xi32, #tpu.memory_space<vmem>>) semaphore(%dma_start3A_973 : memref<!tpu.dma_semaphore, #tpu.memory_space<semaphore_mem>>)
    }
    %scan3A_57 = arith.constant 6 : i32
    %dma_wait3A = arith.constant 0 : i32
    %dma_wait3A_58 = arith.constant 0 : i32
    %dma_wait3A_59 = arith.constant 0 : i32
    %dma_wait3A_60 = arith.constant 0 : i32
    %dma_wait3A_61 = tpu.memref_slice %arg14[%dma_wait3A, %dma_wait3A_59, %dma_wait3A_60] : memref<2x224x128xf32, #tpu.memory_space<vmem>> -> memref<1x224x128xf32, #tpu.memory_space<vmem>>
    %dma_wait3A_62 = tpu.memref_squeeze %dma_wait3A_61 : memref<1x224x128xf32, #tpu.memory_space<vmem>> -> memref<224x128xf32, #tpu.memory_space<vmem>>
    %dma_wait3A_63 = arith.constant 0 : i32
    %dma_wait3A_64 = tpu.memref_slice %arg13[%dma_wait3A_63] : memref<3136xi32, #tpu.memory_space<vmem>> -> memref<224xi32, #tpu.memory_space<vmem>>
    %dma_wait3A_65 = arith.constant 0 : i32
    %dma_wait3A_66 = arith.constant 0 : i32
    %dma_wait3A_67 = tpu.memref_slice %arg2[%dma_wait3A_65, %dma_wait3A_66] : memref<100000x128xf32, #tpu.memory_space<hbm>> -> memref<100000x128xf32, #tpu.memory_space<hbm>>
    %dma_wait3A_68 = tpu.memref_slice %arg16[%dma_wait3A_58] : memref<2x!tpu.dma_semaphore, #tpu.memory_space<semaphore_mem>> -> memref<1x!tpu.dma_semaphore, #tpu.memory_space<semaphore_mem>>
    %dma_wait3A_69 = tpu.memref_squeeze %dma_wait3A_68 : memref<1x!tpu.dma_semaphore, #tpu.memory_space<semaphore_mem>> -> memref<!tpu.dma_semaphore, #tpu.memory_space<semaphore_mem>>
    tpu.wait_indirect_dma semaphore(%dma_wait3A_69 : memref<!tpu.dma_semaphore, #tpu.memory_space<semaphore_mem>>) src(%dma_wait3A_67 : memref<100000x128xf32, #tpu.memory_space<hbm>>) dst(%dma_wait3A_62 : memref<224x128xf32, #tpu.memory_space<vmem>>)
    %dma_wait3A_70 = arith.constant 0 : i32
    %dma_wait3A_71 = arith.constant 0 : i32
    %dma_wait3A_72 = arith.constant 0 : i32
    %dma_wait3A_73 = arith.constant 0 : i32
    %dma_wait3A_74 = tpu.memref_slice %arg15[%dma_wait3A_70, %dma_wait3A_72, %dma_wait3A_73] : memref<2x224x16xf32, #tpu.memory_space<vmem>> -> memref<1x224x16xf32, #tpu.memory_space<vmem>>
    %dma_wait3A_75 = tpu.memref_squeeze %dma_wait3A_74 : memref<1x224x16xf32, #tpu.memory_space<vmem>> -> memref<224x16xf32, #tpu.memory_space<vmem>>
    %dma_wait3A_76 = arith.constant 0 : i32
    %dma_wait3A_77 = tpu.memref_slice %arg13[%dma_wait3A_76] : memref<3136xi32, #tpu.memory_space<vmem>> -> memref<224xi32, #tpu.memory_space<vmem>>
    %dma_wait3A_78 = arith.constant 0 : i32
    %dma_wait3A_79 = arith.constant 0 : i32
    %dma_wait3A_80 = tpu.memref_slice %arg3[%dma_wait3A_78, %dma_wait3A_79] : memref<100000x16xf32, #tpu.memory_space<hbm>> -> memref<100000x16xf32, #tpu.memory_space<hbm>>
    %dma_wait3A_81 = tpu.memref_slice %arg17[%dma_wait3A_71] : memref<2x!tpu.dma_semaphore, #tpu.memory_space<semaphore_mem>> -> memref<1x!tpu.dma_semaphore, #tpu.memory_space<semaphore_mem>>
    %dma_wait3A_82 = tpu.memref_squeeze %dma_wait3A_81 : memref<1x!tpu.dma_semaphore, #tpu.memory_space<semaphore_mem>> -> memref<!tpu.dma_semaphore, #tpu.memory_space<semaphore_mem>>
    tpu.wait_indirect_dma semaphore(%dma_wait3A_82 : memref<!tpu.dma_semaphore, #tpu.memory_space<semaphore_mem>>) src(%dma_wait3A_80 : memref<100000x16xf32, #tpu.memory_space<hbm>>) dst(%dma_wait3A_75 : memref<224x16xf32, #tpu.memory_space<vmem>>)
    %add3A_83 = arith.constant 2688 : i32
    %add3A_84 = arith.addi %mul3A_2, %add3A_83 : i32
    %dma_start3A_85 = arith.constant 0 : i32
    %dma_start3A_86 = arith.constant 0 : i32
    %dma_start3A_87 = arith.constant 0 : i32
    %dma_start3A_88 = arith.constant 0 : i32
    %dma_start3A_89 = tpu.memref_slice %arg14[%dma_start3A_85, %dma_start3A_87, %dma_start3A_88] : memref<2x224x128xf32, #tpu.memory_space<vmem>> -> memref<1x224x128xf32, #tpu.memory_space<vmem>>
    %dma_start3A_90 = tpu.memref_squeeze %dma_start3A_89 : memref<1x224x128xf32, #tpu.memory_space<vmem>> -> memref<224x128xf32, #tpu.memory_space<vmem>>
    %dma_start3A_91 = arith.constant 0 : i32
    %dma_start3A_92 = tpu.memref_slice %arg7[%add3A_84, %dma_start3A_91] : memref<100352x128xf32, #tpu.memory_space<hbm>> -> memref<224x128xf32, #tpu.memory_space<hbm>>
    %dma_start3A_93 = tpu.memref_slice %arg18[%dma_start3A_86] : memref<2x!tpu.dma_semaphore, #tpu.memory_space<semaphore_mem>> -> memref<1x!tpu.dma_semaphore, #tpu.memory_space<semaphore_mem>>
    %dma_start3A_94 = tpu.memref_squeeze %dma_start3A_93 : memref<1x!tpu.dma_semaphore, #tpu.memory_space<semaphore_mem>> -> memref<!tpu.dma_semaphore, #tpu.memory_space<semaphore_mem>>
    %dma_start3A_95 = arith.constant 0 : i32
    %dma_start3A_96 = tpu.memref_slice %arg7[%add3A_84, %dma_start3A_95] : memref<100352x128xf32, #tpu.memory_space<hbm>> -> memref<224x128xf32, #tpu.memory_space<hbm>>
    %dma_start3A_97 = arith.constant 0 : i32
    %dma_start3A_98 = arith.constant 0 : i32
    %dma_start3A_99 = tpu.memref_slice %arg14[%dma_start3A_85, %dma_start3A_97, %dma_start3A_98] : memref<2x224x128xf32, #tpu.memory_space<vmem>> -> memref<1x224x128xf32, #tpu.memory_space<vmem>>
    %dma_start3A_100 = tpu.memref_squeeze %dma_start3A_99 : memref<1x224x128xf32, #tpu.memory_space<vmem>> -> memref<224x128xf32, #tpu.memory_space<vmem>>
    tpu.enqueue_dma source(%dma_start3A_100 : memref<224x128xf32, #tpu.memory_space<vmem>>) target(%dma_start3A_96 : memref<224x128xf32, #tpu.memory_space<hbm>>) target_semaphore(%dma_start3A_94 : memref<!tpu.dma_semaphore, #tpu.memory_space<semaphore_mem>>)
    %dma_start3A_101 = arith.constant 0 : i32
    %dma_start3A_102 = arith.constant 0 : i32
    %dma_start3A_103 = arith.constant 0 : i32
    %dma_start3A_104 = arith.constant 0 : i32
    %dma_start3A_105 = tpu.memref_slice %arg15[%dma_start3A_101, %dma_start3A_103, %dma_start3A_104] : memref<2x224x16xf32, #tpu.memory_space<vmem>> -> memref<1x224x16xf32, #tpu.memory_space<vmem>>
    %dma_start3A_106 = tpu.memref_squeeze %dma_start3A_105 : memref<1x224x16xf32, #tpu.memory_space<vmem>> -> memref<224x16xf32, #tpu.memory_space<vmem>>
    %dma_start3A_107 = arith.constant 0 : i32
    %dma_start3A_108 = tpu.memref_slice %arg10[%add3A_84, %dma_start3A_107] : memref<100352x16xf32, #tpu.memory_space<hbm>> -> memref<224x16xf32, #tpu.memory_space<hbm>>
    %dma_start3A_109 = tpu.memref_slice %arg19[%dma_start3A_102] : memref<2x!tpu.dma_semaphore, #tpu.memory_space<semaphore_mem>> -> memref<1x!tpu.dma_semaphore, #tpu.memory_space<semaphore_mem>>
    %dma_start3A_110 = tpu.memref_squeeze %dma_start3A_109 : memref<1x!tpu.dma_semaphore, #tpu.memory_space<semaphore_mem>> -> memref<!tpu.dma_semaphore, #tpu.memory_space<semaphore_mem>>
    %dma_start3A_111 = arith.constant 0 : i32
    %dma_start3A_112 = tpu.memref_slice %arg10[%add3A_84, %dma_start3A_111] : memref<100352x16xf32, #tpu.memory_space<hbm>> -> memref<224x16xf32, #tpu.memory_space<hbm>>
    %dma_start3A_113 = arith.constant 0 : i32
    %dma_start3A_114 = arith.constant 0 : i32
    %dma_start3A_115 = tpu.memref_slice %arg15[%dma_start3A_101, %dma_start3A_113, %dma_start3A_114] : memref<2x224x16xf32, #tpu.memory_space<vmem>> -> memref<1x224x16xf32, #tpu.memory_space<vmem>>
    %dma_start3A_116 = tpu.memref_squeeze %dma_start3A_115 : memref<1x224x16xf32, #tpu.memory_space<vmem>> -> memref<224x16xf32, #tpu.memory_space<vmem>>
    tpu.enqueue_dma source(%dma_start3A_116 : memref<224x16xf32, #tpu.memory_space<vmem>>) target(%dma_start3A_112 : memref<224x16xf32, #tpu.memory_space<hbm>>) target_semaphore(%dma_start3A_110 : memref<!tpu.dma_semaphore, #tpu.memory_space<semaphore_mem>>)
    %dma_wait3A_117 = arith.constant 1 : i32
    %dma_wait3A_118 = arith.constant 1 : i32
    %dma_wait3A_119 = arith.constant 0 : i32
    %dma_wait3A_120 = arith.constant 0 : i32
    %dma_wait3A_121 = tpu.memref_slice %arg14[%dma_wait3A_117, %dma_wait3A_119, %dma_wait3A_120] : memref<2x224x128xf32, #tpu.memory_space<vmem>> -> memref<1x224x128xf32, #tpu.memory_space<vmem>>
    %dma_wait3A_122 = tpu.memref_squeeze %dma_wait3A_121 : memref<1x224x128xf32, #tpu.memory_space<vmem>> -> memref<224x128xf32, #tpu.memory_space<vmem>>
    %dma_wait3A_123 = arith.constant 0 : i32
    %dma_wait3A_124 = tpu.memref_slice %arg13[%dma_wait3A_123] : memref<3136xi32, #tpu.memory_space<vmem>> -> memref<224xi32, #tpu.memory_space<vmem>>
    %dma_wait3A_125 = arith.constant 0 : i32
    %dma_wait3A_126 = arith.constant 0 : i32
    %dma_wait3A_127 = tpu.memref_slice %arg2[%dma_wait3A_125, %dma_wait3A_126] : memref<100000x128xf32, #tpu.memory_space<hbm>> -> memref<100000x128xf32, #tpu.memory_space<hbm>>
    %dma_wait3A_128 = tpu.memref_slice %arg16[%dma_wait3A_118] : memref<2x!tpu.dma_semaphore, #tpu.memory_space<semaphore_mem>> -> memref<1x!tpu.dma_semaphore, #tpu.memory_space<semaphore_mem>>
    %dma_wait3A_129 = tpu.memref_squeeze %dma_wait3A_128 : memref<1x!tpu.dma_semaphore, #tpu.memory_space<semaphore_mem>> -> memref<!tpu.dma_semaphore, #tpu.memory_space<semaphore_mem>>
    tpu.wait_indirect_dma semaphore(%dma_wait3A_129 : memref<!tpu.dma_semaphore, #tpu.memory_space<semaphore_mem>>) src(%dma_wait3A_127 : memref<100000x128xf32, #tpu.memory_space<hbm>>) dst(%dma_wait3A_122 : memref<224x128xf32, #tpu.memory_space<vmem>>)
    %dma_wait3A_130 = arith.constant 1 : i32
    %dma_wait3A_131 = arith.constant 1 : i32
    %dma_wait3A_132 = arith.constant 0 : i32
    %dma_wait3A_133 = arith.constant 0 : i32
    %dma_wait3A_134 = tpu.memref_slice %arg15[%dma_wait3A_130, %dma_wait3A_132, %dma_wait3A_133] : memref<2x224x16xf32, #tpu.memory_space<vmem>> -> memref<1x224x16xf32, #tpu.memory_space<vmem>>
    %dma_wait3A_135 = tpu.memref_squeeze %dma_wait3A_134 : memref<1x224x16xf32, #tpu.memory_space<vmem>> -> memref<224x16xf32, #tpu.memory_space<vmem>>
    %dma_wait3A_136 = arith.constant 0 : i32
    %dma_wait3A_137 = tpu.memref_slice %arg13[%dma_wait3A_136] : memref<3136xi32, #tpu.memory_space<vmem>> -> memref<224xi32, #tpu.memory_space<vmem>>
    %dma_wait3A_138 = arith.constant 0 : i32
    %dma_wait3A_139 = arith.constant 0 : i32
    %dma_wait3A_140 = tpu.memref_slice %arg3[%dma_wait3A_138, %dma_wait3A_139] : memref<100000x16xf32, #tpu.memory_space<hbm>> -> memref<100000x16xf32, #tpu.memory_space<hbm>>
    %dma_wait3A_141 = tpu.memref_slice %arg17[%dma_wait3A_131] : memref<2x!tpu.dma_semaphore, #tpu.memory_space<semaphore_mem>> -> memref<1x!tpu.dma_semaphore, #tpu.memory_space<semaphore_mem>>
    %dma_wait3A_142 = tpu.memref_squeeze %dma_wait3A_141 : memref<1x!tpu.dma_semaphore, #tpu.memory_space<semaphore_mem>> -> memref<!tpu.dma_semaphore, #tpu.memory_space<semaphore_mem>>
    tpu.wait_indirect_dma semaphore(%dma_wait3A_142 : memref<!tpu.dma_semaphore, #tpu.memory_space<semaphore_mem>>) src(%dma_wait3A_140 : memref<100000x16xf32, #tpu.memory_space<hbm>>) dst(%dma_wait3A_135 : memref<224x16xf32, #tpu.memory_space<vmem>>)
    %add3A_143 = arith.constant 2912 : i32
    %add3A_144 = arith.addi %mul3A_2, %add3A_143 : i32
    %dma_start3A_145 = arith.constant 1 : i32
    %dma_start3A_146 = arith.constant 1 : i32
    %dma_start3A_147 = arith.constant 0 : i32
    %dma_start3A_148 = arith.constant 0 : i32
    %dma_start3A_149 = tpu.memref_slice %arg14[%dma_start3A_145, %dma_start3A_147, %dma_start3A_148] : memref<2x224x128xf32, #tpu.memory_space<vmem>> -> memref<1x224x128xf32, #tpu.memory_space<vmem>>
    %dma_start3A_150 = tpu.memref_squeeze %dma_start3A_149 : memref<1x224x128xf32, #tpu.memory_space<vmem>> -> memref<224x128xf32, #tpu.memory_space<vmem>>
    %dma_start3A_151 = arith.constant 0 : i32
    %dma_start3A_152 = tpu.memref_slice %arg7[%add3A_144, %dma_start3A_151] : memref<100352x128xf32, #tpu.memory_space<hbm>> -> memref<224x128xf32, #tpu.memory_space<hbm>>
    %dma_start3A_153 = tpu.memref_slice %arg18[%dma_start3A_146] : memref<2x!tpu.dma_semaphore, #tpu.memory_space<semaphore_mem>> -> memref<1x!tpu.dma_semaphore, #tpu.memory_space<semaphore_mem>>
    %dma_start3A_154 = tpu.memref_squeeze %dma_start3A_153 : memref<1x!tpu.dma_semaphore, #tpu.memory_space<semaphore_mem>> -> memref<!tpu.dma_semaphore, #tpu.memory_space<semaphore_mem>>
    %dma_start3A_155 = arith.constant 0 : i32
    %dma_start3A_156 = tpu.memref_slice %arg7[%add3A_144, %dma_start3A_155] : memref<100352x128xf32, #tpu.memory_space<hbm>> -> memref<224x128xf32, #tpu.memory_space<hbm>>
    %dma_start3A_157 = arith.constant 0 : i32
    %dma_start3A_158 = arith.constant 0 : i32
    %dma_start3A_159 = tpu.memref_slice %arg14[%dma_start3A_145, %dma_start3A_157, %dma_start3A_158] : memref<2x224x128xf32, #tpu.memory_space<vmem>> -> memref<1x224x128xf32, #tpu.memory_space<vmem>>
    %dma_start3A_160 = tpu.memref_squeeze %dma_start3A_159 : memref<1x224x128xf32, #tpu.memory_space<vmem>> -> memref<224x128xf32, #tpu.memory_space<vmem>>
    tpu.enqueue_dma source(%dma_start3A_160 : memref<224x128xf32, #tpu.memory_space<vmem>>) target(%dma_start3A_156 : memref<224x128xf32, #tpu.memory_space<hbm>>) target_semaphore(%dma_start3A_154 : memref<!tpu.dma_semaphore, #tpu.memory_space<semaphore_mem>>)
    %dma_start3A_161 = arith.constant 1 : i32
    %dma_start3A_162 = arith.constant 1 : i32
    %dma_start3A_163 = arith.constant 0 : i32
    %dma_start3A_164 = arith.constant 0 : i32
    %dma_start3A_165 = tpu.memref_slice %arg15[%dma_start3A_161, %dma_start3A_163, %dma_start3A_164] : memref<2x224x16xf32, #tpu.memory_space<vmem>> -> memref<1x224x16xf32, #tpu.memory_space<vmem>>
    %dma_start3A_166 = tpu.memref_squeeze %dma_start3A_165 : memref<1x224x16xf32, #tpu.memory_space<vmem>> -> memref<224x16xf32, #tpu.memory_space<vmem>>
    %dma_start3A_167 = arith.constant 0 : i32
    %dma_start3A_168 = tpu.memref_slice %arg10[%add3A_144, %dma_start3A_167] : memref<100352x16xf32, #tpu.memory_space<hbm>> -> memref<224x16xf32, #tpu.memory_space<hbm>>
    %dma_start3A_169 = tpu.memref_slice %arg19[%dma_start3A_162] : memref<2x!tpu.dma_semaphore, #tpu.memory_space<semaphore_mem>> -> memref<1x!tpu.dma_semaphore, #tpu.memory_space<semaphore_mem>>
    %dma_start3A_170 = tpu.memref_squeeze %dma_start3A_169 : memref<1x!tpu.dma_semaphore, #tpu.memory_space<semaphore_mem>> -> memref<!tpu.dma_semaphore, #tpu.memory_space<semaphore_mem>>
    %dma_start3A_171 = arith.constant 0 : i32
    %dma_start3A_172 = tpu.memref_slice %arg10[%add3A_144, %dma_start3A_171] : memref<100352x16xf32, #tpu.memory_space<hbm>> -> memref<224x16xf32, #tpu.memory_space<hbm>>
    %dma_start3A_173 = arith.constant 0 : i32
    %dma_start3A_174 = arith.constant 0 : i32
    %dma_start3A_175 = tpu.memref_slice %arg15[%dma_start3A_161, %dma_start3A_173, %dma_start3A_174] : memref<2x224x16xf32, #tpu.memory_space<vmem>> -> memref<1x224x16xf32, #tpu.memory_space<vmem>>
    %dma_start3A_176 = tpu.memref_squeeze %dma_start3A_175 : memref<1x224x16xf32, #tpu.memory_space<vmem>> -> memref<224x16xf32, #tpu.memory_space<vmem>>
    tpu.enqueue_dma source(%dma_start3A_176 : memref<224x16xf32, #tpu.memory_space<vmem>>) target(%dma_start3A_172 : memref<224x16xf32, #tpu.memory_space<hbm>>) target_semaphore(%dma_start3A_170 : memref<!tpu.dma_semaphore, #tpu.memory_space<semaphore_mem>>)
    "tpu.region"() ({
      %run_scoped3A = tpu.sem_alloc : memref<!tpu.dma_semaphore, #tpu.memory_space<semaphore_mem>>
      %dma_start3A_723 = tpu.memref_slice %arg5[%mul3A_2] : memref<100352xi32, #tpu.memory_space<hbm>> -> memref<3136xi32, #tpu.memory_space<hbm>>
      %dma_start3A_724 = tpu.memref_slice %arg5[%mul3A_2] : memref<100352xi32, #tpu.memory_space<hbm>> -> memref<3136xi32, #tpu.memory_space<hbm>>
      tpu.enqueue_dma source(%dma_start3A_724 : memref<3136xi32, #tpu.memory_space<hbm>>) target(%arg13 : memref<3136xi32, #tpu.memory_space<vmem>>) target_semaphore(%run_scoped3A : memref<!tpu.dma_semaphore, #tpu.memory_space<semaphore_mem>>)
      %dma_wait3A_725 = tpu.memref_slice %arg5[%mul3A_2] : memref<100352xi32, #tpu.memory_space<hbm>> -> memref<3136xi32, #tpu.memory_space<hbm>>
      %dma_wait3A_726 = tpu.memref_slice %arg5[%mul3A_2] : memref<100352xi32, #tpu.memory_space<hbm>> -> memref<3136xi32, #tpu.memory_space<hbm>>
      tpu.wait_dma2 semaphore(%run_scoped3A : memref<!tpu.dma_semaphore, #tpu.memory_space<semaphore_mem>>) src(%dma_wait3A_726 : memref<3136xi32, #tpu.memory_space<hbm>>) dst(%arg13 : memref<3136xi32, #tpu.memory_space<vmem>>)
      tpu.yield
    }) : () -> ()
    %dma_wait3A_177 = arith.constant 0 : i32
    %dma_wait3A_178 = arith.constant 0 : i32
    %dma_wait3A_179 = arith.constant 0 : i32
    %dma_wait3A_180 = arith.constant 0 : i32
    %dma_wait3A_181 = tpu.memref_slice %arg14[%dma_wait3A_177, %dma_wait3A_179, %dma_wait3A_180] : memref<2x224x128xf32, #tpu.memory_space<vmem>> -> memref<1x224x128xf32, #tpu.memory_space<vmem>>
    %dma_wait3A_182 = tpu.memref_squeeze %dma_wait3A_181 : memref<1x224x128xf32, #tpu.memory_space<vmem>> -> memref<224x128xf32, #tpu.memory_space<vmem>>
    %dma_wait3A_183 = arith.constant 0 : i32
    %dma_wait3A_184 = tpu.memref_slice %arg7[%mul3A_2, %dma_wait3A_183] : memref<100352x128xf32, #tpu.memory_space<hbm>> -> memref<224x128xf32, #tpu.memory_space<hbm>>
    %dma_wait3A_185 = tpu.memref_slice %arg18[%dma_wait3A_178] : memref<2x!tpu.dma_semaphore, #tpu.memory_space<semaphore_mem>> -> memref<1x!tpu.dma_semaphore, #tpu.memory_space<semaphore_mem>>
    %dma_wait3A_186 = tpu.memref_squeeze %dma_wait3A_185 : memref<1x!tpu.dma_semaphore, #tpu.memory_space<semaphore_mem>> -> memref<!tpu.dma_semaphore, #tpu.memory_space<semaphore_mem>>
    %dma_wait3A_187 = arith.constant 0 : i32
    %dma_wait3A_188 = tpu.memref_slice %arg7[%mul3A_2, %dma_wait3A_187] : memref<100352x128xf32, #tpu.memory_space<hbm>> -> memref<224x128xf32, #tpu.memory_space<hbm>>
    %dma_wait3A_189 = arith.constant 0 : i32
    %dma_wait3A_190 = arith.constant 0 : i32
    %dma_wait3A_191 = tpu.memref_slice %arg14[%dma_wait3A_177, %dma_wait3A_189, %dma_wait3A_190] : memref<2x224x128xf32, #tpu.memory_space<vmem>> -> memref<1x224x128xf32, #tpu.memory_space<vmem>>
    %dma_wait3A_192 = tpu.memref_squeeze %dma_wait3A_191 : memref<1x224x128xf32, #tpu.memory_space<vmem>> -> memref<224x128xf32, #tpu.memory_space<vmem>>
    tpu.wait_dma2 semaphore(%dma_wait3A_186 : memref<!tpu.dma_semaphore, #tpu.memory_space<semaphore_mem>>) src(%dma_wait3A_192 : memref<224x128xf32, #tpu.memory_space<vmem>>) dst(%dma_wait3A_188 : memref<224x128xf32, #tpu.memory_space<hbm>>)
    %dma_wait3A_193 = arith.constant 0 : i32
    %dma_wait3A_194 = arith.constant 0 : i32
    %dma_wait3A_195 = arith.constant 0 : i32
    %dma_wait3A_196 = arith.constant 0 : i32
    %dma_wait3A_197 = tpu.memref_slice %arg15[%dma_wait3A_193, %dma_wait3A_195, %dma_wait3A_196] : memref<2x224x16xf32, #tpu.memory_space<vmem>> -> memref<1x224x16xf32, #tpu.memory_space<vmem>>
    %dma_wait3A_198 = tpu.memref_squeeze %dma_wait3A_197 : memref<1x224x16xf32, #tpu.memory_space<vmem>> -> memref<224x16xf32, #tpu.memory_space<vmem>>
    %dma_wait3A_199 = arith.constant 0 : i32
    %dma_wait3A_200 = tpu.memref_slice %arg10[%mul3A_2, %dma_wait3A_199] : memref<100352x16xf32, #tpu.memory_space<hbm>> -> memref<224x16xf32, #tpu.memory_space<hbm>>
    %dma_wait3A_201 = tpu.memref_slice %arg19[%dma_wait3A_194] : memref<2x!tpu.dma_semaphore, #tpu.memory_space<semaphore_mem>> -> memref<1x!tpu.dma_semaphore, #tpu.memory_space<semaphore_mem>>
    %dma_wait3A_202 = tpu.memref_squeeze %dma_wait3A_201 : memref<1x!tpu.dma_semaphore, #tpu.memory_space<semaphore_mem>> -> memref<!tpu.dma_semaphore, #tpu.memory_space<semaphore_mem>>
    %dma_wait3A_203 = arith.constant 0 : i32
    %dma_wait3A_204 = tpu.memref_slice %arg10[%mul3A_2, %dma_wait3A_203] : memref<100352x16xf32, #tpu.memory_space<hbm>> -> memref<224x16xf32, #tpu.memory_space<hbm>>
    %dma_wait3A_205 = arith.constant 0 : i32
    %dma_wait3A_206 = arith.constant 0 : i32
    %dma_wait3A_207 = tpu.memref_slice %arg15[%dma_wait3A_193, %dma_wait3A_205, %dma_wait3A_206] : memref<2x224x16xf32, #tpu.memory_space<vmem>> -> memref<1x224x16xf32, #tpu.memory_space<vmem>>
    %dma_wait3A_208 = tpu.memref_squeeze %dma_wait3A_207 : memref<1x224x16xf32, #tpu.memory_space<vmem>> -> memref<224x16xf32, #tpu.memory_space<vmem>>
    tpu.wait_dma2 semaphore(%dma_wait3A_202 : memref<!tpu.dma_semaphore, #tpu.memory_space<semaphore_mem>>) src(%dma_wait3A_208 : memref<224x16xf32, #tpu.memory_space<vmem>>) dst(%dma_wait3A_204 : memref<224x16xf32, #tpu.memory_space<hbm>>)
    %dma_start3A_209 = arith.constant 0 : i32
    %dma_start3A_210 = arith.constant 0 : i32
    %dma_start3A_211 = arith.constant 0 : i32
    %dma_start3A_212 = arith.constant 0 : i32
    %dma_start3A_213 = tpu.memref_slice %arg14[%dma_start3A_209, %dma_start3A_211, %dma_start3A_212] : memref<2x224x128xf32, #tpu.memory_space<vmem>> -> memref<1x224x128xf32, #tpu.memory_space<vmem>>
    %dma_start3A_214 = tpu.memref_squeeze %dma_start3A_213 : memref<1x224x128xf32, #tpu.memory_space<vmem>> -> memref<224x128xf32, #tpu.memory_space<vmem>>
    %dma_start3A_215 = arith.constant 0 : i32
    %dma_start3A_216 = tpu.memref_slice %arg13[%dma_start3A_215] : memref<3136xi32, #tpu.memory_space<vmem>> -> memref<224xi32, #tpu.memory_space<vmem>>
    %dma_start3A_217 = arith.constant 0 : i32
    %dma_start3A_218 = arith.constant 0 : i32
    %dma_start3A_219 = tpu.memref_slice %arg2[%dma_start3A_217, %dma_start3A_218] : memref<100000x128xf32, #tpu.memory_space<hbm>> -> memref<100000x128xf32, #tpu.memory_space<hbm>>
    %dma_start3A_220 = tpu.memref_slice %arg16[%dma_start3A_210] : memref<2x!tpu.dma_semaphore, #tpu.memory_space<semaphore_mem>> -> memref<1x!tpu.dma_semaphore, #tpu.memory_space<semaphore_mem>>
    %dma_start3A_221 = tpu.memref_squeeze %dma_start3A_220 : memref<1x!tpu.dma_semaphore, #tpu.memory_space<semaphore_mem>> -> memref<!tpu.dma_semaphore, #tpu.memory_space<semaphore_mem>>
    tpu.enqueue_indirect_dma source(%dma_start3A_219 : memref<100000x128xf32, #tpu.memory_space<hbm>>) target(%dma_start3A_214 : memref<224x128xf32, #tpu.memory_space<vmem>>) offsets(%dma_start3A_216 : memref<224xi32, #tpu.memory_space<vmem>>) semaphore(%dma_start3A_221 : memref<!tpu.dma_semaphore, #tpu.memory_space<semaphore_mem>>)
    %dma_start3A_222 = arith.constant 0 : i32
    %dma_start3A_223 = arith.constant 0 : i32
    %dma_start3A_224 = arith.constant 0 : i32
    %dma_start3A_225 = arith.constant 0 : i32
    %dma_start3A_226 = tpu.memref_slice %arg15[%dma_start3A_222, %dma_start3A_224, %dma_start3A_225] : memref<2x224x16xf32, #tpu.memory_space<vmem>> -> memref<1x224x16xf32, #tpu.memory_space<vmem>>
    %dma_start3A_227 = tpu.memref_squeeze %dma_start3A_226 : memref<1x224x16xf32, #tpu.memory_space<vmem>> -> memref<224x16xf32, #tpu.memory_space<vmem>>
    %dma_start3A_228 = arith.constant 0 : i32
    %dma_start3A_229 = tpu.memref_slice %arg13[%dma_start3A_228] : memref<3136xi32, #tpu.memory_space<vmem>> -> memref<224xi32, #tpu.memory_space<vmem>>
    %dma_start3A_230 = arith.constant 0 : i32
    %dma_start3A_231 = arith.constant 0 : i32
    %dma_start3A_232 = tpu.memref_slice %arg3[%dma_start3A_230, %dma_start3A_231] : memref<100000x16xf32, #tpu.memory_space<hbm>> -> memref<100000x16xf32, #tpu.memory_space<hbm>>
    %dma_start3A_233 = tpu.memref_slice %arg17[%dma_start3A_223] : memref<2x!tpu.dma_semaphore, #tpu.memory_space<semaphore_mem>> -> memref<1x!tpu.dma_semaphore, #tpu.memory_space<semaphore_mem>>
    %dma_start3A_234 = tpu.memref_squeeze %dma_start3A_233 : memref<1x!tpu.dma_semaphore, #tpu.memory_space<semaphore_mem>> -> memref<!tpu.dma_semaphore, #tpu.memory_space<semaphore_mem>>
    tpu.enqueue_indirect_dma source(%dma_start3A_232 : memref<100000x16xf32, #tpu.memory_space<hbm>>) target(%dma_start3A_227 : memref<224x16xf32, #tpu.memory_space<vmem>>) offsets(%dma_start3A_229 : memref<224xi32, #tpu.memory_space<vmem>>) semaphore(%dma_start3A_234 : memref<!tpu.dma_semaphore, #tpu.memory_space<semaphore_mem>>)
    %dma_wait3A_235 = arith.constant 1 : i32
    %dma_wait3A_236 = arith.constant 1 : i32
    %dma_wait3A_237 = arith.constant 0 : i32
    %dma_wait3A_238 = arith.constant 0 : i32
    %dma_wait3A_239 = tpu.memref_slice %arg14[%dma_wait3A_235, %dma_wait3A_237, %dma_wait3A_238] : memref<2x224x128xf32, #tpu.memory_space<vmem>> -> memref<1x224x128xf32, #tpu.memory_space<vmem>>
    %dma_wait3A_240 = tpu.memref_squeeze %dma_wait3A_239 : memref<1x224x128xf32, #tpu.memory_space<vmem>> -> memref<224x128xf32, #tpu.memory_space<vmem>>
    %dma_wait3A_241 = arith.constant 0 : i32
    %dma_wait3A_242 = tpu.memref_slice %arg7[%mul3A_2, %dma_wait3A_241] : memref<100352x128xf32, #tpu.memory_space<hbm>> -> memref<224x128xf32, #tpu.memory_space<hbm>>
    %dma_wait3A_243 = tpu.memref_slice %arg18[%dma_wait3A_236] : memref<2x!tpu.dma_semaphore, #tpu.memory_space<semaphore_mem>> -> memref<1x!tpu.dma_semaphore, #tpu.memory_space<semaphore_mem>>
    %dma_wait3A_244 = tpu.memref_squeeze %dma_wait3A_243 : memref<1x!tpu.dma_semaphore, #tpu.memory_space<semaphore_mem>> -> memref<!tpu.dma_semaphore, #tpu.memory_space<semaphore_mem>>
    %dma_wait3A_245 = arith.constant 0 : i32
    %dma_wait3A_246 = tpu.memref_slice %arg7[%mul3A_2, %dma_wait3A_245] : memref<100352x128xf32, #tpu.memory_space<hbm>> -> memref<224x128xf32, #tpu.memory_space<hbm>>
    %dma_wait3A_247 = arith.constant 0 : i32
    %dma_wait3A_248 = arith.constant 0 : i32
    %dma_wait3A_249 = tpu.memref_slice %arg14[%dma_wait3A_235, %dma_wait3A_247, %dma_wait3A_248] : memref<2x224x128xf32, #tpu.memory_space<vmem>> -> memref<1x224x128xf32, #tpu.memory_space<vmem>>
    %dma_wait3A_250 = tpu.memref_squeeze %dma_wait3A_249 : memref<1x224x128xf32, #tpu.memory_space<vmem>> -> memref<224x128xf32, #tpu.memory_space<vmem>>
    tpu.wait_dma2 semaphore(%dma_wait3A_244 : memref<!tpu.dma_semaphore, #tpu.memory_space<semaphore_mem>>) src(%dma_wait3A_250 : memref<224x128xf32, #tpu.memory_space<vmem>>) dst(%dma_wait3A_246 : memref<224x128xf32, #tpu.memory_space<hbm>>)
    %dma_wait3A_251 = arith.constant 1 : i32
    %dma_wait3A_252 = arith.constant 1 : i32
    %dma_wait3A_253 = arith.constant 0 : i32
    %dma_wait3A_254 = arith.constant 0 : i32
    %dma_wait3A_255 = tpu.memref_slice %arg15[%dma_wait3A_251, %dma_wait3A_253, %dma_wait3A_254] : memref<2x224x16xf32, #tpu.memory_space<vmem>> -> memref<1x224x16xf32, #tpu.memory_space<vmem>>
    %dma_wait3A_256 = tpu.memref_squeeze %dma_wait3A_255 : memref<1x224x16xf32, #tpu.memory_space<vmem>> -> memref<224x16xf32, #tpu.memory_space<vmem>>
    %dma_wait3A_257 = arith.constant 0 : i32
    %dma_wait3A_258 = tpu.memref_slice %arg10[%mul3A_2, %dma_wait3A_257] : memref<100352x16xf32, #tpu.memory_space<hbm>> -> memref<224x16xf32, #tpu.memory_space<hbm>>
    %dma_wait3A_259 = tpu.memref_slice %arg19[%dma_wait3A_252] : memref<2x!tpu.dma_semaphore, #tpu.memory_space<semaphore_mem>> -> memref<1x!tpu.dma_semaphore, #tpu.memory_space<semaphore_mem>>
    %dma_wait3A_260 = tpu.memref_squeeze %dma_wait3A_259 : memref<1x!tpu.dma_semaphore, #tpu.memory_space<semaphore_mem>> -> memref<!tpu.dma_semaphore, #tpu.memory_space<semaphore_mem>>
    %dma_wait3A_261 = arith.constant 0 : i32
    %dma_wait3A_262 = tpu.memref_slice %arg10[%mul3A_2, %dma_wait3A_261] : memref<100352x16xf32, #tpu.memory_space<hbm>> -> memref<224x16xf32, #tpu.memory_space<hbm>>
    %dma_wait3A_263 = arith.constant 0 : i32
    %dma_wait3A_264 = arith.constant 0 : i32
    %dma_wait3A_265 = tpu.memref_slice %arg15[%dma_wait3A_251, %dma_wait3A_263, %dma_wait3A_264] : memref<2x224x16xf32, #tpu.memory_space<vmem>> -> memref<1x224x16xf32, #tpu.memory_space<vmem>>
    %dma_wait3A_266 = tpu.memref_squeeze %dma_wait3A_265 : memref<1x224x16xf32, #tpu.memory_space<vmem>> -> memref<224x16xf32, #tpu.memory_space<vmem>>
    tpu.wait_dma2 semaphore(%dma_wait3A_260 : memref<!tpu.dma_semaphore, #tpu.memory_space<semaphore_mem>>) src(%dma_wait3A_266 : memref<224x16xf32, #tpu.memory_space<vmem>>) dst(%dma_wait3A_262 : memref<224x16xf32, #tpu.memory_space<hbm>>)
    %dma_start3A_267 = arith.constant 1 : i32
    %dma_start3A_268 = arith.constant 1 : i32
    %dma_start3A_269 = arith.constant 0 : i32
    %dma_start3A_270 = arith.constant 0 : i32
    %dma_start3A_271 = tpu.memref_slice %arg14[%dma_start3A_267, %dma_start3A_269, %dma_start3A_270] : memref<2x224x128xf32, #tpu.memory_space<vmem>> -> memref<1x224x128xf32, #tpu.memory_space<vmem>>
    %dma_start3A_272 = tpu.memref_squeeze %dma_start3A_271 : memref<1x224x128xf32, #tpu.memory_space<vmem>> -> memref<224x128xf32, #tpu.memory_space<vmem>>
    %dma_start3A_273 = arith.constant 224 : i32
    %dma_start3A_274 = tpu.memref_slice %arg13[%dma_start3A_273] : memref<3136xi32, #tpu.memory_space<vmem>> -> memref<224xi32, #tpu.memory_space<vmem>>
    %dma_start3A_275 = arith.constant 0 : i32
    %dma_start3A_276 = arith.constant 0 : i32
    %dma_start3A_277 = tpu.memref_slice %arg2[%dma_start3A_275, %dma_start3A_276] : memref<100000x128xf32, #tpu.memory_space<hbm>> -> memref<100000x128xf32, #tpu.memory_space<hbm>>
    %dma_start3A_278 = tpu.memref_slice %arg16[%dma_start3A_268] : memref<2x!tpu.dma_semaphore, #tpu.memory_space<semaphore_mem>> -> memref<1x!tpu.dma_semaphore, #tpu.memory_space<semaphore_mem>>
    %dma_start3A_279 = tpu.memref_squeeze %dma_start3A_278 : memref<1x!tpu.dma_semaphore, #tpu.memory_space<semaphore_mem>> -> memref<!tpu.dma_semaphore, #tpu.memory_space<semaphore_mem>>
    tpu.enqueue_indirect_dma source(%dma_start3A_277 : memref<100000x128xf32, #tpu.memory_space<hbm>>) target(%dma_start3A_272 : memref<224x128xf32, #tpu.memory_space<vmem>>) offsets(%dma_start3A_274 : memref<224xi32, #tpu.memory_space<vmem>>) semaphore(%dma_start3A_279 : memref<!tpu.dma_semaphore, #tpu.memory_space<semaphore_mem>>)
    %dma_start3A_280 = arith.constant 1 : i32
    %dma_start3A_281 = arith.constant 1 : i32
    %dma_start3A_282 = arith.constant 0 : i32
    %dma_start3A_283 = arith.constant 0 : i32
    %dma_start3A_284 = tpu.memref_slice %arg15[%dma_start3A_280, %dma_start3A_282, %dma_start3A_283] : memref<2x224x16xf32, #tpu.memory_space<vmem>> -> memref<1x224x16xf32, #tpu.memory_space<vmem>>
    %dma_start3A_285 = tpu.memref_squeeze %dma_start3A_284 : memref<1x224x16xf32, #tpu.memory_space<vmem>> -> memref<224x16xf32, #tpu.memory_space<vmem>>
    %dma_start3A_286 = arith.constant 224 : i32
    %dma_start3A_287 = tpu.memref_slice %arg13[%dma_start3A_286] : memref<3136xi32, #tpu.memory_space<vmem>> -> memref<224xi32, #tpu.memory_space<vmem>>
    %dma_start3A_288 = arith.constant 0 : i32
    %dma_start3A_289 = arith.constant 0 : i32
    %dma_start3A_290 = tpu.memref_slice %arg3[%dma_start3A_288, %dma_start3A_289] : memref<100000x16xf32, #tpu.memory_space<hbm>> -> memref<100000x16xf32, #tpu.memory_space<hbm>>
    %dma_start3A_291 = tpu.memref_slice %arg17[%dma_start3A_281] : memref<2x!tpu.dma_semaphore, #tpu.memory_space<semaphore_mem>> -> memref<1x!tpu.dma_semaphore, #tpu.memory_space<semaphore_mem>>
    %dma_start3A_292 = tpu.memref_squeeze %dma_start3A_291 : memref<1x!tpu.dma_semaphore, #tpu.memory_space<semaphore_mem>> -> memref<!tpu.dma_semaphore, #tpu.memory_space<semaphore_mem>>
    tpu.enqueue_indirect_dma source(%dma_start3A_290 : memref<100000x16xf32, #tpu.memory_space<hbm>>) target(%dma_start3A_285 : memref<224x16xf32, #tpu.memory_space<vmem>>) offsets(%dma_start3A_287 : memref<224xi32, #tpu.memory_space<vmem>>) semaphore(%dma_start3A_292 : memref<!tpu.dma_semaphore, #tpu.memory_space<semaphore_mem>>)
    %scan3A_293 = arith.constant 0 : i32
    %scan3A_294 = arith.constant 6 : i32
    %scan3A_295 = arith.addi %scan3A_293, %scan3A_294 : i32
    %scan3A_296 = arith.constant 1 : i32
    scf.for %scan3A_723 = %scan3A_293 to %scan3A_295 step %scan3A_296  : i32 {
      %mul3A_724 = arith.constant 2 : i32
      %mul3A_725 = arith.muli %scan3A_723, %mul3A_724 : i32
      %add3A_726 = arith.constant 0 : i32
      %add3A_727 = arith.addi %add3A_726, %mul3A_725 : i32
      %add3A_728 = arith.constant 0 : i32
      %add3A_729 = arith.addi %add3A_727, %add3A_728 : i32
      %dma_wait3A_730 = arith.constant 0 : i32
      %dma_wait3A_731 = arith.constant 0 : i32
      %dma_wait3A_732 = arith.constant 0 : i32
      %dma_wait3A_733 = arith.constant 0 : i32
      %dma_wait3A_734 = tpu.memref_slice %arg14[%dma_wait3A_730, %dma_wait3A_732, %dma_wait3A_733] : memref<2x224x128xf32, #tpu.memory_space<vmem>> -> memref<1x224x128xf32, #tpu.memory_space<vmem>>
      %dma_wait3A_735 = tpu.memref_squeeze %dma_wait3A_734 : memref<1x224x128xf32, #tpu.memory_space<vmem>> -> memref<224x128xf32, #tpu.memory_space<vmem>>
      %dma_wait3A_736 = arith.constant 0 : i32
      %dma_wait3A_737 = tpu.memref_slice %arg13[%dma_wait3A_736] : memref<3136xi32, #tpu.memory_space<vmem>> -> memref<224xi32, #tpu.memory_space<vmem>>
      %dma_wait3A_738 = arith.constant 0 : i32
      %dma_wait3A_739 = arith.constant 0 : i32
      %dma_wait3A_740 = tpu.memref_slice %arg2[%dma_wait3A_738, %dma_wait3A_739] : memref<100000x128xf32, #tpu.memory_space<hbm>> -> memref<100000x128xf32, #tpu.memory_space<hbm>>
      %dma_wait3A_741 = tpu.memref_slice %arg16[%dma_wait3A_731] : memref<2x!tpu.dma_semaphore, #tpu.memory_space<semaphore_mem>> -> memref<1x!tpu.dma_semaphore, #tpu.memory_space<semaphore_mem>>
      %dma_wait3A_742 = tpu.memref_squeeze %dma_wait3A_741 : memref<1x!tpu.dma_semaphore, #tpu.memory_space<semaphore_mem>> -> memref<!tpu.dma_semaphore, #tpu.memory_space<semaphore_mem>>
      tpu.wait_indirect_dma semaphore(%dma_wait3A_742 : memref<!tpu.dma_semaphore, #tpu.memory_space<semaphore_mem>>) src(%dma_wait3A_740 : memref<100000x128xf32, #tpu.memory_space<hbm>>) dst(%dma_wait3A_735 : memref<224x128xf32, #tpu.memory_space<vmem>>)
      %dma_wait3A_743 = arith.constant 0 : i32
      %dma_wait3A_744 = arith.constant 0 : i32
      %dma_wait3A_745 = arith.constant 0 : i32
      %dma_wait3A_746 = arith.constant 0 : i32
      %dma_wait3A_747 = tpu.memref_slice %arg15[%dma_wait3A_743, %dma_wait3A_745, %dma_wait3A_746] : memref<2x224x16xf32, #tpu.memory_space<vmem>> -> memref<1x224x16xf32, #tpu.memory_space<vmem>>
      %dma_wait3A_748 = tpu.memref_squeeze %dma_wait3A_747 : memref<1x224x16xf32, #tpu.memory_space<vmem>> -> memref<224x16xf32, #tpu.memory_space<vmem>>
      %dma_wait3A_749 = arith.constant 0 : i32
      %dma_wait3A_750 = tpu.memref_slice %arg13[%dma_wait3A_749] : memref<3136xi32, #tpu.memory_space<vmem>> -> memref<224xi32, #tpu.memory_space<vmem>>
      %dma_wait3A_751 = arith.constant 0 : i32
      %dma_wait3A_752 = arith.constant 0 : i32
      %dma_wait3A_753 = tpu.memref_slice %arg3[%dma_wait3A_751, %dma_wait3A_752] : memref<100000x16xf32, #tpu.memory_space<hbm>> -> memref<100000x16xf32, #tpu.memory_space<hbm>>
      %dma_wait3A_754 = tpu.memref_slice %arg17[%dma_wait3A_744] : memref<2x!tpu.dma_semaphore, #tpu.memory_space<semaphore_mem>> -> memref<1x!tpu.dma_semaphore, #tpu.memory_space<semaphore_mem>>
      %dma_wait3A_755 = tpu.memref_squeeze %dma_wait3A_754 : memref<1x!tpu.dma_semaphore, #tpu.memory_space<semaphore_mem>> -> memref<!tpu.dma_semaphore, #tpu.memory_space<semaphore_mem>>
      tpu.wait_indirect_dma semaphore(%dma_wait3A_755 : memref<!tpu.dma_semaphore, #tpu.memory_space<semaphore_mem>>) src(%dma_wait3A_753 : memref<100000x16xf32, #tpu.memory_space<hbm>>) dst(%dma_wait3A_748 : memref<224x16xf32, #tpu.memory_space<vmem>>)
      %mul3A_756 = arith.constant 224 : i32
      %mul3A_757 = arith.muli %add3A_729, %mul3A_756 : i32
      %add3A_758 = arith.addi %mul3A_2, %mul3A_757 : i32
      %dma_start3A_759 = arith.constant 0 : i32
      %dma_start3A_760 = arith.constant 0 : i32
      %dma_start3A_761 = arith.constant 0 : i32
      %dma_start3A_762 = arith.constant 0 : i32
      %dma_start3A_763 = tpu.memref_slice %arg14[%dma_start3A_759, %dma_start3A_761, %dma_start3A_762] : memref<2x224x128xf32, #tpu.memory_space<vmem>> -> memref<1x224x128xf32, #tpu.memory_space<vmem>>
      %dma_start3A_764 = tpu.memref_squeeze %dma_start3A_763 : memref<1x224x128xf32, #tpu.memory_space<vmem>> -> memref<224x128xf32, #tpu.memory_space<vmem>>
      %dma_start3A_765 = arith.constant 0 : i32
      %dma_start3A_766 = tpu.memref_slice %arg8[%add3A_758, %dma_start3A_765] : memref<100352x128xf32, #tpu.memory_space<hbm>> -> memref<224x128xf32, #tpu.memory_space<hbm>>
      %dma_start3A_767 = tpu.memref_slice %arg18[%dma_start3A_760] : memref<2x!tpu.dma_semaphore, #tpu.memory_space<semaphore_mem>> -> memref<1x!tpu.dma_semaphore, #tpu.memory_space<semaphore_mem>>
      %dma_start3A_768 = tpu.memref_squeeze %dma_start3A_767 : memref<1x!tpu.dma_semaphore, #tpu.memory_space<semaphore_mem>> -> memref<!tpu.dma_semaphore, #tpu.memory_space<semaphore_mem>>
      %dma_start3A_769 = arith.constant 0 : i32
      %dma_start3A_770 = tpu.memref_slice %arg8[%add3A_758, %dma_start3A_769] : memref<100352x128xf32, #tpu.memory_space<hbm>> -> memref<224x128xf32, #tpu.memory_space<hbm>>
      %dma_start3A_771 = arith.constant 0 : i32
      %dma_start3A_772 = arith.constant 0 : i32
      %dma_start3A_773 = tpu.memref_slice %arg14[%dma_start3A_759, %dma_start3A_771, %dma_start3A_772] : memref<2x224x128xf32, #tpu.memory_space<vmem>> -> memref<1x224x128xf32, #tpu.memory_space<vmem>>
      %dma_start3A_774 = tpu.memref_squeeze %dma_start3A_773 : memref<1x224x128xf32, #tpu.memory_space<vmem>> -> memref<224x128xf32, #tpu.memory_space<vmem>>
      tpu.enqueue_dma source(%dma_start3A_774 : memref<224x128xf32, #tpu.memory_space<vmem>>) target(%dma_start3A_770 : memref<224x128xf32, #tpu.memory_space<hbm>>) target_semaphore(%dma_start3A_768 : memref<!tpu.dma_semaphore, #tpu.memory_space<semaphore_mem>>)
      %dma_start3A_775 = arith.constant 0 : i32
      %dma_start3A_776 = arith.constant 0 : i32
      %dma_start3A_777 = arith.constant 0 : i32
      %dma_start3A_778 = arith.constant 0 : i32
      %dma_start3A_779 = tpu.memref_slice %arg15[%dma_start3A_775, %dma_start3A_777, %dma_start3A_778] : memref<2x224x16xf32, #tpu.memory_space<vmem>> -> memref<1x224x16xf32, #tpu.memory_space<vmem>>
      %dma_start3A_780 = tpu.memref_squeeze %dma_start3A_779 : memref<1x224x16xf32, #tpu.memory_space<vmem>> -> memref<224x16xf32, #tpu.memory_space<vmem>>
      %dma_start3A_781 = arith.constant 0 : i32
      %dma_start3A_782 = tpu.memref_slice %arg11[%add3A_758, %dma_start3A_781] : memref<100352x16xf32, #tpu.memory_space<hbm>> -> memref<224x16xf32, #tpu.memory_space<hbm>>
      %dma_start3A_783 = tpu.memref_slice %arg19[%dma_start3A_776] : memref<2x!tpu.dma_semaphore, #tpu.memory_space<semaphore_mem>> -> memref<1x!tpu.dma_semaphore, #tpu.memory_space<semaphore_mem>>
      %dma_start3A_784 = tpu.memref_squeeze %dma_start3A_783 : memref<1x!tpu.dma_semaphore, #tpu.memory_space<semaphore_mem>> -> memref<!tpu.dma_semaphore, #tpu.memory_space<semaphore_mem>>
      %dma_start3A_785 = arith.constant 0 : i32
      %dma_start3A_786 = tpu.memref_slice %arg11[%add3A_758, %dma_start3A_785] : memref<100352x16xf32, #tpu.memory_space<hbm>> -> memref<224x16xf32, #tpu.memory_space<hbm>>
      %dma_start3A_787 = arith.constant 0 : i32
      %dma_start3A_788 = arith.constant 0 : i32
      %dma_start3A_789 = tpu.memref_slice %arg15[%dma_start3A_775, %dma_start3A_787, %dma_start3A_788] : memref<2x224x16xf32, #tpu.memory_space<vmem>> -> memref<1x224x16xf32, #tpu.memory_space<vmem>>
      %dma_start3A_790 = tpu.memref_squeeze %dma_start3A_789 : memref<1x224x16xf32, #tpu.memory_space<vmem>> -> memref<224x16xf32, #tpu.memory_space<vmem>>
      tpu.enqueue_dma source(%dma_start3A_790 : memref<224x16xf32, #tpu.memory_space<vmem>>) target(%dma_start3A_786 : memref<224x16xf32, #tpu.memory_space<hbm>>) target_semaphore(%dma_start3A_784 : memref<!tpu.dma_semaphore, #tpu.memory_space<semaphore_mem>>)
      %dma_wait3A_791 = arith.constant 0 : i32
      %dma_wait3A_792 = arith.constant 0 : i32
      %dma_wait3A_793 = arith.constant 0 : i32
      %dma_wait3A_794 = arith.constant 0 : i32
      %dma_wait3A_795 = tpu.memref_slice %arg14[%dma_wait3A_791, %dma_wait3A_793, %dma_wait3A_794] : memref<2x224x128xf32, #tpu.memory_space<vmem>> -> memref<1x224x128xf32, #tpu.memory_space<vmem>>
      %dma_wait3A_796 = tpu.memref_squeeze %dma_wait3A_795 : memref<1x224x128xf32, #tpu.memory_space<vmem>> -> memref<224x128xf32, #tpu.memory_space<vmem>>
      %dma_wait3A_797 = arith.constant 0 : i32
      %dma_wait3A_798 = tpu.memref_slice %arg8[%mul3A_2, %dma_wait3A_797] : memref<100352x128xf32, #tpu.memory_space<hbm>> -> memref<224x128xf32, #tpu.memory_space<hbm>>
      %dma_wait3A_799 = tpu.memref_slice %arg18[%dma_wait3A_792] : memref<2x!tpu.dma_semaphore, #tpu.memory_space<semaphore_mem>> -> memref<1x!tpu.dma_semaphore, #tpu.memory_space<semaphore_mem>>
      %dma_wait3A_800 = tpu.memref_squeeze %dma_wait3A_799 : memref<1x!tpu.dma_semaphore, #tpu.memory_space<semaphore_mem>> -> memref<!tpu.dma_semaphore, #tpu.memory_space<semaphore_mem>>
      %dma_wait3A_801 = arith.constant 0 : i32
      %dma_wait3A_802 = tpu.memref_slice %arg8[%mul3A_2, %dma_wait3A_801] : memref<100352x128xf32, #tpu.memory_space<hbm>> -> memref<224x128xf32, #tpu.memory_space<hbm>>
      %dma_wait3A_803 = arith.constant 0 : i32
      %dma_wait3A_804 = arith.constant 0 : i32
      %dma_wait3A_805 = tpu.memref_slice %arg14[%dma_wait3A_791, %dma_wait3A_803, %dma_wait3A_804] : memref<2x224x128xf32, #tpu.memory_space<vmem>> -> memref<1x224x128xf32, #tpu.memory_space<vmem>>
      %dma_wait3A_806 = tpu.memref_squeeze %dma_wait3A_805 : memref<1x224x128xf32, #tpu.memory_space<vmem>> -> memref<224x128xf32, #tpu.memory_space<vmem>>
      tpu.wait_dma2 semaphore(%dma_wait3A_800 : memref<!tpu.dma_semaphore, #tpu.memory_space<semaphore_mem>>) src(%dma_wait3A_806 : memref<224x128xf32, #tpu.memory_space<vmem>>) dst(%dma_wait3A_802 : memref<224x128xf32, #tpu.memory_space<hbm>>)
      %dma_wait3A_807 = arith.constant 0 : i32
      %dma_wait3A_808 = arith.constant 0 : i32
      %dma_wait3A_809 = arith.constant 0 : i32
      %dma_wait3A_810 = arith.constant 0 : i32
      %dma_wait3A_811 = tpu.memref_slice %arg15[%dma_wait3A_807, %dma_wait3A_809, %dma_wait3A_810] : memref<2x224x16xf32, #tpu.memory_space<vmem>> -> memref<1x224x16xf32, #tpu.memory_space<vmem>>
      %dma_wait3A_812 = tpu.memref_squeeze %dma_wait3A_811 : memref<1x224x16xf32, #tpu.memory_space<vmem>> -> memref<224x16xf32, #tpu.memory_space<vmem>>
      %dma_wait3A_813 = arith.constant 0 : i32
      %dma_wait3A_814 = tpu.memref_slice %arg11[%mul3A_2, %dma_wait3A_813] : memref<100352x16xf32, #tpu.memory_space<hbm>> -> memref<224x16xf32, #tpu.memory_space<hbm>>
      %dma_wait3A_815 = tpu.memref_slice %arg19[%dma_wait3A_808] : memref<2x!tpu.dma_semaphore, #tpu.memory_space<semaphore_mem>> -> memref<1x!tpu.dma_semaphore, #tpu.memory_space<semaphore_mem>>
      %dma_wait3A_816 = tpu.memref_squeeze %dma_wait3A_815 : memref<1x!tpu.dma_semaphore, #tpu.memory_space<semaphore_mem>> -> memref<!tpu.dma_semaphore, #tpu.memory_space<semaphore_mem>>
      %dma_wait3A_817 = arith.constant 0 : i32
      %dma_wait3A_818 = tpu.memref_slice %arg11[%mul3A_2, %dma_wait3A_817] : memref<100352x16xf32, #tpu.memory_space<hbm>> -> memref<224x16xf32, #tpu.memory_space<hbm>>
      %dma_wait3A_819 = arith.constant 0 : i32
      %dma_wait3A_820 = arith.constant 0 : i32
      %dma_wait3A_821 = tpu.memref_slice %arg15[%dma_wait3A_807, %dma_wait3A_819, %dma_wait3A_820] : memref<2x224x16xf32, #tpu.memory_space<vmem>> -> memref<1x224x16xf32, #tpu.memory_space<vmem>>
      %dma_wait3A_822 = tpu.memref_squeeze %dma_wait3A_821 : memref<1x224x16xf32, #tpu.memory_space<vmem>> -> memref<224x16xf32, #tpu.memory_space<vmem>>
      tpu.wait_dma2 semaphore(%dma_wait3A_816 : memref<!tpu.dma_semaphore, #tpu.memory_space<semaphore_mem>>) src(%dma_wait3A_822 : memref<224x16xf32, #tpu.memory_space<vmem>>) dst(%dma_wait3A_818 : memref<224x16xf32, #tpu.memory_space<hbm>>)
      %add3A_823 = arith.constant 2 : i32
      %add3A_824 = arith.addi %add3A_729, %add3A_823 : i32
      %mul3A_825 = arith.constant 224 : i32
      %mul3A_826 = arith.muli %add3A_824, %mul3A_825 : i32
      %dma_start3A_827 = arith.constant 0 : i32
      %dma_start3A_828 = arith.constant 0 : i32
      %dma_start3A_829 = arith.constant 0 : i32
      %dma_start3A_830 = arith.constant 0 : i32
      %dma_start3A_831 = tpu.memref_slice %arg14[%dma_start3A_827, %dma_start3A_829, %dma_start3A_830] : memref<2x224x128xf32, #tpu.memory_space<vmem>> -> memref<1x224x128xf32, #tpu.memory_space<vmem>>
      %dma_start3A_832 = tpu.memref_squeeze %dma_start3A_831 : memref<1x224x128xf32, #tpu.memory_space<vmem>> -> memref<224x128xf32, #tpu.memory_space<vmem>>
      %dma_start3A_833 = tpu.memref_slice %arg13[%mul3A_826] : memref<3136xi32, #tpu.memory_space<vmem>> -> memref<224xi32, #tpu.memory_space<vmem>>
      %dma_start3A_834 = arith.constant 0 : i32
      %dma_start3A_835 = arith.constant 0 : i32
      %dma_start3A_836 = tpu.memref_slice %arg2[%dma_start3A_834, %dma_start3A_835] : memref<100000x128xf32, #tpu.memory_space<hbm>> -> memref<100000x128xf32, #tpu.memory_space<hbm>>
      %dma_start3A_837 = tpu.memref_slice %arg16[%dma_start3A_828] : memref<2x!tpu.dma_semaphore, #tpu.memory_space<semaphore_mem>> -> memref<1x!tpu.dma_semaphore, #tpu.memory_space<semaphore_mem>>
      %dma_start3A_838 = tpu.memref_squeeze %dma_start3A_837 : memref<1x!tpu.dma_semaphore, #tpu.memory_space<semaphore_mem>> -> memref<!tpu.dma_semaphore, #tpu.memory_space<semaphore_mem>>
      tpu.enqueue_indirect_dma source(%dma_start3A_836 : memref<100000x128xf32, #tpu.memory_space<hbm>>) target(%dma_start3A_832 : memref<224x128xf32, #tpu.memory_space<vmem>>) offsets(%dma_start3A_833 : memref<224xi32, #tpu.memory_space<vmem>>) semaphore(%dma_start3A_838 : memref<!tpu.dma_semaphore, #tpu.memory_space<semaphore_mem>>)
      %dma_start3A_839 = arith.constant 0 : i32
      %dma_start3A_840 = arith.constant 0 : i32
      %dma_start3A_841 = arith.constant 0 : i32
      %dma_start3A_842 = arith.constant 0 : i32
      %dma_start3A_843 = tpu.memref_slice %arg15[%dma_start3A_839, %dma_start3A_841, %dma_start3A_842] : memref<2x224x16xf32, #tpu.memory_space<vmem>> -> memref<1x224x16xf32, #tpu.memory_space<vmem>>
      %dma_start3A_844 = tpu.memref_squeeze %dma_start3A_843 : memref<1x224x16xf32, #tpu.memory_space<vmem>> -> memref<224x16xf32, #tpu.memory_space<vmem>>
      %dma_start3A_845 = tpu.memref_slice %arg13[%mul3A_826] : memref<3136xi32, #tpu.memory_space<vmem>> -> memref<224xi32, #tpu.memory_space<vmem>>
      %dma_start3A_846 = arith.constant 0 : i32
      %dma_start3A_847 = arith.constant 0 : i32
      %dma_start3A_848 = tpu.memref_slice %arg3[%dma_start3A_846, %dma_start3A_847] : memref<100000x16xf32, #tpu.memory_space<hbm>> -> memref<100000x16xf32, #tpu.memory_space<hbm>>
      %dma_start3A_849 = tpu.memref_slice %arg17[%dma_start3A_840] : memref<2x!tpu.dma_semaphore, #tpu.memory_space<semaphore_mem>> -> memref<1x!tpu.dma_semaphore, #tpu.memory_space<semaphore_mem>>
      %dma_start3A_850 = tpu.memref_squeeze %dma_start3A_849 : memref<1x!tpu.dma_semaphore, #tpu.memory_space<semaphore_mem>> -> memref<!tpu.dma_semaphore, #tpu.memory_space<semaphore_mem>>
      tpu.enqueue_indirect_dma source(%dma_start3A_848 : memref<100000x16xf32, #tpu.memory_space<hbm>>) target(%dma_start3A_844 : memref<224x16xf32, #tpu.memory_space<vmem>>) offsets(%dma_start3A_845 : memref<224xi32, #tpu.memory_space<vmem>>) semaphore(%dma_start3A_850 : memref<!tpu.dma_semaphore, #tpu.memory_space<semaphore_mem>>)
      %add3A_851 = arith.constant 1 : i32
      %add3A_852 = arith.addi %add3A_727, %add3A_851 : i32
      %dma_wait3A_853 = arith.constant 1 : i32
      %dma_wait3A_854 = arith.constant 1 : i32
      %dma_wait3A_855 = arith.constant 0 : i32
      %dma_wait3A_856 = arith.constant 0 : i32
      %dma_wait3A_857 = tpu.memref_slice %arg14[%dma_wait3A_853, %dma_wait3A_855, %dma_wait3A_856] : memref<2x224x128xf32, #tpu.memory_space<vmem>> -> memref<1x224x128xf32, #tpu.memory_space<vmem>>
      %dma_wait3A_858 = tpu.memref_squeeze %dma_wait3A_857 : memref<1x224x128xf32, #tpu.memory_space<vmem>> -> memref<224x128xf32, #tpu.memory_space<vmem>>
      %dma_wait3A_859 = arith.constant 0 : i32
      %dma_wait3A_860 = tpu.memref_slice %arg13[%dma_wait3A_859] : memref<3136xi32, #tpu.memory_space<vmem>> -> memref<224xi32, #tpu.memory_space<vmem>>
      %dma_wait3A_861 = arith.constant 0 : i32
      %dma_wait3A_862 = arith.constant 0 : i32
      %dma_wait3A_863 = tpu.memref_slice %arg2[%dma_wait3A_861, %dma_wait3A_862] : memref<100000x128xf32, #tpu.memory_space<hbm>> -> memref<100000x128xf32, #tpu.memory_space<hbm>>
      %dma_wait3A_864 = tpu.memref_slice %arg16[%dma_wait3A_854] : memref<2x!tpu.dma_semaphore, #tpu.memory_space<semaphore_mem>> -> memref<1x!tpu.dma_semaphore, #tpu.memory_space<semaphore_mem>>
      %dma_wait3A_865 = tpu.memref_squeeze %dma_wait3A_864 : memref<1x!tpu.dma_semaphore, #tpu.memory_space<semaphore_mem>> -> memref<!tpu.dma_semaphore, #tpu.memory_space<semaphore_mem>>
      tpu.wait_indirect_dma semaphore(%dma_wait3A_865 : memref<!tpu.dma_semaphore, #tpu.memory_space<semaphore_mem>>) src(%dma_wait3A_863 : memref<100000x128xf32, #tpu.memory_space<hbm>>) dst(%dma_wait3A_858 : memref<224x128xf32, #tpu.memory_space<vmem>>)
      %dma_wait3A_866 = arith.constant 1 : i32
      %dma_wait3A_867 = arith.constant 1 : i32
      %dma_wait3A_868 = arith.constant 0 : i32
      %dma_wait3A_869 = arith.constant 0 : i32
      %dma_wait3A_870 = tpu.memref_slice %arg15[%dma_wait3A_866, %dma_wait3A_868, %dma_wait3A_869] : memref<2x224x16xf32, #tpu.memory_space<vmem>> -> memref<1x224x16xf32, #tpu.memory_space<vmem>>
      %dma_wait3A_871 = tpu.memref_squeeze %dma_wait3A_870 : memref<1x224x16xf32, #tpu.memory_space<vmem>> -> memref<224x16xf32, #tpu.memory_space<vmem>>
      %dma_wait3A_872 = arith.constant 0 : i32
      %dma_wait3A_873 = tpu.memref_slice %arg13[%dma_wait3A_872] : memref<3136xi32, #tpu.memory_space<vmem>> -> memref<224xi32, #tpu.memory_space<vmem>>
      %dma_wait3A_874 = arith.constant 0 : i32
      %dma_wait3A_875 = arith.constant 0 : i32
      %dma_wait3A_876 = tpu.memref_slice %arg3[%dma_wait3A_874, %dma_wait3A_875] : memref<100000x16xf32, #tpu.memory_space<hbm>> -> memref<100000x16xf32, #tpu.memory_space<hbm>>
      %dma_wait3A_877 = tpu.memref_slice %arg17[%dma_wait3A_867] : memref<2x!tpu.dma_semaphore, #tpu.memory_space<semaphore_mem>> -> memref<1x!tpu.dma_semaphore, #tpu.memory_space<semaphore_mem>>
      %dma_wait3A_878 = tpu.memref_squeeze %dma_wait3A_877 : memref<1x!tpu.dma_semaphore, #tpu.memory_space<semaphore_mem>> -> memref<!tpu.dma_semaphore, #tpu.memory_space<semaphore_mem>>
      tpu.wait_indirect_dma semaphore(%dma_wait3A_878 : memref<!tpu.dma_semaphore, #tpu.memory_space<semaphore_mem>>) src(%dma_wait3A_876 : memref<100000x16xf32, #tpu.memory_space<hbm>>) dst(%dma_wait3A_871 : memref<224x16xf32, #tpu.memory_space<vmem>>)
      %mul3A_879 = arith.constant 224 : i32
      %mul3A_880 = arith.muli %add3A_852, %mul3A_879 : i32
      %add3A_881 = arith.addi %mul3A_2, %mul3A_880 : i32
      %dma_start3A_882 = arith.constant 1 : i32
      %dma_start3A_883 = arith.constant 1 : i32
      %dma_start3A_884 = arith.constant 0 : i32
      %dma_start3A_885 = arith.constant 0 : i32
      %dma_start3A_886 = tpu.memref_slice %arg14[%dma_start3A_882, %dma_start3A_884, %dma_start3A_885] : memref<2x224x128xf32, #tpu.memory_space<vmem>> -> memref<1x224x128xf32, #tpu.memory_space<vmem>>
      %dma_start3A_887 = tpu.memref_squeeze %dma_start3A_886 : memref<1x224x128xf32, #tpu.memory_space<vmem>> -> memref<224x128xf32, #tpu.memory_space<vmem>>
      %dma_start3A_888 = arith.constant 0 : i32
      %dma_start3A_889 = tpu.memref_slice %arg8[%add3A_881, %dma_start3A_888] : memref<100352x128xf32, #tpu.memory_space<hbm>> -> memref<224x128xf32, #tpu.memory_space<hbm>>
      %dma_start3A_890 = tpu.memref_slice %arg18[%dma_start3A_883] : memref<2x!tpu.dma_semaphore, #tpu.memory_space<semaphore_mem>> -> memref<1x!tpu.dma_semaphore, #tpu.memory_space<semaphore_mem>>
      %dma_start3A_891 = tpu.memref_squeeze %dma_start3A_890 : memref<1x!tpu.dma_semaphore, #tpu.memory_space<semaphore_mem>> -> memref<!tpu.dma_semaphore, #tpu.memory_space<semaphore_mem>>
      %dma_start3A_892 = arith.constant 0 : i32
      %dma_start3A_893 = tpu.memref_slice %arg8[%add3A_881, %dma_start3A_892] : memref<100352x128xf32, #tpu.memory_space<hbm>> -> memref<224x128xf32, #tpu.memory_space<hbm>>
      %dma_start3A_894 = arith.constant 0 : i32
      %dma_start3A_895 = arith.constant 0 : i32
      %dma_start3A_896 = tpu.memref_slice %arg14[%dma_start3A_882, %dma_start3A_894, %dma_start3A_895] : memref<2x224x128xf32, #tpu.memory_space<vmem>> -> memref<1x224x128xf32, #tpu.memory_space<vmem>>
      %dma_start3A_897 = tpu.memref_squeeze %dma_start3A_896 : memref<1x224x128xf32, #tpu.memory_space<vmem>> -> memref<224x128xf32, #tpu.memory_space<vmem>>
      tpu.enqueue_dma source(%dma_start3A_897 : memref<224x128xf32, #tpu.memory_space<vmem>>) target(%dma_start3A_893 : memref<224x128xf32, #tpu.memory_space<hbm>>) target_semaphore(%dma_start3A_891 : memref<!tpu.dma_semaphore, #tpu.memory_space<semaphore_mem>>)
      %dma_start3A_898 = arith.constant 1 : i32
      %dma_start3A_899 = arith.constant 1 : i32
      %dma_start3A_900 = arith.constant 0 : i32
      %dma_start3A_901 = arith.constant 0 : i32
      %dma_start3A_902 = tpu.memref_slice %arg15[%dma_start3A_898, %dma_start3A_900, %dma_start3A_901] : memref<2x224x16xf32, #tpu.memory_space<vmem>> -> memref<1x224x16xf32, #tpu.memory_space<vmem>>
      %dma_start3A_903 = tpu.memref_squeeze %dma_start3A_902 : memref<1x224x16xf32, #tpu.memory_space<vmem>> -> memref<224x16xf32, #tpu.memory_space<vmem>>
      %dma_start3A_904 = arith.constant 0 : i32
      %dma_start3A_905 = tpu.memref_slice %arg11[%add3A_881, %dma_start3A_904] : memref<100352x16xf32, #tpu.memory_space<hbm>> -> memref<224x16xf32, #tpu.memory_space<hbm>>
      %dma_start3A_906 = tpu.memref_slice %arg19[%dma_start3A_899] : memref<2x!tpu.dma_semaphore, #tpu.memory_space<semaphore_mem>> -> memref<1x!tpu.dma_semaphore, #tpu.memory_space<semaphore_mem>>
      %dma_start3A_907 = tpu.memref_squeeze %dma_start3A_906 : memref<1x!tpu.dma_semaphore, #tpu.memory_space<semaphore_mem>> -> memref<!tpu.dma_semaphore, #tpu.memory_space<semaphore_mem>>
      %dma_start3A_908 = arith.constant 0 : i32
      %dma_start3A_909 = tpu.memref_slice %arg11[%add3A_881, %dma_start3A_908] : memref<100352x16xf32, #tpu.memory_space<hbm>> -> memref<224x16xf32, #tpu.memory_space<hbm>>
      %dma_start3A_910 = arith.constant 0 : i32
      %dma_start3A_911 = arith.constant 0 : i32
      %dma_start3A_912 = tpu.memref_slice %arg15[%dma_start3A_898, %dma_start3A_910, %dma_start3A_911] : memref<2x224x16xf32, #tpu.memory_space<vmem>> -> memref<1x224x16xf32, #tpu.memory_space<vmem>>
      %dma_start3A_913 = tpu.memref_squeeze %dma_start3A_912 : memref<1x224x16xf32, #tpu.memory_space<vmem>> -> memref<224x16xf32, #tpu.memory_space<vmem>>
      tpu.enqueue_dma source(%dma_start3A_913 : memref<224x16xf32, #tpu.memory_space<vmem>>) target(%dma_start3A_909 : memref<224x16xf32, #tpu.memory_space<hbm>>) target_semaphore(%dma_start3A_907 : memref<!tpu.dma_semaphore, #tpu.memory_space<semaphore_mem>>)
      %dma_wait3A_914 = arith.constant 1 : i32
      %dma_wait3A_915 = arith.constant 1 : i32
      %dma_wait3A_916 = arith.constant 0 : i32
      %dma_wait3A_917 = arith.constant 0 : i32
      %dma_wait3A_918 = tpu.memref_slice %arg14[%dma_wait3A_914, %dma_wait3A_916, %dma_wait3A_917] : memref<2x224x128xf32, #tpu.memory_space<vmem>> -> memref<1x224x128xf32, #tpu.memory_space<vmem>>
      %dma_wait3A_919 = tpu.memref_squeeze %dma_wait3A_918 : memref<1x224x128xf32, #tpu.memory_space<vmem>> -> memref<224x128xf32, #tpu.memory_space<vmem>>
      %dma_wait3A_920 = arith.constant 0 : i32
      %dma_wait3A_921 = tpu.memref_slice %arg8[%mul3A_2, %dma_wait3A_920] : memref<100352x128xf32, #tpu.memory_space<hbm>> -> memref<224x128xf32, #tpu.memory_space<hbm>>
      %dma_wait3A_922 = tpu.memref_slice %arg18[%dma_wait3A_915] : memref<2x!tpu.dma_semaphore, #tpu.memory_space<semaphore_mem>> -> memref<1x!tpu.dma_semaphore, #tpu.memory_space<semaphore_mem>>
      %dma_wait3A_923 = tpu.memref_squeeze %dma_wait3A_922 : memref<1x!tpu.dma_semaphore, #tpu.memory_space<semaphore_mem>> -> memref<!tpu.dma_semaphore, #tpu.memory_space<semaphore_mem>>
      %dma_wait3A_924 = arith.constant 0 : i32
      %dma_wait3A_925 = tpu.memref_slice %arg8[%mul3A_2, %dma_wait3A_924] : memref<100352x128xf32, #tpu.memory_space<hbm>> -> memref<224x128xf32, #tpu.memory_space<hbm>>
      %dma_wait3A_926 = arith.constant 0 : i32
      %dma_wait3A_927 = arith.constant 0 : i32
      %dma_wait3A_928 = tpu.memref_slice %arg14[%dma_wait3A_914, %dma_wait3A_926, %dma_wait3A_927] : memref<2x224x128xf32, #tpu.memory_space<vmem>> -> memref<1x224x128xf32, #tpu.memory_space<vmem>>
      %dma_wait3A_929 = tpu.memref_squeeze %dma_wait3A_928 : memref<1x224x128xf32, #tpu.memory_space<vmem>> -> memref<224x128xf32, #tpu.memory_space<vmem>>
      tpu.wait_dma2 semaphore(%dma_wait3A_923 : memref<!tpu.dma_semaphore, #tpu.memory_space<semaphore_mem>>) src(%dma_wait3A_929 : memref<224x128xf32, #tpu.memory_space<vmem>>) dst(%dma_wait3A_925 : memref<224x128xf32, #tpu.memory_space<hbm>>)
      %dma_wait3A_930 = arith.constant 1 : i32
      %dma_wait3A_931 = arith.constant 1 : i32
      %dma_wait3A_932 = arith.constant 0 : i32
      %dma_wait3A_933 = arith.constant 0 : i32
      %dma_wait3A_934 = tpu.memref_slice %arg15[%dma_wait3A_930, %dma_wait3A_932, %dma_wait3A_933] : memref<2x224x16xf32, #tpu.memory_space<vmem>> -> memref<1x224x16xf32, #tpu.memory_space<vmem>>
      %dma_wait3A_935 = tpu.memref_squeeze %dma_wait3A_934 : memref<1x224x16xf32, #tpu.memory_space<vmem>> -> memref<224x16xf32, #tpu.memory_space<vmem>>
      %dma_wait3A_936 = arith.constant 0 : i32
      %dma_wait3A_937 = tpu.memref_slice %arg11[%mul3A_2, %dma_wait3A_936] : memref<100352x16xf32, #tpu.memory_space<hbm>> -> memref<224x16xf32, #tpu.memory_space<hbm>>
      %dma_wait3A_938 = tpu.memref_slice %arg19[%dma_wait3A_931] : memref<2x!tpu.dma_semaphore, #tpu.memory_space<semaphore_mem>> -> memref<1x!tpu.dma_semaphore, #tpu.memory_space<semaphore_mem>>
      %dma_wait3A_939 = tpu.memref_squeeze %dma_wait3A_938 : memref<1x!tpu.dma_semaphore, #tpu.memory_space<semaphore_mem>> -> memref<!tpu.dma_semaphore, #tpu.memory_space<semaphore_mem>>
      %dma_wait3A_940 = arith.constant 0 : i32
      %dma_wait3A_941 = tpu.memref_slice %arg11[%mul3A_2, %dma_wait3A_940] : memref<100352x16xf32, #tpu.memory_space<hbm>> -> memref<224x16xf32, #tpu.memory_space<hbm>>
      %dma_wait3A_942 = arith.constant 0 : i32
      %dma_wait3A_943 = arith.constant 0 : i32
      %dma_wait3A_944 = tpu.memref_slice %arg15[%dma_wait3A_930, %dma_wait3A_942, %dma_wait3A_943] : memref<2x224x16xf32, #tpu.memory_space<vmem>> -> memref<1x224x16xf32, #tpu.memory_space<vmem>>
      %dma_wait3A_945 = tpu.memref_squeeze %dma_wait3A_944 : memref<1x224x16xf32, #tpu.memory_space<vmem>> -> memref<224x16xf32, #tpu.memory_space<vmem>>
      tpu.wait_dma2 semaphore(%dma_wait3A_939 : memref<!tpu.dma_semaphore, #tpu.memory_space<semaphore_mem>>) src(%dma_wait3A_945 : memref<224x16xf32, #tpu.memory_space<vmem>>) dst(%dma_wait3A_941 : memref<224x16xf32, #tpu.memory_space<hbm>>)
      %add3A_946 = arith.constant 2 : i32
      %add3A_947 = arith.addi %add3A_852, %add3A_946 : i32
      %mul3A_948 = arith.constant 224 : i32
      %mul3A_949 = arith.muli %add3A_947, %mul3A_948 : i32
      %dma_start3A_950 = arith.constant 1 : i32
      %dma_start3A_951 = arith.constant 1 : i32
      %dma_start3A_952 = arith.constant 0 : i32
      %dma_start3A_953 = arith.constant 0 : i32
      %dma_start3A_954 = tpu.memref_slice %arg14[%dma_start3A_950, %dma_start3A_952, %dma_start3A_953] : memref<2x224x128xf32, #tpu.memory_space<vmem>> -> memref<1x224x128xf32, #tpu.memory_space<vmem>>
      %dma_start3A_955 = tpu.memref_squeeze %dma_start3A_954 : memref<1x224x128xf32, #tpu.memory_space<vmem>> -> memref<224x128xf32, #tpu.memory_space<vmem>>
      %dma_start3A_956 = tpu.memref_slice %arg13[%mul3A_949] : memref<3136xi32, #tpu.memory_space<vmem>> -> memref<224xi32, #tpu.memory_space<vmem>>
      %dma_start3A_957 = arith.constant 0 : i32
      %dma_start3A_958 = arith.constant 0 : i32
      %dma_start3A_959 = tpu.memref_slice %arg2[%dma_start3A_957, %dma_start3A_958] : memref<100000x128xf32, #tpu.memory_space<hbm>> -> memref<100000x128xf32, #tpu.memory_space<hbm>>
      %dma_start3A_960 = tpu.memref_slice %arg16[%dma_start3A_951] : memref<2x!tpu.dma_semaphore, #tpu.memory_space<semaphore_mem>> -> memref<1x!tpu.dma_semaphore, #tpu.memory_space<semaphore_mem>>
      %dma_start3A_961 = tpu.memref_squeeze %dma_start3A_960 : memref<1x!tpu.dma_semaphore, #tpu.memory_space<semaphore_mem>> -> memref<!tpu.dma_semaphore, #tpu.memory_space<semaphore_mem>>
      tpu.enqueue_indirect_dma source(%dma_start3A_959 : memref<100000x128xf32, #tpu.memory_space<hbm>>) target(%dma_start3A_955 : memref<224x128xf32, #tpu.memory_space<vmem>>) offsets(%dma_start3A_956 : memref<224xi32, #tpu.memory_space<vmem>>) semaphore(%dma_start3A_961 : memref<!tpu.dma_semaphore, #tpu.memory_space<semaphore_mem>>)
      %dma_start3A_962 = arith.constant 1 : i32
      %dma_start3A_963 = arith.constant 1 : i32
      %dma_start3A_964 = arith.constant 0 : i32
      %dma_start3A_965 = arith.constant 0 : i32
      %dma_start3A_966 = tpu.memref_slice %arg15[%dma_start3A_962, %dma_start3A_964, %dma_start3A_965] : memref<2x224x16xf32, #tpu.memory_space<vmem>> -> memref<1x224x16xf32, #tpu.memory_space<vmem>>
      %dma_start3A_967 = tpu.memref_squeeze %dma_start3A_966 : memref<1x224x16xf32, #tpu.memory_space<vmem>> -> memref<224x16xf32, #tpu.memory_space<vmem>>
      %dma_start3A_968 = tpu.memref_slice %arg13[%mul3A_949] : memref<3136xi32, #tpu.memory_space<vmem>> -> memref<224xi32, #tpu.memory_space<vmem>>
      %dma_start3A_969 = arith.constant 0 : i32
      %dma_start3A_970 = arith.constant 0 : i32
      %dma_start3A_971 = tpu.memref_slice %arg3[%dma_start3A_969, %dma_start3A_970] : memref<100000x16xf32, #tpu.memory_space<hbm>> -> memref<100000x16xf32, #tpu.memory_space<hbm>>
      %dma_start3A_972 = tpu.memref_slice %arg17[%dma_start3A_963] : memref<2x!tpu.dma_semaphore, #tpu.memory_space<semaphore_mem>> -> memref<1x!tpu.dma_semaphore, #tpu.memory_space<semaphore_mem>>
      %dma_start3A_973 = tpu.memref_squeeze %dma_start3A_972 : memref<1x!tpu.dma_semaphore, #tpu.memory_space<semaphore_mem>> -> memref<!tpu.dma_semaphore, #tpu.memory_space<semaphore_mem>>
      tpu.enqueue_indirect_dma source(%dma_start3A_971 : memref<100000x16xf32, #tpu.memory_space<hbm>>) target(%dma_start3A_967 : memref<224x16xf32, #tpu.memory_space<vmem>>) offsets(%dma_start3A_968 : memref<224xi32, #tpu.memory_space<vmem>>) semaphore(%dma_start3A_973 : memref<!tpu.dma_semaphore, #tpu.memory_space<semaphore_mem>>)
    }
    %scan3A_297 = arith.constant 6 : i32
    %dma_wait3A_298 = arith.constant 0 : i32
    %dma_wait3A_299 = arith.constant 0 : i32
    %dma_wait3A_300 = arith.constant 0 : i32
    %dma_wait3A_301 = arith.constant 0 : i32
    %dma_wait3A_302 = tpu.memref_slice %arg14[%dma_wait3A_298, %dma_wait3A_300, %dma_wait3A_301] : memref<2x224x128xf32, #tpu.memory_space<vmem>> -> memref<1x224x128xf32, #tpu.memory_space<vmem>>
    %dma_wait3A_303 = tpu.memref_squeeze %dma_wait3A_302 : memref<1x224x128xf32, #tpu.memory_space<vmem>> -> memref<224x128xf32, #tpu.memory_space<vmem>>
    %dma_wait3A_304 = arith.constant 0 : i32
    %dma_wait3A_305 = tpu.memref_slice %arg13[%dma_wait3A_304] : memref<3136xi32, #tpu.memory_space<vmem>> -> memref<224xi32, #tpu.memory_space<vmem>>
    %dma_wait3A_306 = arith.constant 0 : i32
    %dma_wait3A_307 = arith.constant 0 : i32
    %dma_wait3A_308 = tpu.memref_slice %arg2[%dma_wait3A_306, %dma_wait3A_307] : memref<100000x128xf32, #tpu.memory_space<hbm>> -> memref<100000x128xf32, #tpu.memory_space<hbm>>
    %dma_wait3A_309 = tpu.memref_slice %arg16[%dma_wait3A_299] : memref<2x!tpu.dma_semaphore, #tpu.memory_space<semaphore_mem>> -> memref<1x!tpu.dma_semaphore, #tpu.memory_space<semaphore_mem>>
    %dma_wait3A_310 = tpu.memref_squeeze %dma_wait3A_309 : memref<1x!tpu.dma_semaphore, #tpu.memory_space<semaphore_mem>> -> memref<!tpu.dma_semaphore, #tpu.memory_space<semaphore_mem>>
    tpu.wait_indirect_dma semaphore(%dma_wait3A_310 : memref<!tpu.dma_semaphore, #tpu.memory_space<semaphore_mem>>) src(%dma_wait3A_308 : memref<100000x128xf32, #tpu.memory_space<hbm>>) dst(%dma_wait3A_303 : memref<224x128xf32, #tpu.memory_space<vmem>>)
    %dma_wait3A_311 = arith.constant 0 : i32
    %dma_wait3A_312 = arith.constant 0 : i32
    %dma_wait3A_313 = arith.constant 0 : i32
    %dma_wait3A_314 = arith.constant 0 : i32
    %dma_wait3A_315 = tpu.memref_slice %arg15[%dma_wait3A_311, %dma_wait3A_313, %dma_wait3A_314] : memref<2x224x16xf32, #tpu.memory_space<vmem>> -> memref<1x224x16xf32, #tpu.memory_space<vmem>>
    %dma_wait3A_316 = tpu.memref_squeeze %dma_wait3A_315 : memref<1x224x16xf32, #tpu.memory_space<vmem>> -> memref<224x16xf32, #tpu.memory_space<vmem>>
    %dma_wait3A_317 = arith.constant 0 : i32
    %dma_wait3A_318 = tpu.memref_slice %arg13[%dma_wait3A_317] : memref<3136xi32, #tpu.memory_space<vmem>> -> memref<224xi32, #tpu.memory_space<vmem>>
    %dma_wait3A_319 = arith.constant 0 : i32
    %dma_wait3A_320 = arith.constant 0 : i32
    %dma_wait3A_321 = tpu.memref_slice %arg3[%dma_wait3A_319, %dma_wait3A_320] : memref<100000x16xf32, #tpu.memory_space<hbm>> -> memref<100000x16xf32, #tpu.memory_space<hbm>>
    %dma_wait3A_322 = tpu.memref_slice %arg17[%dma_wait3A_312] : memref<2x!tpu.dma_semaphore, #tpu.memory_space<semaphore_mem>> -> memref<1x!tpu.dma_semaphore, #tpu.memory_space<semaphore_mem>>
    %dma_wait3A_323 = tpu.memref_squeeze %dma_wait3A_322 : memref<1x!tpu.dma_semaphore, #tpu.memory_space<semaphore_mem>> -> memref<!tpu.dma_semaphore, #tpu.memory_space<semaphore_mem>>
    tpu.wait_indirect_dma semaphore(%dma_wait3A_323 : memref<!tpu.dma_semaphore, #tpu.memory_space<semaphore_mem>>) src(%dma_wait3A_321 : memref<100000x16xf32, #tpu.memory_space<hbm>>) dst(%dma_wait3A_316 : memref<224x16xf32, #tpu.memory_space<vmem>>)
    %add3A_324 = arith.constant 2688 : i32
    %add3A_325 = arith.addi %mul3A_2, %add3A_324 : i32
    %dma_start3A_326 = arith.constant 0 : i32
    %dma_start3A_327 = arith.constant 0 : i32
    %dma_start3A_328 = arith.constant 0 : i32
    %dma_start3A_329 = arith.constant 0 : i32
    %dma_start3A_330 = tpu.memref_slice %arg14[%dma_start3A_326, %dma_start3A_328, %dma_start3A_329] : memref<2x224x128xf32, #tpu.memory_space<vmem>> -> memref<1x224x128xf32, #tpu.memory_space<vmem>>
    %dma_start3A_331 = tpu.memref_squeeze %dma_start3A_330 : memref<1x224x128xf32, #tpu.memory_space<vmem>> -> memref<224x128xf32, #tpu.memory_space<vmem>>
    %dma_start3A_332 = arith.constant 0 : i32
    %dma_start3A_333 = tpu.memref_slice %arg8[%add3A_325, %dma_start3A_332] : memref<100352x128xf32, #tpu.memory_space<hbm>> -> memref<224x128xf32, #tpu.memory_space<hbm>>
    %dma_start3A_334 = tpu.memref_slice %arg18[%dma_start3A_327] : memref<2x!tpu.dma_semaphore, #tpu.memory_space<semaphore_mem>> -> memref<1x!tpu.dma_semaphore, #tpu.memory_space<semaphore_mem>>
    %dma_start3A_335 = tpu.memref_squeeze %dma_start3A_334 : memref<1x!tpu.dma_semaphore, #tpu.memory_space<semaphore_mem>> -> memref<!tpu.dma_semaphore, #tpu.memory_space<semaphore_mem>>
    %dma_start3A_336 = arith.constant 0 : i32
    %dma_start3A_337 = tpu.memref_slice %arg8[%add3A_325, %dma_start3A_336] : memref<100352x128xf32, #tpu.memory_space<hbm>> -> memref<224x128xf32, #tpu.memory_space<hbm>>
    %dma_start3A_338 = arith.constant 0 : i32
    %dma_start3A_339 = arith.constant 0 : i32
    %dma_start3A_340 = tpu.memref_slice %arg14[%dma_start3A_326, %dma_start3A_338, %dma_start3A_339] : memref<2x224x128xf32, #tpu.memory_space<vmem>> -> memref<1x224x128xf32, #tpu.memory_space<vmem>>
    %dma_start3A_341 = tpu.memref_squeeze %dma_start3A_340 : memref<1x224x128xf32, #tpu.memory_space<vmem>> -> memref<224x128xf32, #tpu.memory_space<vmem>>
    tpu.enqueue_dma source(%dma_start3A_341 : memref<224x128xf32, #tpu.memory_space<vmem>>) target(%dma_start3A_337 : memref<224x128xf32, #tpu.memory_space<hbm>>) target_semaphore(%dma_start3A_335 : memref<!tpu.dma_semaphore, #tpu.memory_space<semaphore_mem>>)
    %dma_start3A_342 = arith.constant 0 : i32
    %dma_start3A_343 = arith.constant 0 : i32
    %dma_start3A_344 = arith.constant 0 : i32
    %dma_start3A_345 = arith.constant 0 : i32
    %dma_start3A_346 = tpu.memref_slice %arg15[%dma_start3A_342, %dma_start3A_344, %dma_start3A_345] : memref<2x224x16xf32, #tpu.memory_space<vmem>> -> memref<1x224x16xf32, #tpu.memory_space<vmem>>
    %dma_start3A_347 = tpu.memref_squeeze %dma_start3A_346 : memref<1x224x16xf32, #tpu.memory_space<vmem>> -> memref<224x16xf32, #tpu.memory_space<vmem>>
    %dma_start3A_348 = arith.constant 0 : i32
    %dma_start3A_349 = tpu.memref_slice %arg11[%add3A_325, %dma_start3A_348] : memref<100352x16xf32, #tpu.memory_space<hbm>> -> memref<224x16xf32, #tpu.memory_space<hbm>>
    %dma_start3A_350 = tpu.memref_slice %arg19[%dma_start3A_343] : memref<2x!tpu.dma_semaphore, #tpu.memory_space<semaphore_mem>> -> memref<1x!tpu.dma_semaphore, #tpu.memory_space<semaphore_mem>>
    %dma_start3A_351 = tpu.memref_squeeze %dma_start3A_350 : memref<1x!tpu.dma_semaphore, #tpu.memory_space<semaphore_mem>> -> memref<!tpu.dma_semaphore, #tpu.memory_space<semaphore_mem>>
    %dma_start3A_352 = arith.constant 0 : i32
    %dma_start3A_353 = tpu.memref_slice %arg11[%add3A_325, %dma_start3A_352] : memref<100352x16xf32, #tpu.memory_space<hbm>> -> memref<224x16xf32, #tpu.memory_space<hbm>>
    %dma_start3A_354 = arith.constant 0 : i32
    %dma_start3A_355 = arith.constant 0 : i32
    %dma_start3A_356 = tpu.memref_slice %arg15[%dma_start3A_342, %dma_start3A_354, %dma_start3A_355] : memref<2x224x16xf32, #tpu.memory_space<vmem>> -> memref<1x224x16xf32, #tpu.memory_space<vmem>>
    %dma_start3A_357 = tpu.memref_squeeze %dma_start3A_356 : memref<1x224x16xf32, #tpu.memory_space<vmem>> -> memref<224x16xf32, #tpu.memory_space<vmem>>
    tpu.enqueue_dma source(%dma_start3A_357 : memref<224x16xf32, #tpu.memory_space<vmem>>) target(%dma_start3A_353 : memref<224x16xf32, #tpu.memory_space<hbm>>) target_semaphore(%dma_start3A_351 : memref<!tpu.dma_semaphore, #tpu.memory_space<semaphore_mem>>)
    %dma_wait3A_358 = arith.constant 1 : i32
    %dma_wait3A_359 = arith.constant 1 : i32
    %dma_wait3A_360 = arith.constant 0 : i32
    %dma_wait3A_361 = arith.constant 0 : i32
    %dma_wait3A_362 = tpu.memref_slice %arg14[%dma_wait3A_358, %dma_wait3A_360, %dma_wait3A_361] : memref<2x224x128xf32, #tpu.memory_space<vmem>> -> memref<1x224x128xf32, #tpu.memory_space<vmem>>
    %dma_wait3A_363 = tpu.memref_squeeze %dma_wait3A_362 : memref<1x224x128xf32, #tpu.memory_space<vmem>> -> memref<224x128xf32, #tpu.memory_space<vmem>>
    %dma_wait3A_364 = arith.constant 0 : i32
    %dma_wait3A_365 = tpu.memref_slice %arg13[%dma_wait3A_364] : memref<3136xi32, #tpu.memory_space<vmem>> -> memref<224xi32, #tpu.memory_space<vmem>>
    %dma_wait3A_366 = arith.constant 0 : i32
    %dma_wait3A_367 = arith.constant 0 : i32
    %dma_wait3A_368 = tpu.memref_slice %arg2[%dma_wait3A_366, %dma_wait3A_367] : memref<100000x128xf32, #tpu.memory_space<hbm>> -> memref<100000x128xf32, #tpu.memory_space<hbm>>
    %dma_wait3A_369 = tpu.memref_slice %arg16[%dma_wait3A_359] : memref<2x!tpu.dma_semaphore, #tpu.memory_space<semaphore_mem>> -> memref<1x!tpu.dma_semaphore, #tpu.memory_space<semaphore_mem>>
    %dma_wait3A_370 = tpu.memref_squeeze %dma_wait3A_369 : memref<1x!tpu.dma_semaphore, #tpu.memory_space<semaphore_mem>> -> memref<!tpu.dma_semaphore, #tpu.memory_space<semaphore_mem>>
    tpu.wait_indirect_dma semaphore(%dma_wait3A_370 : memref<!tpu.dma_semaphore, #tpu.memory_space<semaphore_mem>>) src(%dma_wait3A_368 : memref<100000x128xf32, #tpu.memory_space<hbm>>) dst(%dma_wait3A_363 : memref<224x128xf32, #tpu.memory_space<vmem>>)
    %dma_wait3A_371 = arith.constant 1 : i32
    %dma_wait3A_372 = arith.constant 1 : i32
    %dma_wait3A_373 = arith.constant 0 : i32
    %dma_wait3A_374 = arith.constant 0 : i32
    %dma_wait3A_375 = tpu.memref_slice %arg15[%dma_wait3A_371, %dma_wait3A_373, %dma_wait3A_374] : memref<2x224x16xf32, #tpu.memory_space<vmem>> -> memref<1x224x16xf32, #tpu.memory_space<vmem>>
    %dma_wait3A_376 = tpu.memref_squeeze %dma_wait3A_375 : memref<1x224x16xf32, #tpu.memory_space<vmem>> -> memref<224x16xf32, #tpu.memory_space<vmem>>
    %dma_wait3A_377 = arith.constant 0 : i32
    %dma_wait3A_378 = tpu.memref_slice %arg13[%dma_wait3A_377] : memref<3136xi32, #tpu.memory_space<vmem>> -> memref<224xi32, #tpu.memory_space<vmem>>
    %dma_wait3A_379 = arith.constant 0 : i32
    %dma_wait3A_380 = arith.constant 0 : i32
    %dma_wait3A_381 = tpu.memref_slice %arg3[%dma_wait3A_379, %dma_wait3A_380] : memref<100000x16xf32, #tpu.memory_space<hbm>> -> memref<100000x16xf32, #tpu.memory_space<hbm>>
    %dma_wait3A_382 = tpu.memref_slice %arg17[%dma_wait3A_372] : memref<2x!tpu.dma_semaphore, #tpu.memory_space<semaphore_mem>> -> memref<1x!tpu.dma_semaphore, #tpu.memory_space<semaphore_mem>>
    %dma_wait3A_383 = tpu.memref_squeeze %dma_wait3A_382 : memref<1x!tpu.dma_semaphore, #tpu.memory_space<semaphore_mem>> -> memref<!tpu.dma_semaphore, #tpu.memory_space<semaphore_mem>>
    tpu.wait_indirect_dma semaphore(%dma_wait3A_383 : memref<!tpu.dma_semaphore, #tpu.memory_space<semaphore_mem>>) src(%dma_wait3A_381 : memref<100000x16xf32, #tpu.memory_space<hbm>>) dst(%dma_wait3A_376 : memref<224x16xf32, #tpu.memory_space<vmem>>)
    %add3A_384 = arith.constant 2912 : i32
    %add3A_385 = arith.addi %mul3A_2, %add3A_384 : i32
    %dma_start3A_386 = arith.constant 1 : i32
    %dma_start3A_387 = arith.constant 1 : i32
    %dma_start3A_388 = arith.constant 0 : i32
    %dma_start3A_389 = arith.constant 0 : i32
    %dma_start3A_390 = tpu.memref_slice %arg14[%dma_start3A_386, %dma_start3A_388, %dma_start3A_389] : memref<2x224x128xf32, #tpu.memory_space<vmem>> -> memref<1x224x128xf32, #tpu.memory_space<vmem>>
    %dma_start3A_391 = tpu.memref_squeeze %dma_start3A_390 : memref<1x224x128xf32, #tpu.memory_space<vmem>> -> memref<224x128xf32, #tpu.memory_space<vmem>>
    %dma_start3A_392 = arith.constant 0 : i32
    %dma_start3A_393 = tpu.memref_slice %arg8[%add3A_385, %dma_start3A_392] : memref<100352x128xf32, #tpu.memory_space<hbm>> -> memref<224x128xf32, #tpu.memory_space<hbm>>
    %dma_start3A_394 = tpu.memref_slice %arg18[%dma_start3A_387] : memref<2x!tpu.dma_semaphore, #tpu.memory_space<semaphore_mem>> -> memref<1x!tpu.dma_semaphore, #tpu.memory_space<semaphore_mem>>
    %dma_start3A_395 = tpu.memref_squeeze %dma_start3A_394 : memref<1x!tpu.dma_semaphore, #tpu.memory_space<semaphore_mem>> -> memref<!tpu.dma_semaphore, #tpu.memory_space<semaphore_mem>>
    %dma_start3A_396 = arith.constant 0 : i32
    %dma_start3A_397 = tpu.memref_slice %arg8[%add3A_385, %dma_start3A_396] : memref<100352x128xf32, #tpu.memory_space<hbm>> -> memref<224x128xf32, #tpu.memory_space<hbm>>
    %dma_start3A_398 = arith.constant 0 : i32
    %dma_start3A_399 = arith.constant 0 : i32
    %dma_start3A_400 = tpu.memref_slice %arg14[%dma_start3A_386, %dma_start3A_398, %dma_start3A_399] : memref<2x224x128xf32, #tpu.memory_space<vmem>> -> memref<1x224x128xf32, #tpu.memory_space<vmem>>
    %dma_start3A_401 = tpu.memref_squeeze %dma_start3A_400 : memref<1x224x128xf32, #tpu.memory_space<vmem>> -> memref<224x128xf32, #tpu.memory_space<vmem>>
    tpu.enqueue_dma source(%dma_start3A_401 : memref<224x128xf32, #tpu.memory_space<vmem>>) target(%dma_start3A_397 : memref<224x128xf32, #tpu.memory_space<hbm>>) target_semaphore(%dma_start3A_395 : memref<!tpu.dma_semaphore, #tpu.memory_space<semaphore_mem>>)
    %dma_start3A_402 = arith.constant 1 : i32
    %dma_start3A_403 = arith.constant 1 : i32
    %dma_start3A_404 = arith.constant 0 : i32
    %dma_start3A_405 = arith.constant 0 : i32
    %dma_start3A_406 = tpu.memref_slice %arg15[%dma_start3A_402, %dma_start3A_404, %dma_start3A_405] : memref<2x224x16xf32, #tpu.memory_space<vmem>> -> memref<1x224x16xf32, #tpu.memory_space<vmem>>
    %dma_start3A_407 = tpu.memref_squeeze %dma_start3A_406 : memref<1x224x16xf32, #tpu.memory_space<vmem>> -> memref<224x16xf32, #tpu.memory_space<vmem>>
    %dma_start3A_408 = arith.constant 0 : i32
    %dma_start3A_409 = tpu.memref_slice %arg11[%add3A_385, %dma_start3A_408] : memref<100352x16xf32, #tpu.memory_space<hbm>> -> memref<224x16xf32, #tpu.memory_space<hbm>>
    %dma_start3A_410 = tpu.memref_slice %arg19[%dma_start3A_403] : memref<2x!tpu.dma_semaphore, #tpu.memory_space<semaphore_mem>> -> memref<1x!tpu.dma_semaphore, #tpu.memory_space<semaphore_mem>>
    %dma_start3A_411 = tpu.memref_squeeze %dma_start3A_410 : memref<1x!tpu.dma_semaphore, #tpu.memory_space<semaphore_mem>> -> memref<!tpu.dma_semaphore, #tpu.memory_space<semaphore_mem>>
    %dma_start3A_412 = arith.constant 0 : i32
    %dma_start3A_413 = tpu.memref_slice %arg11[%add3A_385, %dma_start3A_412] : memref<100352x16xf32, #tpu.memory_space<hbm>> -> memref<224x16xf32, #tpu.memory_space<hbm>>
    %dma_start3A_414 = arith.constant 0 : i32
    %dma_start3A_415 = arith.constant 0 : i32
    %dma_start3A_416 = tpu.memref_slice %arg15[%dma_start3A_402, %dma_start3A_414, %dma_start3A_415] : memref<2x224x16xf32, #tpu.memory_space<vmem>> -> memref<1x224x16xf32, #tpu.memory_space<vmem>>
    %dma_start3A_417 = tpu.memref_squeeze %dma_start3A_416 : memref<1x224x16xf32, #tpu.memory_space<vmem>> -> memref<224x16xf32, #tpu.memory_space<vmem>>
    tpu.enqueue_dma source(%dma_start3A_417 : memref<224x16xf32, #tpu.memory_space<vmem>>) target(%dma_start3A_413 : memref<224x16xf32, #tpu.memory_space<hbm>>) target_semaphore(%dma_start3A_411 : memref<!tpu.dma_semaphore, #tpu.memory_space<semaphore_mem>>)
    "tpu.region"() ({
      %run_scoped3A = tpu.sem_alloc : memref<!tpu.dma_semaphore, #tpu.memory_space<semaphore_mem>>
      %dma_start3A_723 = tpu.memref_slice %arg6[%mul3A_2] : memref<100352xi32, #tpu.memory_space<hbm>> -> memref<3136xi32, #tpu.memory_space<hbm>>
      %dma_start3A_724 = tpu.memref_slice %arg6[%mul3A_2] : memref<100352xi32, #tpu.memory_space<hbm>> -> memref<3136xi32, #tpu.memory_space<hbm>>
      tpu.enqueue_dma source(%dma_start3A_724 : memref<3136xi32, #tpu.memory_space<hbm>>) target(%arg13 : memref<3136xi32, #tpu.memory_space<vmem>>) target_semaphore(%run_scoped3A : memref<!tpu.dma_semaphore, #tpu.memory_space<semaphore_mem>>)
      %dma_wait3A_725 = tpu.memref_slice %arg6[%mul3A_2] : memref<100352xi32, #tpu.memory_space<hbm>> -> memref<3136xi32, #tpu.memory_space<hbm>>
      %dma_wait3A_726 = tpu.memref_slice %arg6[%mul3A_2] : memref<100352xi32, #tpu.memory_space<hbm>> -> memref<3136xi32, #tpu.memory_space<hbm>>
      tpu.wait_dma2 semaphore(%run_scoped3A : memref<!tpu.dma_semaphore, #tpu.memory_space<semaphore_mem>>) src(%dma_wait3A_726 : memref<3136xi32, #tpu.memory_space<hbm>>) dst(%arg13 : memref<3136xi32, #tpu.memory_space<vmem>>)
      tpu.yield
    }) : () -> ()
    %dma_wait3A_418 = arith.constant 0 : i32
    %dma_wait3A_419 = arith.constant 0 : i32
    %dma_wait3A_420 = arith.constant 0 : i32
    %dma_wait3A_421 = arith.constant 0 : i32
    %dma_wait3A_422 = tpu.memref_slice %arg14[%dma_wait3A_418, %dma_wait3A_420, %dma_wait3A_421] : memref<2x224x128xf32, #tpu.memory_space<vmem>> -> memref<1x224x128xf32, #tpu.memory_space<vmem>>
    %dma_wait3A_423 = tpu.memref_squeeze %dma_wait3A_422 : memref<1x224x128xf32, #tpu.memory_space<vmem>> -> memref<224x128xf32, #tpu.memory_space<vmem>>
    %dma_wait3A_424 = arith.constant 0 : i32
    %dma_wait3A_425 = tpu.memref_slice %arg8[%mul3A_2, %dma_wait3A_424] : memref<100352x128xf32, #tpu.memory_space<hbm>> -> memref<224x128xf32, #tpu.memory_space<hbm>>
    %dma_wait3A_426 = tpu.memref_slice %arg18[%dma_wait3A_419] : memref<2x!tpu.dma_semaphore, #tpu.memory_space<semaphore_mem>> -> memref<1x!tpu.dma_semaphore, #tpu.memory_space<semaphore_mem>>
    %dma_wait3A_427 = tpu.memref_squeeze %dma_wait3A_426 : memref<1x!tpu.dma_semaphore, #tpu.memory_space<semaphore_mem>> -> memref<!tpu.dma_semaphore, #tpu.memory_space<semaphore_mem>>
    %dma_wait3A_428 = arith.constant 0 : i32
    %dma_wait3A_429 = tpu.memref_slice %arg8[%mul3A_2, %dma_wait3A_428] : memref<100352x128xf32, #tpu.memory_space<hbm>> -> memref<224x128xf32, #tpu.memory_space<hbm>>
    %dma_wait3A_430 = arith.constant 0 : i32
    %dma_wait3A_431 = arith.constant 0 : i32
    %dma_wait3A_432 = tpu.memref_slice %arg14[%dma_wait3A_418, %dma_wait3A_430, %dma_wait3A_431] : memref<2x224x128xf32, #tpu.memory_space<vmem>> -> memref<1x224x128xf32, #tpu.memory_space<vmem>>
    %dma_wait3A_433 = tpu.memref_squeeze %dma_wait3A_432 : memref<1x224x128xf32, #tpu.memory_space<vmem>> -> memref<224x128xf32, #tpu.memory_space<vmem>>
    tpu.wait_dma2 semaphore(%dma_wait3A_427 : memref<!tpu.dma_semaphore, #tpu.memory_space<semaphore_mem>>) src(%dma_wait3A_433 : memref<224x128xf32, #tpu.memory_space<vmem>>) dst(%dma_wait3A_429 : memref<224x128xf32, #tpu.memory_space<hbm>>)
    %dma_wait3A_434 = arith.constant 0 : i32
    %dma_wait3A_435 = arith.constant 0 : i32
    %dma_wait3A_436 = arith.constant 0 : i32
    %dma_wait3A_437 = arith.constant 0 : i32
    %dma_wait3A_438 = tpu.memref_slice %arg15[%dma_wait3A_434, %dma_wait3A_436, %dma_wait3A_437] : memref<2x224x16xf32, #tpu.memory_space<vmem>> -> memref<1x224x16xf32, #tpu.memory_space<vmem>>
    %dma_wait3A_439 = tpu.memref_squeeze %dma_wait3A_438 : memref<1x224x16xf32, #tpu.memory_space<vmem>> -> memref<224x16xf32, #tpu.memory_space<vmem>>
    %dma_wait3A_440 = arith.constant 0 : i32
    %dma_wait3A_441 = tpu.memref_slice %arg11[%mul3A_2, %dma_wait3A_440] : memref<100352x16xf32, #tpu.memory_space<hbm>> -> memref<224x16xf32, #tpu.memory_space<hbm>>
    %dma_wait3A_442 = tpu.memref_slice %arg19[%dma_wait3A_435] : memref<2x!tpu.dma_semaphore, #tpu.memory_space<semaphore_mem>> -> memref<1x!tpu.dma_semaphore, #tpu.memory_space<semaphore_mem>>
    %dma_wait3A_443 = tpu.memref_squeeze %dma_wait3A_442 : memref<1x!tpu.dma_semaphore, #tpu.memory_space<semaphore_mem>> -> memref<!tpu.dma_semaphore, #tpu.memory_space<semaphore_mem>>
    %dma_wait3A_444 = arith.constant 0 : i32
    %dma_wait3A_445 = tpu.memref_slice %arg11[%mul3A_2, %dma_wait3A_444] : memref<100352x16xf32, #tpu.memory_space<hbm>> -> memref<224x16xf32, #tpu.memory_space<hbm>>
    %dma_wait3A_446 = arith.constant 0 : i32
    %dma_wait3A_447 = arith.constant 0 : i32
    %dma_wait3A_448 = tpu.memref_slice %arg15[%dma_wait3A_434, %dma_wait3A_446, %dma_wait3A_447] : memref<2x224x16xf32, #tpu.memory_space<vmem>> -> memref<1x224x16xf32, #tpu.memory_space<vmem>>
    %dma_wait3A_449 = tpu.memref_squeeze %dma_wait3A_448 : memref<1x224x16xf32, #tpu.memory_space<vmem>> -> memref<224x16xf32, #tpu.memory_space<vmem>>
    tpu.wait_dma2 semaphore(%dma_wait3A_443 : memref<!tpu.dma_semaphore, #tpu.memory_space<semaphore_mem>>) src(%dma_wait3A_449 : memref<224x16xf32, #tpu.memory_space<vmem>>) dst(%dma_wait3A_445 : memref<224x16xf32, #tpu.memory_space<hbm>>)
    %dma_start3A_450 = arith.constant 0 : i32
    %dma_start3A_451 = arith.constant 0 : i32
    %dma_start3A_452 = arith.constant 0 : i32
    %dma_start3A_453 = arith.constant 0 : i32
    %dma_start3A_454 = tpu.memref_slice %arg14[%dma_start3A_450, %dma_start3A_452, %dma_start3A_453] : memref<2x224x128xf32, #tpu.memory_space<vmem>> -> memref<1x224x128xf32, #tpu.memory_space<vmem>>
    %dma_start3A_455 = tpu.memref_squeeze %dma_start3A_454 : memref<1x224x128xf32, #tpu.memory_space<vmem>> -> memref<224x128xf32, #tpu.memory_space<vmem>>
    %dma_start3A_456 = arith.constant 0 : i32
    %dma_start3A_457 = tpu.memref_slice %arg13[%dma_start3A_456] : memref<3136xi32, #tpu.memory_space<vmem>> -> memref<224xi32, #tpu.memory_space<vmem>>
    %dma_start3A_458 = arith.constant 0 : i32
    %dma_start3A_459 = arith.constant 0 : i32
    %dma_start3A_460 = tpu.memref_slice %arg2[%dma_start3A_458, %dma_start3A_459] : memref<100000x128xf32, #tpu.memory_space<hbm>> -> memref<100000x128xf32, #tpu.memory_space<hbm>>
    %dma_start3A_461 = tpu.memref_slice %arg16[%dma_start3A_451] : memref<2x!tpu.dma_semaphore, #tpu.memory_space<semaphore_mem>> -> memref<1x!tpu.dma_semaphore, #tpu.memory_space<semaphore_mem>>
    %dma_start3A_462 = tpu.memref_squeeze %dma_start3A_461 : memref<1x!tpu.dma_semaphore, #tpu.memory_space<semaphore_mem>> -> memref<!tpu.dma_semaphore, #tpu.memory_space<semaphore_mem>>
    tpu.enqueue_indirect_dma source(%dma_start3A_460 : memref<100000x128xf32, #tpu.memory_space<hbm>>) target(%dma_start3A_455 : memref<224x128xf32, #tpu.memory_space<vmem>>) offsets(%dma_start3A_457 : memref<224xi32, #tpu.memory_space<vmem>>) semaphore(%dma_start3A_462 : memref<!tpu.dma_semaphore, #tpu.memory_space<semaphore_mem>>)
    %dma_start3A_463 = arith.constant 0 : i32
    %dma_start3A_464 = arith.constant 0 : i32
    %dma_start3A_465 = arith.constant 0 : i32
    %dma_start3A_466 = arith.constant 0 : i32
    %dma_start3A_467 = tpu.memref_slice %arg15[%dma_start3A_463, %dma_start3A_465, %dma_start3A_466] : memref<2x224x16xf32, #tpu.memory_space<vmem>> -> memref<1x224x16xf32, #tpu.memory_space<vmem>>
    %dma_start3A_468 = tpu.memref_squeeze %dma_start3A_467 : memref<1x224x16xf32, #tpu.memory_space<vmem>> -> memref<224x16xf32, #tpu.memory_space<vmem>>
    %dma_start3A_469 = arith.constant 0 : i32
    %dma_start3A_470 = tpu.memref_slice %arg13[%dma_start3A_469] : memref<3136xi32, #tpu.memory_space<vmem>> -> memref<224xi32, #tpu.memory_space<vmem>>
    %dma_start3A_471 = arith.constant 0 : i32
    %dma_start3A_472 = arith.constant 0 : i32
    %dma_start3A_473 = tpu.memref_slice %arg3[%dma_start3A_471, %dma_start3A_472] : memref<100000x16xf32, #tpu.memory_space<hbm>> -> memref<100000x16xf32, #tpu.memory_space<hbm>>
    %dma_start3A_474 = tpu.memref_slice %arg17[%dma_start3A_464] : memref<2x!tpu.dma_semaphore, #tpu.memory_space<semaphore_mem>> -> memref<1x!tpu.dma_semaphore, #tpu.memory_space<semaphore_mem>>
    %dma_start3A_475 = tpu.memref_squeeze %dma_start3A_474 : memref<1x!tpu.dma_semaphore, #tpu.memory_space<semaphore_mem>> -> memref<!tpu.dma_semaphore, #tpu.memory_space<semaphore_mem>>
    tpu.enqueue_indirect_dma source(%dma_start3A_473 : memref<100000x16xf32, #tpu.memory_space<hbm>>) target(%dma_start3A_468 : memref<224x16xf32, #tpu.memory_space<vmem>>) offsets(%dma_start3A_470 : memref<224xi32, #tpu.memory_space<vmem>>) semaphore(%dma_start3A_475 : memref<!tpu.dma_semaphore, #tpu.memory_space<semaphore_mem>>)
    %dma_wait3A_476 = arith.constant 1 : i32
    %dma_wait3A_477 = arith.constant 1 : i32
    %dma_wait3A_478 = arith.constant 0 : i32
    %dma_wait3A_479 = arith.constant 0 : i32
    %dma_wait3A_480 = tpu.memref_slice %arg14[%dma_wait3A_476, %dma_wait3A_478, %dma_wait3A_479] : memref<2x224x128xf32, #tpu.memory_space<vmem>> -> memref<1x224x128xf32, #tpu.memory_space<vmem>>
    %dma_wait3A_481 = tpu.memref_squeeze %dma_wait3A_480 : memref<1x224x128xf32, #tpu.memory_space<vmem>> -> memref<224x128xf32, #tpu.memory_space<vmem>>
    %dma_wait3A_482 = arith.constant 0 : i32
    %dma_wait3A_483 = tpu.memref_slice %arg8[%mul3A_2, %dma_wait3A_482] : memref<100352x128xf32, #tpu.memory_space<hbm>> -> memref<224x128xf32, #tpu.memory_space<hbm>>
    %dma_wait3A_484 = tpu.memref_slice %arg18[%dma_wait3A_477] : memref<2x!tpu.dma_semaphore, #tpu.memory_space<semaphore_mem>> -> memref<1x!tpu.dma_semaphore, #tpu.memory_space<semaphore_mem>>
    %dma_wait3A_485 = tpu.memref_squeeze %dma_wait3A_484 : memref<1x!tpu.dma_semaphore, #tpu.memory_space<semaphore_mem>> -> memref<!tpu.dma_semaphore, #tpu.memory_space<semaphore_mem>>
    %dma_wait3A_486 = arith.constant 0 : i32
    %dma_wait3A_487 = tpu.memref_slice %arg8[%mul3A_2, %dma_wait3A_486] : memref<100352x128xf32, #tpu.memory_space<hbm>> -> memref<224x128xf32, #tpu.memory_space<hbm>>
    %dma_wait3A_488 = arith.constant 0 : i32
    %dma_wait3A_489 = arith.constant 0 : i32
    %dma_wait3A_490 = tpu.memref_slice %arg14[%dma_wait3A_476, %dma_wait3A_488, %dma_wait3A_489] : memref<2x224x128xf32, #tpu.memory_space<vmem>> -> memref<1x224x128xf32, #tpu.memory_space<vmem>>
    %dma_wait3A_491 = tpu.memref_squeeze %dma_wait3A_490 : memref<1x224x128xf32, #tpu.memory_space<vmem>> -> memref<224x128xf32, #tpu.memory_space<vmem>>
    tpu.wait_dma2 semaphore(%dma_wait3A_485 : memref<!tpu.dma_semaphore, #tpu.memory_space<semaphore_mem>>) src(%dma_wait3A_491 : memref<224x128xf32, #tpu.memory_space<vmem>>) dst(%dma_wait3A_487 : memref<224x128xf32, #tpu.memory_space<hbm>>)
    %dma_wait3A_492 = arith.constant 1 : i32
    %dma_wait3A_493 = arith.constant 1 : i32
    %dma_wait3A_494 = arith.constant 0 : i32
    %dma_wait3A_495 = arith.constant 0 : i32
    %dma_wait3A_496 = tpu.memref_slice %arg15[%dma_wait3A_492, %dma_wait3A_494, %dma_wait3A_495] : memref<2x224x16xf32, #tpu.memory_space<vmem>> -> memref<1x224x16xf32, #tpu.memory_space<vmem>>
    %dma_wait3A_497 = tpu.memref_squeeze %dma_wait3A_496 : memref<1x224x16xf32, #tpu.memory_space<vmem>> -> memref<224x16xf32, #tpu.memory_space<vmem>>
    %dma_wait3A_498 = arith.constant 0 : i32
    %dma_wait3A_499 = tpu.memref_slice %arg11[%mul3A_2, %dma_wait3A_498] : memref<100352x16xf32, #tpu.memory_space<hbm>> -> memref<224x16xf32, #tpu.memory_space<hbm>>
    %dma_wait3A_500 = tpu.memref_slice %arg19[%dma_wait3A_493] : memref<2x!tpu.dma_semaphore, #tpu.memory_space<semaphore_mem>> -> memref<1x!tpu.dma_semaphore, #tpu.memory_space<semaphore_mem>>
    %dma_wait3A_501 = tpu.memref_squeeze %dma_wait3A_500 : memref<1x!tpu.dma_semaphore, #tpu.memory_space<semaphore_mem>> -> memref<!tpu.dma_semaphore, #tpu.memory_space<semaphore_mem>>
    %dma_wait3A_502 = arith.constant 0 : i32
    %dma_wait3A_503 = tpu.memref_slice %arg11[%mul3A_2, %dma_wait3A_502] : memref<100352x16xf32, #tpu.memory_space<hbm>> -> memref<224x16xf32, #tpu.memory_space<hbm>>
    %dma_wait3A_504 = arith.constant 0 : i32
    %dma_wait3A_505 = arith.constant 0 : i32
    %dma_wait3A_506 = tpu.memref_slice %arg15[%dma_wait3A_492, %dma_wait3A_504, %dma_wait3A_505] : memref<2x224x16xf32, #tpu.memory_space<vmem>> -> memref<1x224x16xf32, #tpu.memory_space<vmem>>
    %dma_wait3A_507 = tpu.memref_squeeze %dma_wait3A_506 : memref<1x224x16xf32, #tpu.memory_space<vmem>> -> memref<224x16xf32, #tpu.memory_space<vmem>>
    tpu.wait_dma2 semaphore(%dma_wait3A_501 : memref<!tpu.dma_semaphore, #tpu.memory_space<semaphore_mem>>) src(%dma_wait3A_507 : memref<224x16xf32, #tpu.memory_space<vmem>>) dst(%dma_wait3A_503 : memref<224x16xf32, #tpu.memory_space<hbm>>)
    %dma_start3A_508 = arith.constant 1 : i32
    %dma_start3A_509 = arith.constant 1 : i32
    %dma_start3A_510 = arith.constant 0 : i32
    %dma_start3A_511 = arith.constant 0 : i32
    %dma_start3A_512 = tpu.memref_slice %arg14[%dma_start3A_508, %dma_start3A_510, %dma_start3A_511] : memref<2x224x128xf32, #tpu.memory_space<vmem>> -> memref<1x224x128xf32, #tpu.memory_space<vmem>>
    %dma_start3A_513 = tpu.memref_squeeze %dma_start3A_512 : memref<1x224x128xf32, #tpu.memory_space<vmem>> -> memref<224x128xf32, #tpu.memory_space<vmem>>
    %dma_start3A_514 = arith.constant 224 : i32
    %dma_start3A_515 = tpu.memref_slice %arg13[%dma_start3A_514] : memref<3136xi32, #tpu.memory_space<vmem>> -> memref<224xi32, #tpu.memory_space<vmem>>
    %dma_start3A_516 = arith.constant 0 : i32
    %dma_start3A_517 = arith.constant 0 : i32
    %dma_start3A_518 = tpu.memref_slice %arg2[%dma_start3A_516, %dma_start3A_517] : memref<100000x128xf32, #tpu.memory_space<hbm>> -> memref<100000x128xf32, #tpu.memory_space<hbm>>
    %dma_start3A_519 = tpu.memref_slice %arg16[%dma_start3A_509] : memref<2x!tpu.dma_semaphore, #tpu.memory_space<semaphore_mem>> -> memref<1x!tpu.dma_semaphore, #tpu.memory_space<semaphore_mem>>
    %dma_start3A_520 = tpu.memref_squeeze %dma_start3A_519 : memref<1x!tpu.dma_semaphore, #tpu.memory_space<semaphore_mem>> -> memref<!tpu.dma_semaphore, #tpu.memory_space<semaphore_mem>>
    tpu.enqueue_indirect_dma source(%dma_start3A_518 : memref<100000x128xf32, #tpu.memory_space<hbm>>) target(%dma_start3A_513 : memref<224x128xf32, #tpu.memory_space<vmem>>) offsets(%dma_start3A_515 : memref<224xi32, #tpu.memory_space<vmem>>) semaphore(%dma_start3A_520 : memref<!tpu.dma_semaphore, #tpu.memory_space<semaphore_mem>>)
    %dma_start3A_521 = arith.constant 1 : i32
    %dma_start3A_522 = arith.constant 1 : i32
    %dma_start3A_523 = arith.constant 0 : i32
    %dma_start3A_524 = arith.constant 0 : i32
    %dma_start3A_525 = tpu.memref_slice %arg15[%dma_start3A_521, %dma_start3A_523, %dma_start3A_524] : memref<2x224x16xf32, #tpu.memory_space<vmem>> -> memref<1x224x16xf32, #tpu.memory_space<vmem>>
    %dma_start3A_526 = tpu.memref_squeeze %dma_start3A_525 : memref<1x224x16xf32, #tpu.memory_space<vmem>> -> memref<224x16xf32, #tpu.memory_space<vmem>>
    %dma_start3A_527 = arith.constant 224 : i32
    %dma_start3A_528 = tpu.memref_slice %arg13[%dma_start3A_527] : memref<3136xi32, #tpu.memory_space<vmem>> -> memref<224xi32, #tpu.memory_space<vmem>>
    %dma_start3A_529 = arith.constant 0 : i32
    %dma_start3A_530 = arith.constant 0 : i32
    %dma_start3A_531 = tpu.memref_slice %arg3[%dma_start3A_529, %dma_start3A_530] : memref<100000x16xf32, #tpu.memory_space<hbm>> -> memref<100000x16xf32, #tpu.memory_space<hbm>>
    %dma_start3A_532 = tpu.memref_slice %arg17[%dma_start3A_522] : memref<2x!tpu.dma_semaphore, #tpu.memory_space<semaphore_mem>> -> memref<1x!tpu.dma_semaphore, #tpu.memory_space<semaphore_mem>>
    %dma_start3A_533 = tpu.memref_squeeze %dma_start3A_532 : memref<1x!tpu.dma_semaphore, #tpu.memory_space<semaphore_mem>> -> memref<!tpu.dma_semaphore, #tpu.memory_space<semaphore_mem>>
    tpu.enqueue_indirect_dma source(%dma_start3A_531 : memref<100000x16xf32, #tpu.memory_space<hbm>>) target(%dma_start3A_526 : memref<224x16xf32, #tpu.memory_space<vmem>>) offsets(%dma_start3A_528 : memref<224xi32, #tpu.memory_space<vmem>>) semaphore(%dma_start3A_533 : memref<!tpu.dma_semaphore, #tpu.memory_space<semaphore_mem>>)
    %scan3A_534 = arith.constant 0 : i32
    %scan3A_535 = arith.constant 6 : i32
    %scan3A_536 = arith.addi %scan3A_534, %scan3A_535 : i32
    %scan3A_537 = arith.constant 1 : i32
    scf.for %scan3A_723 = %scan3A_534 to %scan3A_536 step %scan3A_537  : i32 {
      %mul3A_724 = arith.constant 2 : i32
      %mul3A_725 = arith.muli %scan3A_723, %mul3A_724 : i32
      %add3A_726 = arith.constant 0 : i32
      %add3A_727 = arith.addi %add3A_726, %mul3A_725 : i32
      %add3A_728 = arith.constant 0 : i32
      %add3A_729 = arith.addi %add3A_727, %add3A_728 : i32
      %dma_wait3A_730 = arith.constant 0 : i32
      %dma_wait3A_731 = arith.constant 0 : i32
      %dma_wait3A_732 = arith.constant 0 : i32
      %dma_wait3A_733 = arith.constant 0 : i32
      %dma_wait3A_734 = tpu.memref_slice %arg14[%dma_wait3A_730, %dma_wait3A_732, %dma_wait3A_733] : memref<2x224x128xf32, #tpu.memory_space<vmem>> -> memref<1x224x128xf32, #tpu.memory_space<vmem>>
      %dma_wait3A_735 = tpu.memref_squeeze %dma_wait3A_734 : memref<1x224x128xf32, #tpu.memory_space<vmem>> -> memref<224x128xf32, #tpu.memory_space<vmem>>
      %dma_wait3A_736 = arith.constant 0 : i32
      %dma_wait3A_737 = tpu.memref_slice %arg13[%dma_wait3A_736] : memref<3136xi32, #tpu.memory_space<vmem>> -> memref<224xi32, #tpu.memory_space<vmem>>
      %dma_wait3A_738 = arith.constant 0 : i32
      %dma_wait3A_739 = arith.constant 0 : i32
      %dma_wait3A_740 = tpu.memref_slice %arg2[%dma_wait3A_738, %dma_wait3A_739] : memref<100000x128xf32, #tpu.memory_space<hbm>> -> memref<100000x128xf32, #tpu.memory_space<hbm>>
      %dma_wait3A_741 = tpu.memref_slice %arg16[%dma_wait3A_731] : memref<2x!tpu.dma_semaphore, #tpu.memory_space<semaphore_mem>> -> memref<1x!tpu.dma_semaphore, #tpu.memory_space<semaphore_mem>>
      %dma_wait3A_742 = tpu.memref_squeeze %dma_wait3A_741 : memref<1x!tpu.dma_semaphore, #tpu.memory_space<semaphore_mem>> -> memref<!tpu.dma_semaphore, #tpu.memory_space<semaphore_mem>>
      tpu.wait_indirect_dma semaphore(%dma_wait3A_742 : memref<!tpu.dma_semaphore, #tpu.memory_space<semaphore_mem>>) src(%dma_wait3A_740 : memref<100000x128xf32, #tpu.memory_space<hbm>>) dst(%dma_wait3A_735 : memref<224x128xf32, #tpu.memory_space<vmem>>)
      %dma_wait3A_743 = arith.constant 0 : i32
      %dma_wait3A_744 = arith.constant 0 : i32
      %dma_wait3A_745 = arith.constant 0 : i32
      %dma_wait3A_746 = arith.constant 0 : i32
      %dma_wait3A_747 = tpu.memref_slice %arg15[%dma_wait3A_743, %dma_wait3A_745, %dma_wait3A_746] : memref<2x224x16xf32, #tpu.memory_space<vmem>> -> memref<1x224x16xf32, #tpu.memory_space<vmem>>
      %dma_wait3A_748 = tpu.memref_squeeze %dma_wait3A_747 : memref<1x224x16xf32, #tpu.memory_space<vmem>> -> memref<224x16xf32, #tpu.memory_space<vmem>>
      %dma_wait3A_749 = arith.constant 0 : i32
      %dma_wait3A_750 = tpu.memref_slice %arg13[%dma_wait3A_749] : memref<3136xi32, #tpu.memory_space<vmem>> -> memref<224xi32, #tpu.memory_space<vmem>>
      %dma_wait3A_751 = arith.constant 0 : i32
      %dma_wait3A_752 = arith.constant 0 : i32
      %dma_wait3A_753 = tpu.memref_slice %arg3[%dma_wait3A_751, %dma_wait3A_752] : memref<100000x16xf32, #tpu.memory_space<hbm>> -> memref<100000x16xf32, #tpu.memory_space<hbm>>
      %dma_wait3A_754 = tpu.memref_slice %arg17[%dma_wait3A_744] : memref<2x!tpu.dma_semaphore, #tpu.memory_space<semaphore_mem>> -> memref<1x!tpu.dma_semaphore, #tpu.memory_space<semaphore_mem>>
      %dma_wait3A_755 = tpu.memref_squeeze %dma_wait3A_754 : memref<1x!tpu.dma_semaphore, #tpu.memory_space<semaphore_mem>> -> memref<!tpu.dma_semaphore, #tpu.memory_space<semaphore_mem>>
      tpu.wait_indirect_dma semaphore(%dma_wait3A_755 : memref<!tpu.dma_semaphore, #tpu.memory_space<semaphore_mem>>) src(%dma_wait3A_753 : memref<100000x16xf32, #tpu.memory_space<hbm>>) dst(%dma_wait3A_748 : memref<224x16xf32, #tpu.memory_space<vmem>>)
      %mul3A_756 = arith.constant 224 : i32
      %mul3A_757 = arith.muli %add3A_729, %mul3A_756 : i32
      %add3A_758 = arith.addi %mul3A_2, %mul3A_757 : i32
      %dma_start3A_759 = arith.constant 0 : i32
      %dma_start3A_760 = arith.constant 0 : i32
      %dma_start3A_761 = arith.constant 0 : i32
      %dma_start3A_762 = arith.constant 0 : i32
      %dma_start3A_763 = tpu.memref_slice %arg14[%dma_start3A_759, %dma_start3A_761, %dma_start3A_762] : memref<2x224x128xf32, #tpu.memory_space<vmem>> -> memref<1x224x128xf32, #tpu.memory_space<vmem>>
      %dma_start3A_764 = tpu.memref_squeeze %dma_start3A_763 : memref<1x224x128xf32, #tpu.memory_space<vmem>> -> memref<224x128xf32, #tpu.memory_space<vmem>>
      %dma_start3A_765 = arith.constant 0 : i32
      %dma_start3A_766 = tpu.memref_slice %arg9[%add3A_758, %dma_start3A_765] : memref<100352x128xf32, #tpu.memory_space<hbm>> -> memref<224x128xf32, #tpu.memory_space<hbm>>
      %dma_start3A_767 = tpu.memref_slice %arg18[%dma_start3A_760] : memref<2x!tpu.dma_semaphore, #tpu.memory_space<semaphore_mem>> -> memref<1x!tpu.dma_semaphore, #tpu.memory_space<semaphore_mem>>
      %dma_start3A_768 = tpu.memref_squeeze %dma_start3A_767 : memref<1x!tpu.dma_semaphore, #tpu.memory_space<semaphore_mem>> -> memref<!tpu.dma_semaphore, #tpu.memory_space<semaphore_mem>>
      %dma_start3A_769 = arith.constant 0 : i32
      %dma_start3A_770 = tpu.memref_slice %arg9[%add3A_758, %dma_start3A_769] : memref<100352x128xf32, #tpu.memory_space<hbm>> -> memref<224x128xf32, #tpu.memory_space<hbm>>
      %dma_start3A_771 = arith.constant 0 : i32
      %dma_start3A_772 = arith.constant 0 : i32
      %dma_start3A_773 = tpu.memref_slice %arg14[%dma_start3A_759, %dma_start3A_771, %dma_start3A_772] : memref<2x224x128xf32, #tpu.memory_space<vmem>> -> memref<1x224x128xf32, #tpu.memory_space<vmem>>
      %dma_start3A_774 = tpu.memref_squeeze %dma_start3A_773 : memref<1x224x128xf32, #tpu.memory_space<vmem>> -> memref<224x128xf32, #tpu.memory_space<vmem>>
      tpu.enqueue_dma source(%dma_start3A_774 : memref<224x128xf32, #tpu.memory_space<vmem>>) target(%dma_start3A_770 : memref<224x128xf32, #tpu.memory_space<hbm>>) target_semaphore(%dma_start3A_768 : memref<!tpu.dma_semaphore, #tpu.memory_space<semaphore_mem>>)
      %dma_start3A_775 = arith.constant 0 : i32
      %dma_start3A_776 = arith.constant 0 : i32
      %dma_start3A_777 = arith.constant 0 : i32
      %dma_start3A_778 = arith.constant 0 : i32
      %dma_start3A_779 = tpu.memref_slice %arg15[%dma_start3A_775, %dma_start3A_777, %dma_start3A_778] : memref<2x224x16xf32, #tpu.memory_space<vmem>> -> memref<1x224x16xf32, #tpu.memory_space<vmem>>
      %dma_start3A_780 = tpu.memref_squeeze %dma_start3A_779 : memref<1x224x16xf32, #tpu.memory_space<vmem>> -> memref<224x16xf32, #tpu.memory_space<vmem>>
      %dma_start3A_781 = arith.constant 0 : i32
      %dma_start3A_782 = tpu.memref_slice %arg12[%add3A_758, %dma_start3A_781] : memref<100352x16xf32, #tpu.memory_space<hbm>> -> memref<224x16xf32, #tpu.memory_space<hbm>>
      %dma_start3A_783 = tpu.memref_slice %arg19[%dma_start3A_776] : memref<2x!tpu.dma_semaphore, #tpu.memory_space<semaphore_mem>> -> memref<1x!tpu.dma_semaphore, #tpu.memory_space<semaphore_mem>>
      %dma_start3A_784 = tpu.memref_squeeze %dma_start3A_783 : memref<1x!tpu.dma_semaphore, #tpu.memory_space<semaphore_mem>> -> memref<!tpu.dma_semaphore, #tpu.memory_space<semaphore_mem>>
      %dma_start3A_785 = arith.constant 0 : i32
      %dma_start3A_786 = tpu.memref_slice %arg12[%add3A_758, %dma_start3A_785] : memref<100352x16xf32, #tpu.memory_space<hbm>> -> memref<224x16xf32, #tpu.memory_space<hbm>>
      %dma_start3A_787 = arith.constant 0 : i32
      %dma_start3A_788 = arith.constant 0 : i32
      %dma_start3A_789 = tpu.memref_slice %arg15[%dma_start3A_775, %dma_start3A_787, %dma_start3A_788] : memref<2x224x16xf32, #tpu.memory_space<vmem>> -> memref<1x224x16xf32, #tpu.memory_space<vmem>>
      %dma_start3A_790 = tpu.memref_squeeze %dma_start3A_789 : memref<1x224x16xf32, #tpu.memory_space<vmem>> -> memref<224x16xf32, #tpu.memory_space<vmem>>
      tpu.enqueue_dma source(%dma_start3A_790 : memref<224x16xf32, #tpu.memory_space<vmem>>) target(%dma_start3A_786 : memref<224x16xf32, #tpu.memory_space<hbm>>) target_semaphore(%dma_start3A_784 : memref<!tpu.dma_semaphore, #tpu.memory_space<semaphore_mem>>)
      %dma_wait3A_791 = arith.constant 0 : i32
      %dma_wait3A_792 = arith.constant 0 : i32
      %dma_wait3A_793 = arith.constant 0 : i32
      %dma_wait3A_794 = arith.constant 0 : i32
      %dma_wait3A_795 = tpu.memref_slice %arg14[%dma_wait3A_791, %dma_wait3A_793, %dma_wait3A_794] : memref<2x224x128xf32, #tpu.memory_space<vmem>> -> memref<1x224x128xf32, #tpu.memory_space<vmem>>
      %dma_wait3A_796 = tpu.memref_squeeze %dma_wait3A_795 : memref<1x224x128xf32, #tpu.memory_space<vmem>> -> memref<224x128xf32, #tpu.memory_space<vmem>>
      %dma_wait3A_797 = arith.constant 0 : i32
      %dma_wait3A_798 = tpu.memref_slice %arg9[%mul3A_2, %dma_wait3A_797] : memref<100352x128xf32, #tpu.memory_space<hbm>> -> memref<224x128xf32, #tpu.memory_space<hbm>>
      %dma_wait3A_799 = tpu.memref_slice %arg18[%dma_wait3A_792] : memref<2x!tpu.dma_semaphore, #tpu.memory_space<semaphore_mem>> -> memref<1x!tpu.dma_semaphore, #tpu.memory_space<semaphore_mem>>
      %dma_wait3A_800 = tpu.memref_squeeze %dma_wait3A_799 : memref<1x!tpu.dma_semaphore, #tpu.memory_space<semaphore_mem>> -> memref<!tpu.dma_semaphore, #tpu.memory_space<semaphore_mem>>
      %dma_wait3A_801 = arith.constant 0 : i32
      %dma_wait3A_802 = tpu.memref_slice %arg9[%mul3A_2, %dma_wait3A_801] : memref<100352x128xf32, #tpu.memory_space<hbm>> -> memref<224x128xf32, #tpu.memory_space<hbm>>
      %dma_wait3A_803 = arith.constant 0 : i32
      %dma_wait3A_804 = arith.constant 0 : i32
      %dma_wait3A_805 = tpu.memref_slice %arg14[%dma_wait3A_791, %dma_wait3A_803, %dma_wait3A_804] : memref<2x224x128xf32, #tpu.memory_space<vmem>> -> memref<1x224x128xf32, #tpu.memory_space<vmem>>
      %dma_wait3A_806 = tpu.memref_squeeze %dma_wait3A_805 : memref<1x224x128xf32, #tpu.memory_space<vmem>> -> memref<224x128xf32, #tpu.memory_space<vmem>>
      tpu.wait_dma2 semaphore(%dma_wait3A_800 : memref<!tpu.dma_semaphore, #tpu.memory_space<semaphore_mem>>) src(%dma_wait3A_806 : memref<224x128xf32, #tpu.memory_space<vmem>>) dst(%dma_wait3A_802 : memref<224x128xf32, #tpu.memory_space<hbm>>)
      %dma_wait3A_807 = arith.constant 0 : i32
      %dma_wait3A_808 = arith.constant 0 : i32
      %dma_wait3A_809 = arith.constant 0 : i32
      %dma_wait3A_810 = arith.constant 0 : i32
      %dma_wait3A_811 = tpu.memref_slice %arg15[%dma_wait3A_807, %dma_wait3A_809, %dma_wait3A_810] : memref<2x224x16xf32, #tpu.memory_space<vmem>> -> memref<1x224x16xf32, #tpu.memory_space<vmem>>
      %dma_wait3A_812 = tpu.memref_squeeze %dma_wait3A_811 : memref<1x224x16xf32, #tpu.memory_space<vmem>> -> memref<224x16xf32, #tpu.memory_space<vmem>>
      %dma_wait3A_813 = arith.constant 0 : i32
      %dma_wait3A_814 = tpu.memref_slice %arg12[%mul3A_2, %dma_wait3A_813] : memref<100352x16xf32, #tpu.memory_space<hbm>> -> memref<224x16xf32, #tpu.memory_space<hbm>>
      %dma_wait3A_815 = tpu.memref_slice %arg19[%dma_wait3A_808] : memref<2x!tpu.dma_semaphore, #tpu.memory_space<semaphore_mem>> -> memref<1x!tpu.dma_semaphore, #tpu.memory_space<semaphore_mem>>
      %dma_wait3A_816 = tpu.memref_squeeze %dma_wait3A_815 : memref<1x!tpu.dma_semaphore, #tpu.memory_space<semaphore_mem>> -> memref<!tpu.dma_semaphore, #tpu.memory_space<semaphore_mem>>
      %dma_wait3A_817 = arith.constant 0 : i32
      %dma_wait3A_818 = tpu.memref_slice %arg12[%mul3A_2, %dma_wait3A_817] : memref<100352x16xf32, #tpu.memory_space<hbm>> -> memref<224x16xf32, #tpu.memory_space<hbm>>
      %dma_wait3A_819 = arith.constant 0 : i32
      %dma_wait3A_820 = arith.constant 0 : i32
      %dma_wait3A_821 = tpu.memref_slice %arg15[%dma_wait3A_807, %dma_wait3A_819, %dma_wait3A_820] : memref<2x224x16xf32, #tpu.memory_space<vmem>> -> memref<1x224x16xf32, #tpu.memory_space<vmem>>
      %dma_wait3A_822 = tpu.memref_squeeze %dma_wait3A_821 : memref<1x224x16xf32, #tpu.memory_space<vmem>> -> memref<224x16xf32, #tpu.memory_space<vmem>>
      tpu.wait_dma2 semaphore(%dma_wait3A_816 : memref<!tpu.dma_semaphore, #tpu.memory_space<semaphore_mem>>) src(%dma_wait3A_822 : memref<224x16xf32, #tpu.memory_space<vmem>>) dst(%dma_wait3A_818 : memref<224x16xf32, #tpu.memory_space<hbm>>)
      %add3A_823 = arith.constant 2 : i32
      %add3A_824 = arith.addi %add3A_729, %add3A_823 : i32
      %mul3A_825 = arith.constant 224 : i32
      %mul3A_826 = arith.muli %add3A_824, %mul3A_825 : i32
      %dma_start3A_827 = arith.constant 0 : i32
      %dma_start3A_828 = arith.constant 0 : i32
      %dma_start3A_829 = arith.constant 0 : i32
      %dma_start3A_830 = arith.constant 0 : i32
      %dma_start3A_831 = tpu.memref_slice %arg14[%dma_start3A_827, %dma_start3A_829, %dma_start3A_830] : memref<2x224x128xf32, #tpu.memory_space<vmem>> -> memref<1x224x128xf32, #tpu.memory_space<vmem>>
      %dma_start3A_832 = tpu.memref_squeeze %dma_start3A_831 : memref<1x224x128xf32, #tpu.memory_space<vmem>> -> memref<224x128xf32, #tpu.memory_space<vmem>>
      %dma_start3A_833 = tpu.memref_slice %arg13[%mul3A_826] : memref<3136xi32, #tpu.memory_space<vmem>> -> memref<224xi32, #tpu.memory_space<vmem>>
      %dma_start3A_834 = arith.constant 0 : i32
      %dma_start3A_835 = arith.constant 0 : i32
      %dma_start3A_836 = tpu.memref_slice %arg2[%dma_start3A_834, %dma_start3A_835] : memref<100000x128xf32, #tpu.memory_space<hbm>> -> memref<100000x128xf32, #tpu.memory_space<hbm>>
      %dma_start3A_837 = tpu.memref_slice %arg16[%dma_start3A_828] : memref<2x!tpu.dma_semaphore, #tpu.memory_space<semaphore_mem>> -> memref<1x!tpu.dma_semaphore, #tpu.memory_space<semaphore_mem>>
      %dma_start3A_838 = tpu.memref_squeeze %dma_start3A_837 : memref<1x!tpu.dma_semaphore, #tpu.memory_space<semaphore_mem>> -> memref<!tpu.dma_semaphore, #tpu.memory_space<semaphore_mem>>
      tpu.enqueue_indirect_dma source(%dma_start3A_836 : memref<100000x128xf32, #tpu.memory_space<hbm>>) target(%dma_start3A_832 : memref<224x128xf32, #tpu.memory_space<vmem>>) offsets(%dma_start3A_833 : memref<224xi32, #tpu.memory_space<vmem>>) semaphore(%dma_start3A_838 : memref<!tpu.dma_semaphore, #tpu.memory_space<semaphore_mem>>)
      %dma_start3A_839 = arith.constant 0 : i32
      %dma_start3A_840 = arith.constant 0 : i32
      %dma_start3A_841 = arith.constant 0 : i32
      %dma_start3A_842 = arith.constant 0 : i32
      %dma_start3A_843 = tpu.memref_slice %arg15[%dma_start3A_839, %dma_start3A_841, %dma_start3A_842] : memref<2x224x16xf32, #tpu.memory_space<vmem>> -> memref<1x224x16xf32, #tpu.memory_space<vmem>>
      %dma_start3A_844 = tpu.memref_squeeze %dma_start3A_843 : memref<1x224x16xf32, #tpu.memory_space<vmem>> -> memref<224x16xf32, #tpu.memory_space<vmem>>
      %dma_start3A_845 = tpu.memref_slice %arg13[%mul3A_826] : memref<3136xi32, #tpu.memory_space<vmem>> -> memref<224xi32, #tpu.memory_space<vmem>>
      %dma_start3A_846 = arith.constant 0 : i32
      %dma_start3A_847 = arith.constant 0 : i32
      %dma_start3A_848 = tpu.memref_slice %arg3[%dma_start3A_846, %dma_start3A_847] : memref<100000x16xf32, #tpu.memory_space<hbm>> -> memref<100000x16xf32, #tpu.memory_space<hbm>>
      %dma_start3A_849 = tpu.memref_slice %arg17[%dma_start3A_840] : memref<2x!tpu.dma_semaphore, #tpu.memory_space<semaphore_mem>> -> memref<1x!tpu.dma_semaphore, #tpu.memory_space<semaphore_mem>>
      %dma_start3A_850 = tpu.memref_squeeze %dma_start3A_849 : memref<1x!tpu.dma_semaphore, #tpu.memory_space<semaphore_mem>> -> memref<!tpu.dma_semaphore, #tpu.memory_space<semaphore_mem>>
      tpu.enqueue_indirect_dma source(%dma_start3A_848 : memref<100000x16xf32, #tpu.memory_space<hbm>>) target(%dma_start3A_844 : memref<224x16xf32, #tpu.memory_space<vmem>>) offsets(%dma_start3A_845 : memref<224xi32, #tpu.memory_space<vmem>>) semaphore(%dma_start3A_850 : memref<!tpu.dma_semaphore, #tpu.memory_space<semaphore_mem>>)
      %add3A_851 = arith.constant 1 : i32
      %add3A_852 = arith.addi %add3A_727, %add3A_851 : i32
      %dma_wait3A_853 = arith.constant 1 : i32
      %dma_wait3A_854 = arith.constant 1 : i32
      %dma_wait3A_855 = arith.constant 0 : i32
      %dma_wait3A_856 = arith.constant 0 : i32
      %dma_wait3A_857 = tpu.memref_slice %arg14[%dma_wait3A_853, %dma_wait3A_855, %dma_wait3A_856] : memref<2x224x128xf32, #tpu.memory_space<vmem>> -> memref<1x224x128xf32, #tpu.memory_space<vmem>>
      %dma_wait3A_858 = tpu.memref_squeeze %dma_wait3A_857 : memref<1x224x128xf32, #tpu.memory_space<vmem>> -> memref<224x128xf32, #tpu.memory_space<vmem>>
      %dma_wait3A_859 = arith.constant 0 : i32
      %dma_wait3A_860 = tpu.memref_slice %arg13[%dma_wait3A_859] : memref<3136xi32, #tpu.memory_space<vmem>> -> memref<224xi32, #tpu.memory_space<vmem>>
      %dma_wait3A_861 = arith.constant 0 : i32
      %dma_wait3A_862 = arith.constant 0 : i32
      %dma_wait3A_863 = tpu.memref_slice %arg2[%dma_wait3A_861, %dma_wait3A_862] : memref<100000x128xf32, #tpu.memory_space<hbm>> -> memref<100000x128xf32, #tpu.memory_space<hbm>>
      %dma_wait3A_864 = tpu.memref_slice %arg16[%dma_wait3A_854] : memref<2x!tpu.dma_semaphore, #tpu.memory_space<semaphore_mem>> -> memref<1x!tpu.dma_semaphore, #tpu.memory_space<semaphore_mem>>
      %dma_wait3A_865 = tpu.memref_squeeze %dma_wait3A_864 : memref<1x!tpu.dma_semaphore, #tpu.memory_space<semaphore_mem>> -> memref<!tpu.dma_semaphore, #tpu.memory_space<semaphore_mem>>
      tpu.wait_indirect_dma semaphore(%dma_wait3A_865 : memref<!tpu.dma_semaphore, #tpu.memory_space<semaphore_mem>>) src(%dma_wait3A_863 : memref<100000x128xf32, #tpu.memory_space<hbm>>) dst(%dma_wait3A_858 : memref<224x128xf32, #tpu.memory_space<vmem>>)
      %dma_wait3A_866 = arith.constant 1 : i32
      %dma_wait3A_867 = arith.constant 1 : i32
      %dma_wait3A_868 = arith.constant 0 : i32
      %dma_wait3A_869 = arith.constant 0 : i32
      %dma_wait3A_870 = tpu.memref_slice %arg15[%dma_wait3A_866, %dma_wait3A_868, %dma_wait3A_869] : memref<2x224x16xf32, #tpu.memory_space<vmem>> -> memref<1x224x16xf32, #tpu.memory_space<vmem>>
      %dma_wait3A_871 = tpu.memref_squeeze %dma_wait3A_870 : memref<1x224x16xf32, #tpu.memory_space<vmem>> -> memref<224x16xf32, #tpu.memory_space<vmem>>
      %dma_wait3A_872 = arith.constant 0 : i32
      %dma_wait3A_873 = tpu.memref_slice %arg13[%dma_wait3A_872] : memref<3136xi32, #tpu.memory_space<vmem>> -> memref<224xi32, #tpu.memory_space<vmem>>
      %dma_wait3A_874 = arith.constant 0 : i32
      %dma_wait3A_875 = arith.constant 0 : i32
      %dma_wait3A_876 = tpu.memref_slice %arg3[%dma_wait3A_874, %dma_wait3A_875] : memref<100000x16xf32, #tpu.memory_space<hbm>> -> memref<100000x16xf32, #tpu.memory_space<hbm>>
      %dma_wait3A_877 = tpu.memref_slice %arg17[%dma_wait3A_867] : memref<2x!tpu.dma_semaphore, #tpu.memory_space<semaphore_mem>> -> memref<1x!tpu.dma_semaphore, #tpu.memory_space<semaphore_mem>>
      %dma_wait3A_878 = tpu.memref_squeeze %dma_wait3A_877 : memref<1x!tpu.dma_semaphore, #tpu.memory_space<semaphore_mem>> -> memref<!tpu.dma_semaphore, #tpu.memory_space<semaphore_mem>>
      tpu.wait_indirect_dma semaphore(%dma_wait3A_878 : memref<!tpu.dma_semaphore, #tpu.memory_space<semaphore_mem>>) src(%dma_wait3A_876 : memref<100000x16xf32, #tpu.memory_space<hbm>>) dst(%dma_wait3A_871 : memref<224x16xf32, #tpu.memory_space<vmem>>)
      %mul3A_879 = arith.constant 224 : i32
      %mul3A_880 = arith.muli %add3A_852, %mul3A_879 : i32
      %add3A_881 = arith.addi %mul3A_2, %mul3A_880 : i32
      %dma_start3A_882 = arith.constant 1 : i32
      %dma_start3A_883 = arith.constant 1 : i32
      %dma_start3A_884 = arith.constant 0 : i32
      %dma_start3A_885 = arith.constant 0 : i32
      %dma_start3A_886 = tpu.memref_slice %arg14[%dma_start3A_882, %dma_start3A_884, %dma_start3A_885] : memref<2x224x128xf32, #tpu.memory_space<vmem>> -> memref<1x224x128xf32, #tpu.memory_space<vmem>>
      %dma_start3A_887 = tpu.memref_squeeze %dma_start3A_886 : memref<1x224x128xf32, #tpu.memory_space<vmem>> -> memref<224x128xf32, #tpu.memory_space<vmem>>
      %dma_start3A_888 = arith.constant 0 : i32
      %dma_start3A_889 = tpu.memref_slice %arg9[%add3A_881, %dma_start3A_888] : memref<100352x128xf32, #tpu.memory_space<hbm>> -> memref<224x128xf32, #tpu.memory_space<hbm>>
      %dma_start3A_890 = tpu.memref_slice %arg18[%dma_start3A_883] : memref<2x!tpu.dma_semaphore, #tpu.memory_space<semaphore_mem>> -> memref<1x!tpu.dma_semaphore, #tpu.memory_space<semaphore_mem>>
      %dma_start3A_891 = tpu.memref_squeeze %dma_start3A_890 : memref<1x!tpu.dma_semaphore, #tpu.memory_space<semaphore_mem>> -> memref<!tpu.dma_semaphore, #tpu.memory_space<semaphore_mem>>
      %dma_start3A_892 = arith.constant 0 : i32
      %dma_start3A_893 = tpu.memref_slice %arg9[%add3A_881, %dma_start3A_892] : memref<100352x128xf32, #tpu.memory_space<hbm>> -> memref<224x128xf32, #tpu.memory_space<hbm>>
      %dma_start3A_894 = arith.constant 0 : i32
      %dma_start3A_895 = arith.constant 0 : i32
      %dma_start3A_896 = tpu.memref_slice %arg14[%dma_start3A_882, %dma_start3A_894, %dma_start3A_895] : memref<2x224x128xf32, #tpu.memory_space<vmem>> -> memref<1x224x128xf32, #tpu.memory_space<vmem>>
      %dma_start3A_897 = tpu.memref_squeeze %dma_start3A_896 : memref<1x224x128xf32, #tpu.memory_space<vmem>> -> memref<224x128xf32, #tpu.memory_space<vmem>>
      tpu.enqueue_dma source(%dma_start3A_897 : memref<224x128xf32, #tpu.memory_space<vmem>>) target(%dma_start3A_893 : memref<224x128xf32, #tpu.memory_space<hbm>>) target_semaphore(%dma_start3A_891 : memref<!tpu.dma_semaphore, #tpu.memory_space<semaphore_mem>>)
      %dma_start3A_898 = arith.constant 1 : i32
      %dma_start3A_899 = arith.constant 1 : i32
      %dma_start3A_900 = arith.constant 0 : i32
      %dma_start3A_901 = arith.constant 0 : i32
      %dma_start3A_902 = tpu.memref_slice %arg15[%dma_start3A_898, %dma_start3A_900, %dma_start3A_901] : memref<2x224x16xf32, #tpu.memory_space<vmem>> -> memref<1x224x16xf32, #tpu.memory_space<vmem>>
      %dma_start3A_903 = tpu.memref_squeeze %dma_start3A_902 : memref<1x224x16xf32, #tpu.memory_space<vmem>> -> memref<224x16xf32, #tpu.memory_space<vmem>>
      %dma_start3A_904 = arith.constant 0 : i32
      %dma_start3A_905 = tpu.memref_slice %arg12[%add3A_881, %dma_start3A_904] : memref<100352x16xf32, #tpu.memory_space<hbm>> -> memref<224x16xf32, #tpu.memory_space<hbm>>
      %dma_start3A_906 = tpu.memref_slice %arg19[%dma_start3A_899] : memref<2x!tpu.dma_semaphore, #tpu.memory_space<semaphore_mem>> -> memref<1x!tpu.dma_semaphore, #tpu.memory_space<semaphore_mem>>
      %dma_start3A_907 = tpu.memref_squeeze %dma_start3A_906 : memref<1x!tpu.dma_semaphore, #tpu.memory_space<semaphore_mem>> -> memref<!tpu.dma_semaphore, #tpu.memory_space<semaphore_mem>>
      %dma_start3A_908 = arith.constant 0 : i32
      %dma_start3A_909 = tpu.memref_slice %arg12[%add3A_881, %dma_start3A_908] : memref<100352x16xf32, #tpu.memory_space<hbm>> -> memref<224x16xf32, #tpu.memory_space<hbm>>
      %dma_start3A_910 = arith.constant 0 : i32
      %dma_start3A_911 = arith.constant 0 : i32
      %dma_start3A_912 = tpu.memref_slice %arg15[%dma_start3A_898, %dma_start3A_910, %dma_start3A_911] : memref<2x224x16xf32, #tpu.memory_space<vmem>> -> memref<1x224x16xf32, #tpu.memory_space<vmem>>
      %dma_start3A_913 = tpu.memref_squeeze %dma_start3A_912 : memref<1x224x16xf32, #tpu.memory_space<vmem>> -> memref<224x16xf32, #tpu.memory_space<vmem>>
      tpu.enqueue_dma source(%dma_start3A_913 : memref<224x16xf32, #tpu.memory_space<vmem>>) target(%dma_start3A_909 : memref<224x16xf32, #tpu.memory_space<hbm>>) target_semaphore(%dma_start3A_907 : memref<!tpu.dma_semaphore, #tpu.memory_space<semaphore_mem>>)
      %dma_wait3A_914 = arith.constant 1 : i32
      %dma_wait3A_915 = arith.constant 1 : i32
      %dma_wait3A_916 = arith.constant 0 : i32
      %dma_wait3A_917 = arith.constant 0 : i32
      %dma_wait3A_918 = tpu.memref_slice %arg14[%dma_wait3A_914, %dma_wait3A_916, %dma_wait3A_917] : memref<2x224x128xf32, #tpu.memory_space<vmem>> -> memref<1x224x128xf32, #tpu.memory_space<vmem>>
      %dma_wait3A_919 = tpu.memref_squeeze %dma_wait3A_918 : memref<1x224x128xf32, #tpu.memory_space<vmem>> -> memref<224x128xf32, #tpu.memory_space<vmem>>
      %dma_wait3A_920 = arith.constant 0 : i32
      %dma_wait3A_921 = tpu.memref_slice %arg9[%mul3A_2, %dma_wait3A_920] : memref<100352x128xf32, #tpu.memory_space<hbm>> -> memref<224x128xf32, #tpu.memory_space<hbm>>
      %dma_wait3A_922 = tpu.memref_slice %arg18[%dma_wait3A_915] : memref<2x!tpu.dma_semaphore, #tpu.memory_space<semaphore_mem>> -> memref<1x!tpu.dma_semaphore, #tpu.memory_space<semaphore_mem>>
      %dma_wait3A_923 = tpu.memref_squeeze %dma_wait3A_922 : memref<1x!tpu.dma_semaphore, #tpu.memory_space<semaphore_mem>> -> memref<!tpu.dma_semaphore, #tpu.memory_space<semaphore_mem>>
      %dma_wait3A_924 = arith.constant 0 : i32
      %dma_wait3A_925 = tpu.memref_slice %arg9[%mul3A_2, %dma_wait3A_924] : memref<100352x128xf32, #tpu.memory_space<hbm>> -> memref<224x128xf32, #tpu.memory_space<hbm>>
      %dma_wait3A_926 = arith.constant 0 : i32
      %dma_wait3A_927 = arith.constant 0 : i32
      %dma_wait3A_928 = tpu.memref_slice %arg14[%dma_wait3A_914, %dma_wait3A_926, %dma_wait3A_927] : memref<2x224x128xf32, #tpu.memory_space<vmem>> -> memref<1x224x128xf32, #tpu.memory_space<vmem>>
      %dma_wait3A_929 = tpu.memref_squeeze %dma_wait3A_928 : memref<1x224x128xf32, #tpu.memory_space<vmem>> -> memref<224x128xf32, #tpu.memory_space<vmem>>
      tpu.wait_dma2 semaphore(%dma_wait3A_923 : memref<!tpu.dma_semaphore, #tpu.memory_space<semaphore_mem>>) src(%dma_wait3A_929 : memref<224x128xf32, #tpu.memory_space<vmem>>) dst(%dma_wait3A_925 : memref<224x128xf32, #tpu.memory_space<hbm>>)
      %dma_wait3A_930 = arith.constant 1 : i32
      %dma_wait3A_931 = arith.constant 1 : i32
      %dma_wait3A_932 = arith.constant 0 : i32
      %dma_wait3A_933 = arith.constant 0 : i32
      %dma_wait3A_934 = tpu.memref_slice %arg15[%dma_wait3A_930, %dma_wait3A_932, %dma_wait3A_933] : memref<2x224x16xf32, #tpu.memory_space<vmem>> -> memref<1x224x16xf32, #tpu.memory_space<vmem>>
      %dma_wait3A_935 = tpu.memref_squeeze %dma_wait3A_934 : memref<1x224x16xf32, #tpu.memory_space<vmem>> -> memref<224x16xf32, #tpu.memory_space<vmem>>
      %dma_wait3A_936 = arith.constant 0 : i32
      %dma_wait3A_937 = tpu.memref_slice %arg12[%mul3A_2, %dma_wait3A_936] : memref<100352x16xf32, #tpu.memory_space<hbm>> -> memref<224x16xf32, #tpu.memory_space<hbm>>
      %dma_wait3A_938 = tpu.memref_slice %arg19[%dma_wait3A_931] : memref<2x!tpu.dma_semaphore, #tpu.memory_space<semaphore_mem>> -> memref<1x!tpu.dma_semaphore, #tpu.memory_space<semaphore_mem>>
      %dma_wait3A_939 = tpu.memref_squeeze %dma_wait3A_938 : memref<1x!tpu.dma_semaphore, #tpu.memory_space<semaphore_mem>> -> memref<!tpu.dma_semaphore, #tpu.memory_space<semaphore_mem>>
      %dma_wait3A_940 = arith.constant 0 : i32
      %dma_wait3A_941 = tpu.memref_slice %arg12[%mul3A_2, %dma_wait3A_940] : memref<100352x16xf32, #tpu.memory_space<hbm>> -> memref<224x16xf32, #tpu.memory_space<hbm>>
      %dma_wait3A_942 = arith.constant 0 : i32
      %dma_wait3A_943 = arith.constant 0 : i32
      %dma_wait3A_944 = tpu.memref_slice %arg15[%dma_wait3A_930, %dma_wait3A_942, %dma_wait3A_943] : memref<2x224x16xf32, #tpu.memory_space<vmem>> -> memref<1x224x16xf32, #tpu.memory_space<vmem>>
      %dma_wait3A_945 = tpu.memref_squeeze %dma_wait3A_944 : memref<1x224x16xf32, #tpu.memory_space<vmem>> -> memref<224x16xf32, #tpu.memory_space<vmem>>
      tpu.wait_dma2 semaphore(%dma_wait3A_939 : memref<!tpu.dma_semaphore, #tpu.memory_space<semaphore_mem>>) src(%dma_wait3A_945 : memref<224x16xf32, #tpu.memory_space<vmem>>) dst(%dma_wait3A_941 : memref<224x16xf32, #tpu.memory_space<hbm>>)
      %add3A_946 = arith.constant 2 : i32
      %add3A_947 = arith.addi %add3A_852, %add3A_946 : i32
      %mul3A_948 = arith.constant 224 : i32
      %mul3A_949 = arith.muli %add3A_947, %mul3A_948 : i32
      %dma_start3A_950 = arith.constant 1 : i32
      %dma_start3A_951 = arith.constant 1 : i32
      %dma_start3A_952 = arith.constant 0 : i32
      %dma_start3A_953 = arith.constant 0 : i32
      %dma_start3A_954 = tpu.memref_slice %arg14[%dma_start3A_950, %dma_start3A_952, %dma_start3A_953] : memref<2x224x128xf32, #tpu.memory_space<vmem>> -> memref<1x224x128xf32, #tpu.memory_space<vmem>>
      %dma_start3A_955 = tpu.memref_squeeze %dma_start3A_954 : memref<1x224x128xf32, #tpu.memory_space<vmem>> -> memref<224x128xf32, #tpu.memory_space<vmem>>
      %dma_start3A_956 = tpu.memref_slice %arg13[%mul3A_949] : memref<3136xi32, #tpu.memory_space<vmem>> -> memref<224xi32, #tpu.memory_space<vmem>>
      %dma_start3A_957 = arith.constant 0 : i32
      %dma_start3A_958 = arith.constant 0 : i32
      %dma_start3A_959 = tpu.memref_slice %arg2[%dma_start3A_957, %dma_start3A_958] : memref<100000x128xf32, #tpu.memory_space<hbm>> -> memref<100000x128xf32, #tpu.memory_space<hbm>>
      %dma_start3A_960 = tpu.memref_slice %arg16[%dma_start3A_951] : memref<2x!tpu.dma_semaphore, #tpu.memory_space<semaphore_mem>> -> memref<1x!tpu.dma_semaphore, #tpu.memory_space<semaphore_mem>>
      %dma_start3A_961 = tpu.memref_squeeze %dma_start3A_960 : memref<1x!tpu.dma_semaphore, #tpu.memory_space<semaphore_mem>> -> memref<!tpu.dma_semaphore, #tpu.memory_space<semaphore_mem>>
      tpu.enqueue_indirect_dma source(%dma_start3A_959 : memref<100000x128xf32, #tpu.memory_space<hbm>>) target(%dma_start3A_955 : memref<224x128xf32, #tpu.memory_space<vmem>>) offsets(%dma_start3A_956 : memref<224xi32, #tpu.memory_space<vmem>>) semaphore(%dma_start3A_961 : memref<!tpu.dma_semaphore, #tpu.memory_space<semaphore_mem>>)
      %dma_start3A_962 = arith.constant 1 : i32
      %dma_start3A_963 = arith.constant 1 : i32
      %dma_start3A_964 = arith.constant 0 : i32
      %dma_start3A_965 = arith.constant 0 : i32
      %dma_start3A_966 = tpu.memref_slice %arg15[%dma_start3A_962, %dma_start3A_964, %dma_start3A_965] : memref<2x224x16xf32, #tpu.memory_space<vmem>> -> memref<1x224x16xf32, #tpu.memory_space<vmem>>
      %dma_start3A_967 = tpu.memref_squeeze %dma_start3A_966 : memref<1x224x16xf32, #tpu.memory_space<vmem>> -> memref<224x16xf32, #tpu.memory_space<vmem>>
      %dma_start3A_968 = tpu.memref_slice %arg13[%mul3A_949] : memref<3136xi32, #tpu.memory_space<vmem>> -> memref<224xi32, #tpu.memory_space<vmem>>
      %dma_start3A_969 = arith.constant 0 : i32
      %dma_start3A_970 = arith.constant 0 : i32
      %dma_start3A_971 = tpu.memref_slice %arg3[%dma_start3A_969, %dma_start3A_970] : memref<100000x16xf32, #tpu.memory_space<hbm>> -> memref<100000x16xf32, #tpu.memory_space<hbm>>
      %dma_start3A_972 = tpu.memref_slice %arg17[%dma_start3A_963] : memref<2x!tpu.dma_semaphore, #tpu.memory_space<semaphore_mem>> -> memref<1x!tpu.dma_semaphore, #tpu.memory_space<semaphore_mem>>
      %dma_start3A_973 = tpu.memref_squeeze %dma_start3A_972 : memref<1x!tpu.dma_semaphore, #tpu.memory_space<semaphore_mem>> -> memref<!tpu.dma_semaphore, #tpu.memory_space<semaphore_mem>>
      tpu.enqueue_indirect_dma source(%dma_start3A_971 : memref<100000x16xf32, #tpu.memory_space<hbm>>) target(%dma_start3A_967 : memref<224x16xf32, #tpu.memory_space<vmem>>) offsets(%dma_start3A_968 : memref<224xi32, #tpu.memory_space<vmem>>) semaphore(%dma_start3A_973 : memref<!tpu.dma_semaphore, #tpu.memory_space<semaphore_mem>>)
    }
    %scan3A_538 = arith.constant 6 : i32
    %dma_wait3A_539 = arith.constant 0 : i32
    %dma_wait3A_540 = arith.constant 0 : i32
    %dma_wait3A_541 = arith.constant 0 : i32
    %dma_wait3A_542 = arith.constant 0 : i32
    %dma_wait3A_543 = tpu.memref_slice %arg14[%dma_wait3A_539, %dma_wait3A_541, %dma_wait3A_542] : memref<2x224x128xf32, #tpu.memory_space<vmem>> -> memref<1x224x128xf32, #tpu.memory_space<vmem>>
    %dma_wait3A_544 = tpu.memref_squeeze %dma_wait3A_543 : memref<1x224x128xf32, #tpu.memory_space<vmem>> -> memref<224x128xf32, #tpu.memory_space<vmem>>
    %dma_wait3A_545 = arith.constant 0 : i32
    %dma_wait3A_546 = tpu.memref_slice %arg13[%dma_wait3A_545] : memref<3136xi32, #tpu.memory_space<vmem>> -> memref<224xi32, #tpu.memory_space<vmem>>
    %dma_wait3A_547 = arith.constant 0 : i32
    %dma_wait3A_548 = arith.constant 0 : i32
    %dma_wait3A_549 = tpu.memref_slice %arg2[%dma_wait3A_547, %dma_wait3A_548] : memref<100000x128xf32, #tpu.memory_space<hbm>> -> memref<100000x128xf32, #tpu.memory_space<hbm>>
    %dma_wait3A_550 = tpu.memref_slice %arg16[%dma_wait3A_540] : memref<2x!tpu.dma_semaphore, #tpu.memory_space<semaphore_mem>> -> memref<1x!tpu.dma_semaphore, #tpu.memory_space<semaphore_mem>>
    %dma_wait3A_551 = tpu.memref_squeeze %dma_wait3A_550 : memref<1x!tpu.dma_semaphore, #tpu.memory_space<semaphore_mem>> -> memref<!tpu.dma_semaphore, #tpu.memory_space<semaphore_mem>>
    tpu.wait_indirect_dma semaphore(%dma_wait3A_551 : memref<!tpu.dma_semaphore, #tpu.memory_space<semaphore_mem>>) src(%dma_wait3A_549 : memref<100000x128xf32, #tpu.memory_space<hbm>>) dst(%dma_wait3A_544 : memref<224x128xf32, #tpu.memory_space<vmem>>)
    %dma_wait3A_552 = arith.constant 0 : i32
    %dma_wait3A_553 = arith.constant 0 : i32
    %dma_wait3A_554 = arith.constant 0 : i32
    %dma_wait3A_555 = arith.constant 0 : i32
    %dma_wait3A_556 = tpu.memref_slice %arg15[%dma_wait3A_552, %dma_wait3A_554, %dma_wait3A_555] : memref<2x224x16xf32, #tpu.memory_space<vmem>> -> memref<1x224x16xf32, #tpu.memory_space<vmem>>
    %dma_wait3A_557 = tpu.memref_squeeze %dma_wait3A_556 : memref<1x224x16xf32, #tpu.memory_space<vmem>> -> memref<224x16xf32, #tpu.memory_space<vmem>>
    %dma_wait3A_558 = arith.constant 0 : i32
    %dma_wait3A_559 = tpu.memref_slice %arg13[%dma_wait3A_558] : memref<3136xi32, #tpu.memory_space<vmem>> -> memref<224xi32, #tpu.memory_space<vmem>>
    %dma_wait3A_560 = arith.constant 0 : i32
    %dma_wait3A_561 = arith.constant 0 : i32
    %dma_wait3A_562 = tpu.memref_slice %arg3[%dma_wait3A_560, %dma_wait3A_561] : memref<100000x16xf32, #tpu.memory_space<hbm>> -> memref<100000x16xf32, #tpu.memory_space<hbm>>
    %dma_wait3A_563 = tpu.memref_slice %arg17[%dma_wait3A_553] : memref<2x!tpu.dma_semaphore, #tpu.memory_space<semaphore_mem>> -> memref<1x!tpu.dma_semaphore, #tpu.memory_space<semaphore_mem>>
    %dma_wait3A_564 = tpu.memref_squeeze %dma_wait3A_563 : memref<1x!tpu.dma_semaphore, #tpu.memory_space<semaphore_mem>> -> memref<!tpu.dma_semaphore, #tpu.memory_space<semaphore_mem>>
    tpu.wait_indirect_dma semaphore(%dma_wait3A_564 : memref<!tpu.dma_semaphore, #tpu.memory_space<semaphore_mem>>) src(%dma_wait3A_562 : memref<100000x16xf32, #tpu.memory_space<hbm>>) dst(%dma_wait3A_557 : memref<224x16xf32, #tpu.memory_space<vmem>>)
    %add3A_565 = arith.constant 2688 : i32
    %add3A_566 = arith.addi %mul3A_2, %add3A_565 : i32
    %dma_start3A_567 = arith.constant 0 : i32
    %dma_start3A_568 = arith.constant 0 : i32
    %dma_start3A_569 = arith.constant 0 : i32
    %dma_start3A_570 = arith.constant 0 : i32
    %dma_start3A_571 = tpu.memref_slice %arg14[%dma_start3A_567, %dma_start3A_569, %dma_start3A_570] : memref<2x224x128xf32, #tpu.memory_space<vmem>> -> memref<1x224x128xf32, #tpu.memory_space<vmem>>
    %dma_start3A_572 = tpu.memref_squeeze %dma_start3A_571 : memref<1x224x128xf32, #tpu.memory_space<vmem>> -> memref<224x128xf32, #tpu.memory_space<vmem>>
    %dma_start3A_573 = arith.constant 0 : i32
    %dma_start3A_574 = tpu.memref_slice %arg9[%add3A_566, %dma_start3A_573] : memref<100352x128xf32, #tpu.memory_space<hbm>> -> memref<224x128xf32, #tpu.memory_space<hbm>>
    %dma_start3A_575 = tpu.memref_slice %arg18[%dma_start3A_568] : memref<2x!tpu.dma_semaphore, #tpu.memory_space<semaphore_mem>> -> memref<1x!tpu.dma_semaphore, #tpu.memory_space<semaphore_mem>>
    %dma_start3A_576 = tpu.memref_squeeze %dma_start3A_575 : memref<1x!tpu.dma_semaphore, #tpu.memory_space<semaphore_mem>> -> memref<!tpu.dma_semaphore, #tpu.memory_space<semaphore_mem>>
    %dma_start3A_577 = arith.constant 0 : i32
    %dma_start3A_578 = tpu.memref_slice %arg9[%add3A_566, %dma_start3A_577] : memref<100352x128xf32, #tpu.memory_space<hbm>> -> memref<224x128xf32, #tpu.memory_space<hbm>>
    %dma_start3A_579 = arith.constant 0 : i32
    %dma_start3A_580 = arith.constant 0 : i32
    %dma_start3A_581 = tpu.memref_slice %arg14[%dma_start3A_567, %dma_start3A_579, %dma_start3A_580] : memref<2x224x128xf32, #tpu.memory_space<vmem>> -> memref<1x224x128xf32, #tpu.memory_space<vmem>>
    %dma_start3A_582 = tpu.memref_squeeze %dma_start3A_581 : memref<1x224x128xf32, #tpu.memory_space<vmem>> -> memref<224x128xf32, #tpu.memory_space<vmem>>
    tpu.enqueue_dma source(%dma_start3A_582 : memref<224x128xf32, #tpu.memory_space<vmem>>) target(%dma_start3A_578 : memref<224x128xf32, #tpu.memory_space<hbm>>) target_semaphore(%dma_start3A_576 : memref<!tpu.dma_semaphore, #tpu.memory_space<semaphore_mem>>)
    %dma_start3A_583 = arith.constant 0 : i32
    %dma_start3A_584 = arith.constant 0 : i32
    %dma_start3A_585 = arith.constant 0 : i32
    %dma_start3A_586 = arith.constant 0 : i32
    %dma_start3A_587 = tpu.memref_slice %arg15[%dma_start3A_583, %dma_start3A_585, %dma_start3A_586] : memref<2x224x16xf32, #tpu.memory_space<vmem>> -> memref<1x224x16xf32, #tpu.memory_space<vmem>>
    %dma_start3A_588 = tpu.memref_squeeze %dma_start3A_587 : memref<1x224x16xf32, #tpu.memory_space<vmem>> -> memref<224x16xf32, #tpu.memory_space<vmem>>
    %dma_start3A_589 = arith.constant 0 : i32
    %dma_start3A_590 = tpu.memref_slice %arg12[%add3A_566, %dma_start3A_589] : memref<100352x16xf32, #tpu.memory_space<hbm>> -> memref<224x16xf32, #tpu.memory_space<hbm>>
    %dma_start3A_591 = tpu.memref_slice %arg19[%dma_start3A_584] : memref<2x!tpu.dma_semaphore, #tpu.memory_space<semaphore_mem>> -> memref<1x!tpu.dma_semaphore, #tpu.memory_space<semaphore_mem>>
    %dma_start3A_592 = tpu.memref_squeeze %dma_start3A_591 : memref<1x!tpu.dma_semaphore, #tpu.memory_space<semaphore_mem>> -> memref<!tpu.dma_semaphore, #tpu.memory_space<semaphore_mem>>
    %dma_start3A_593 = arith.constant 0 : i32
    %dma_start3A_594 = tpu.memref_slice %arg12[%add3A_566, %dma_start3A_593] : memref<100352x16xf32, #tpu.memory_space<hbm>> -> memref<224x16xf32, #tpu.memory_space<hbm>>
    %dma_start3A_595 = arith.constant 0 : i32
    %dma_start3A_596 = arith.constant 0 : i32
    %dma_start3A_597 = tpu.memref_slice %arg15[%dma_start3A_583, %dma_start3A_595, %dma_start3A_596] : memref<2x224x16xf32, #tpu.memory_space<vmem>> -> memref<1x224x16xf32, #tpu.memory_space<vmem>>
    %dma_start3A_598 = tpu.memref_squeeze %dma_start3A_597 : memref<1x224x16xf32, #tpu.memory_space<vmem>> -> memref<224x16xf32, #tpu.memory_space<vmem>>
    tpu.enqueue_dma source(%dma_start3A_598 : memref<224x16xf32, #tpu.memory_space<vmem>>) target(%dma_start3A_594 : memref<224x16xf32, #tpu.memory_space<hbm>>) target_semaphore(%dma_start3A_592 : memref<!tpu.dma_semaphore, #tpu.memory_space<semaphore_mem>>)
    %dma_wait3A_599 = arith.constant 1 : i32
    %dma_wait3A_600 = arith.constant 1 : i32
    %dma_wait3A_601 = arith.constant 0 : i32
    %dma_wait3A_602 = arith.constant 0 : i32
    %dma_wait3A_603 = tpu.memref_slice %arg14[%dma_wait3A_599, %dma_wait3A_601, %dma_wait3A_602] : memref<2x224x128xf32, #tpu.memory_space<vmem>> -> memref<1x224x128xf32, #tpu.memory_space<vmem>>
    %dma_wait3A_604 = tpu.memref_squeeze %dma_wait3A_603 : memref<1x224x128xf32, #tpu.memory_space<vmem>> -> memref<224x128xf32, #tpu.memory_space<vmem>>
    %dma_wait3A_605 = arith.constant 0 : i32
    %dma_wait3A_606 = tpu.memref_slice %arg13[%dma_wait3A_605] : memref<3136xi32, #tpu.memory_space<vmem>> -> memref<224xi32, #tpu.memory_space<vmem>>
    %dma_wait3A_607 = arith.constant 0 : i32
    %dma_wait3A_608 = arith.constant 0 : i32
    %dma_wait3A_609 = tpu.memref_slice %arg2[%dma_wait3A_607, %dma_wait3A_608] : memref<100000x128xf32, #tpu.memory_space<hbm>> -> memref<100000x128xf32, #tpu.memory_space<hbm>>
    %dma_wait3A_610 = tpu.memref_slice %arg16[%dma_wait3A_600] : memref<2x!tpu.dma_semaphore, #tpu.memory_space<semaphore_mem>> -> memref<1x!tpu.dma_semaphore, #tpu.memory_space<semaphore_mem>>
    %dma_wait3A_611 = tpu.memref_squeeze %dma_wait3A_610 : memref<1x!tpu.dma_semaphore, #tpu.memory_space<semaphore_mem>> -> memref<!tpu.dma_semaphore, #tpu.memory_space<semaphore_mem>>
    tpu.wait_indirect_dma semaphore(%dma_wait3A_611 : memref<!tpu.dma_semaphore, #tpu.memory_space<semaphore_mem>>) src(%dma_wait3A_609 : memref<100000x128xf32, #tpu.memory_space<hbm>>) dst(%dma_wait3A_604 : memref<224x128xf32, #tpu.memory_space<vmem>>)
    %dma_wait3A_612 = arith.constant 1 : i32
    %dma_wait3A_613 = arith.constant 1 : i32
    %dma_wait3A_614 = arith.constant 0 : i32
    %dma_wait3A_615 = arith.constant 0 : i32
    %dma_wait3A_616 = tpu.memref_slice %arg15[%dma_wait3A_612, %dma_wait3A_614, %dma_wait3A_615] : memref<2x224x16xf32, #tpu.memory_space<vmem>> -> memref<1x224x16xf32, #tpu.memory_space<vmem>>
    %dma_wait3A_617 = tpu.memref_squeeze %dma_wait3A_616 : memref<1x224x16xf32, #tpu.memory_space<vmem>> -> memref<224x16xf32, #tpu.memory_space<vmem>>
    %dma_wait3A_618 = arith.constant 0 : i32
    %dma_wait3A_619 = tpu.memref_slice %arg13[%dma_wait3A_618] : memref<3136xi32, #tpu.memory_space<vmem>> -> memref<224xi32, #tpu.memory_space<vmem>>
    %dma_wait3A_620 = arith.constant 0 : i32
    %dma_wait3A_621 = arith.constant 0 : i32
    %dma_wait3A_622 = tpu.memref_slice %arg3[%dma_wait3A_620, %dma_wait3A_621] : memref<100000x16xf32, #tpu.memory_space<hbm>> -> memref<100000x16xf32, #tpu.memory_space<hbm>>
    %dma_wait3A_623 = tpu.memref_slice %arg17[%dma_wait3A_613] : memref<2x!tpu.dma_semaphore, #tpu.memory_space<semaphore_mem>> -> memref<1x!tpu.dma_semaphore, #tpu.memory_space<semaphore_mem>>
    %dma_wait3A_624 = tpu.memref_squeeze %dma_wait3A_623 : memref<1x!tpu.dma_semaphore, #tpu.memory_space<semaphore_mem>> -> memref<!tpu.dma_semaphore, #tpu.memory_space<semaphore_mem>>
    tpu.wait_indirect_dma semaphore(%dma_wait3A_624 : memref<!tpu.dma_semaphore, #tpu.memory_space<semaphore_mem>>) src(%dma_wait3A_622 : memref<100000x16xf32, #tpu.memory_space<hbm>>) dst(%dma_wait3A_617 : memref<224x16xf32, #tpu.memory_space<vmem>>)
    %add3A_625 = arith.constant 2912 : i32
    %add3A_626 = arith.addi %mul3A_2, %add3A_625 : i32
    %dma_start3A_627 = arith.constant 1 : i32
    %dma_start3A_628 = arith.constant 1 : i32
    %dma_start3A_629 = arith.constant 0 : i32
    %dma_start3A_630 = arith.constant 0 : i32
    %dma_start3A_631 = tpu.memref_slice %arg14[%dma_start3A_627, %dma_start3A_629, %dma_start3A_630] : memref<2x224x128xf32, #tpu.memory_space<vmem>> -> memref<1x224x128xf32, #tpu.memory_space<vmem>>
    %dma_start3A_632 = tpu.memref_squeeze %dma_start3A_631 : memref<1x224x128xf32, #tpu.memory_space<vmem>> -> memref<224x128xf32, #tpu.memory_space<vmem>>
    %dma_start3A_633 = arith.constant 0 : i32
    %dma_start3A_634 = tpu.memref_slice %arg9[%add3A_626, %dma_start3A_633] : memref<100352x128xf32, #tpu.memory_space<hbm>> -> memref<224x128xf32, #tpu.memory_space<hbm>>
    %dma_start3A_635 = tpu.memref_slice %arg18[%dma_start3A_628] : memref<2x!tpu.dma_semaphore, #tpu.memory_space<semaphore_mem>> -> memref<1x!tpu.dma_semaphore, #tpu.memory_space<semaphore_mem>>
    %dma_start3A_636 = tpu.memref_squeeze %dma_start3A_635 : memref<1x!tpu.dma_semaphore, #tpu.memory_space<semaphore_mem>> -> memref<!tpu.dma_semaphore, #tpu.memory_space<semaphore_mem>>
    %dma_start3A_637 = arith.constant 0 : i32
    %dma_start3A_638 = tpu.memref_slice %arg9[%add3A_626, %dma_start3A_637] : memref<100352x128xf32, #tpu.memory_space<hbm>> -> memref<224x128xf32, #tpu.memory_space<hbm>>
    %dma_start3A_639 = arith.constant 0 : i32
    %dma_start3A_640 = arith.constant 0 : i32
    %dma_start3A_641 = tpu.memref_slice %arg14[%dma_start3A_627, %dma_start3A_639, %dma_start3A_640] : memref<2x224x128xf32, #tpu.memory_space<vmem>> -> memref<1x224x128xf32, #tpu.memory_space<vmem>>
    %dma_start3A_642 = tpu.memref_squeeze %dma_start3A_641 : memref<1x224x128xf32, #tpu.memory_space<vmem>> -> memref<224x128xf32, #tpu.memory_space<vmem>>
    tpu.enqueue_dma source(%dma_start3A_642 : memref<224x128xf32, #tpu.memory_space<vmem>>) target(%dma_start3A_638 : memref<224x128xf32, #tpu.memory_space<hbm>>) target_semaphore(%dma_start3A_636 : memref<!tpu.dma_semaphore, #tpu.memory_space<semaphore_mem>>)
    %dma_start3A_643 = arith.constant 1 : i32
    %dma_start3A_644 = arith.constant 1 : i32
    %dma_start3A_645 = arith.constant 0 : i32
    %dma_start3A_646 = arith.constant 0 : i32
    %dma_start3A_647 = tpu.memref_slice %arg15[%dma_start3A_643, %dma_start3A_645, %dma_start3A_646] : memref<2x224x16xf32, #tpu.memory_space<vmem>> -> memref<1x224x16xf32, #tpu.memory_space<vmem>>
    %dma_start3A_648 = tpu.memref_squeeze %dma_start3A_647 : memref<1x224x16xf32, #tpu.memory_space<vmem>> -> memref<224x16xf32, #tpu.memory_space<vmem>>
    %dma_start3A_649 = arith.constant 0 : i32
    %dma_start3A_650 = tpu.memref_slice %arg12[%add3A_626, %dma_start3A_649] : memref<100352x16xf32, #tpu.memory_space<hbm>> -> memref<224x16xf32, #tpu.memory_space<hbm>>
    %dma_start3A_651 = tpu.memref_slice %arg19[%dma_start3A_644] : memref<2x!tpu.dma_semaphore, #tpu.memory_space<semaphore_mem>> -> memref<1x!tpu.dma_semaphore, #tpu.memory_space<semaphore_mem>>
    %dma_start3A_652 = tpu.memref_squeeze %dma_start3A_651 : memref<1x!tpu.dma_semaphore, #tpu.memory_space<semaphore_mem>> -> memref<!tpu.dma_semaphore, #tpu.memory_space<semaphore_mem>>
    %dma_start3A_653 = arith.constant 0 : i32
    %dma_start3A_654 = tpu.memref_slice %arg12[%add3A_626, %dma_start3A_653] : memref<100352x16xf32, #tpu.memory_space<hbm>> -> memref<224x16xf32, #tpu.memory_space<hbm>>
    %dma_start3A_655 = arith.constant 0 : i32
    %dma_start3A_656 = arith.constant 0 : i32
    %dma_start3A_657 = tpu.memref_slice %arg15[%dma_start3A_643, %dma_start3A_655, %dma_start3A_656] : memref<2x224x16xf32, #tpu.memory_space<vmem>> -> memref<1x224x16xf32, #tpu.memory_space<vmem>>
    %dma_start3A_658 = tpu.memref_squeeze %dma_start3A_657 : memref<1x224x16xf32, #tpu.memory_space<vmem>> -> memref<224x16xf32, #tpu.memory_space<vmem>>
    tpu.enqueue_dma source(%dma_start3A_658 : memref<224x16xf32, #tpu.memory_space<vmem>>) target(%dma_start3A_654 : memref<224x16xf32, #tpu.memory_space<hbm>>) target_semaphore(%dma_start3A_652 : memref<!tpu.dma_semaphore, #tpu.memory_space<semaphore_mem>>)
    %dma_wait3A_659 = arith.constant 0 : i32
    %dma_wait3A_660 = arith.constant 0 : i32
    %dma_wait3A_661 = arith.constant 0 : i32
    %dma_wait3A_662 = arith.constant 0 : i32
    %dma_wait3A_663 = tpu.memref_slice %arg14[%dma_wait3A_659, %dma_wait3A_661, %dma_wait3A_662] : memref<2x224x128xf32, #tpu.memory_space<vmem>> -> memref<1x224x128xf32, #tpu.memory_space<vmem>>
    %dma_wait3A_664 = tpu.memref_squeeze %dma_wait3A_663 : memref<1x224x128xf32, #tpu.memory_space<vmem>> -> memref<224x128xf32, #tpu.memory_space<vmem>>
    %dma_wait3A_665 = arith.constant 0 : i32
    %dma_wait3A_666 = tpu.memref_slice %arg9[%mul3A_2, %dma_wait3A_665] : memref<100352x128xf32, #tpu.memory_space<hbm>> -> memref<224x128xf32, #tpu.memory_space<hbm>>
    %dma_wait3A_667 = tpu.memref_slice %arg18[%dma_wait3A_660] : memref<2x!tpu.dma_semaphore, #tpu.memory_space<semaphore_mem>> -> memref<1x!tpu.dma_semaphore, #tpu.memory_space<semaphore_mem>>
    %dma_wait3A_668 = tpu.memref_squeeze %dma_wait3A_667 : memref<1x!tpu.dma_semaphore, #tpu.memory_space<semaphore_mem>> -> memref<!tpu.dma_semaphore, #tpu.memory_space<semaphore_mem>>
    %dma_wait3A_669 = arith.constant 0 : i32
    %dma_wait3A_670 = tpu.memref_slice %arg9[%mul3A_2, %dma_wait3A_669] : memref<100352x128xf32, #tpu.memory_space<hbm>> -> memref<224x128xf32, #tpu.memory_space<hbm>>
    %dma_wait3A_671 = arith.constant 0 : i32
    %dma_wait3A_672 = arith.constant 0 : i32
    %dma_wait3A_673 = tpu.memref_slice %arg14[%dma_wait3A_659, %dma_wait3A_671, %dma_wait3A_672] : memref<2x224x128xf32, #tpu.memory_space<vmem>> -> memref<1x224x128xf32, #tpu.memory_space<vmem>>
    %dma_wait3A_674 = tpu.memref_squeeze %dma_wait3A_673 : memref<1x224x128xf32, #tpu.memory_space<vmem>> -> memref<224x128xf32, #tpu.memory_space<vmem>>
    tpu.wait_dma2 semaphore(%dma_wait3A_668 : memref<!tpu.dma_semaphore, #tpu.memory_space<semaphore_mem>>) src(%dma_wait3A_674 : memref<224x128xf32, #tpu.memory_space<vmem>>) dst(%dma_wait3A_670 : memref<224x128xf32, #tpu.memory_space<hbm>>)
    %dma_wait3A_675 = arith.constant 0 : i32
    %dma_wait3A_676 = arith.constant 0 : i32
    %dma_wait3A_677 = arith.constant 0 : i32
    %dma_wait3A_678 = arith.constant 0 : i32
    %dma_wait3A_679 = tpu.memref_slice %arg15[%dma_wait3A_675, %dma_wait3A_677, %dma_wait3A_678] : memref<2x224x16xf32, #tpu.memory_space<vmem>> -> memref<1x224x16xf32, #tpu.memory_space<vmem>>
    %dma_wait3A_680 = tpu.memref_squeeze %dma_wait3A_679 : memref<1x224x16xf32, #tpu.memory_space<vmem>> -> memref<224x16xf32, #tpu.memory_space<vmem>>
    %dma_wait3A_681 = arith.constant 0 : i32
    %dma_wait3A_682 = tpu.memref_slice %arg12[%mul3A_2, %dma_wait3A_681] : memref<100352x16xf32, #tpu.memory_space<hbm>> -> memref<224x16xf32, #tpu.memory_space<hbm>>
    %dma_wait3A_683 = tpu.memref_slice %arg19[%dma_wait3A_676] : memref<2x!tpu.dma_semaphore, #tpu.memory_space<semaphore_mem>> -> memref<1x!tpu.dma_semaphore, #tpu.memory_space<semaphore_mem>>
    %dma_wait3A_684 = tpu.memref_squeeze %dma_wait3A_683 : memref<1x!tpu.dma_semaphore, #tpu.memory_space<semaphore_mem>> -> memref<!tpu.dma_semaphore, #tpu.memory_space<semaphore_mem>>
    %dma_wait3A_685 = arith.constant 0 : i32
    %dma_wait3A_686 = tpu.memref_slice %arg12[%mul3A_2, %dma_wait3A_685] : memref<100352x16xf32, #tpu.memory_space<hbm>> -> memref<224x16xf32, #tpu.memory_space<hbm>>
    %dma_wait3A_687 = arith.constant 0 : i32
    %dma_wait3A_688 = arith.constant 0 : i32
    %dma_wait3A_689 = tpu.memref_slice %arg15[%dma_wait3A_675, %dma_wait3A_687, %dma_wait3A_688] : memref<2x224x16xf32, #tpu.memory_space<vmem>> -> memref<1x224x16xf32, #tpu.memory_space<vmem>>
    %dma_wait3A_690 = tpu.memref_squeeze %dma_wait3A_689 : memref<1x224x16xf32, #tpu.memory_space<vmem>> -> memref<224x16xf32, #tpu.memory_space<vmem>>
    tpu.wait_dma2 semaphore(%dma_wait3A_684 : memref<!tpu.dma_semaphore, #tpu.memory_space<semaphore_mem>>) src(%dma_wait3A_690 : memref<224x16xf32, #tpu.memory_space<vmem>>) dst(%dma_wait3A_686 : memref<224x16xf32, #tpu.memory_space<hbm>>)
    %dma_wait3A_691 = arith.constant 1 : i32
    %dma_wait3A_692 = arith.constant 1 : i32
    %dma_wait3A_693 = arith.constant 0 : i32
    %dma_wait3A_694 = arith.constant 0 : i32
    %dma_wait3A_695 = tpu.memref_slice %arg14[%dma_wait3A_691, %dma_wait3A_693, %dma_wait3A_694] : memref<2x224x128xf32, #tpu.memory_space<vmem>> -> memref<1x224x128xf32, #tpu.memory_space<vmem>>
    %dma_wait3A_696 = tpu.memref_squeeze %dma_wait3A_695 : memref<1x224x128xf32, #tpu.memory_space<vmem>> -> memref<224x128xf32, #tpu.memory_space<vmem>>
    %dma_wait3A_697 = arith.constant 0 : i32
    %dma_wait3A_698 = tpu.memref_slice %arg9[%mul3A_2, %dma_wait3A_697] : memref<100352x128xf32, #tpu.memory_space<hbm>> -> memref<224x128xf32, #tpu.memory_space<hbm>>
    %dma_wait3A_699 = tpu.memref_slice %arg18[%dma_wait3A_692] : memref<2x!tpu.dma_semaphore, #tpu.memory_space<semaphore_mem>> -> memref<1x!tpu.dma_semaphore, #tpu.memory_space<semaphore_mem>>
    %dma_wait3A_700 = tpu.memref_squeeze %dma_wait3A_699 : memref<1x!tpu.dma_semaphore, #tpu.memory_space<semaphore_mem>> -> memref<!tpu.dma_semaphore, #tpu.memory_space<semaphore_mem>>
    %dma_wait3A_701 = arith.constant 0 : i32
    %dma_wait3A_702 = tpu.memref_slice %arg9[%mul3A_2, %dma_wait3A_701] : memref<100352x128xf32, #tpu.memory_space<hbm>> -> memref<224x128xf32, #tpu.memory_space<hbm>>
    %dma_wait3A_703 = arith.constant 0 : i32
    %dma_wait3A_704 = arith.constant 0 : i32
    %dma_wait3A_705 = tpu.memref_slice %arg14[%dma_wait3A_691, %dma_wait3A_703, %dma_wait3A_704] : memref<2x224x128xf32, #tpu.memory_space<vmem>> -> memref<1x224x128xf32, #tpu.memory_space<vmem>>
    %dma_wait3A_706 = tpu.memref_squeeze %dma_wait3A_705 : memref<1x224x128xf32, #tpu.memory_space<vmem>> -> memref<224x128xf32, #tpu.memory_space<vmem>>
    tpu.wait_dma2 semaphore(%dma_wait3A_700 : memref<!tpu.dma_semaphore, #tpu.memory_space<semaphore_mem>>) src(%dma_wait3A_706 : memref<224x128xf32, #tpu.memory_space<vmem>>) dst(%dma_wait3A_702 : memref<224x128xf32, #tpu.memory_space<hbm>>)
    %dma_wait3A_707 = arith.constant 1 : i32
    %dma_wait3A_708 = arith.constant 1 : i32
    %dma_wait3A_709 = arith.constant 0 : i32
    %dma_wait3A_710 = arith.constant 0 : i32
    %dma_wait3A_711 = tpu.memref_slice %arg15[%dma_wait3A_707, %dma_wait3A_709, %dma_wait3A_710] : memref<2x224x16xf32, #tpu.memory_space<vmem>> -> memref<1x224x16xf32, #tpu.memory_space<vmem>>
    %dma_wait3A_712 = tpu.memref_squeeze %dma_wait3A_711 : memref<1x224x16xf32, #tpu.memory_space<vmem>> -> memref<224x16xf32, #tpu.memory_space<vmem>>
    %dma_wait3A_713 = arith.constant 0 : i32
    %dma_wait3A_714 = tpu.memref_slice %arg12[%mul3A_2, %dma_wait3A_713] : memref<100352x16xf32, #tpu.memory_space<hbm>> -> memref<224x16xf32, #tpu.memory_space<hbm>>
    %dma_wait3A_715 = tpu.memref_slice %arg19[%dma_wait3A_708] : memref<2x!tpu.dma_semaphore, #tpu.memory_space<semaphore_mem>> -> memref<1x!tpu.dma_semaphore, #tpu.memory_space<semaphore_mem>>
    %dma_wait3A_716 = tpu.memref_squeeze %dma_wait3A_715 : memref<1x!tpu.dma_semaphore, #tpu.memory_space<semaphore_mem>> -> memref<!tpu.dma_semaphore, #tpu.memory_space<semaphore_mem>>
    %dma_wait3A_717 = arith.constant 0 : i32
    %dma_wait3A_718 = tpu.memref_slice %arg12[%mul3A_2, %dma_wait3A_717] : memref<100352x16xf32, #tpu.memory_space<hbm>> -> memref<224x16xf32, #tpu.memory_space<hbm>>
    %dma_wait3A_719 = arith.constant 0 : i32
    %dma_wait3A_720 = arith.constant 0 : i32
    %dma_wait3A_721 = tpu.memref_slice %arg15[%dma_wait3A_707, %dma_wait3A_719, %dma_wait3A_720] : memref<2x224x16xf32, #tpu.memory_space<vmem>> -> memref<1x224x16xf32, #tpu.memory_space<vmem>>
    %dma_wait3A_722 = tpu.memref_squeeze %dma_wait3A_721 : memref<1x224x16xf32, #tpu.memory_space<vmem>> -> memref<224x16xf32, #tpu.memory_space<vmem>>
    tpu.wait_dma2 semaphore(%dma_wait3A_716 : memref<!tpu.dma_semaphore, #tpu.memory_space<semaphore_mem>>) src(%dma_wait3A_722 : memref<224x16xf32, #tpu.memory_space<vmem>>) dst(%dma_wait3A_718 : memref<224x16xf32, #tpu.memory_space<hbm>>)
    return
  }
}

module attributes {stable_mosaic.version = 14 : i64} {
  func.func @_tc_body(%arg0: i32, %arg1: memref<2000x128xf32, #tpu.memory_space<vmem>>, %arg2: memref<2000x128xf32, #tpu.memory_space<vmem>>, %arg3: memref<2000x128xf32, #tpu.memory_space<vmem>>, %arg4: memref<2000x16xf32, #tpu.memory_space<vmem>>, %arg5: memref<2000x16xf32, #tpu.memory_space<vmem>>, %arg6: memref<2000x16xf32, #tpu.memory_space<vmem>>, %arg7: memref<2000x16xf32, #tpu.memory_space<vmem>>, %arg8: memref<2000x128xf32, #tpu.memory_space<vmem>>, %arg9: memref<128x128xf32, #tpu.memory_space<vmem>>, %arg10: memref<1x128xf32, #tpu.memory_space<vmem>>, %arg11: memref<128x128xf32, #tpu.memory_space<vmem>>, %arg12: memref<1x128xf32, #tpu.memory_space<vmem>>, %arg13: memref<128x128xf32, #tpu.memory_space<vmem>>, %arg14: memref<1x128xf32, #tpu.memory_space<vmem>>, %arg15: memref<128x128xf32, #tpu.memory_space<vmem>>, %arg16: memref<1x128xf32, #tpu.memory_space<vmem>>, %arg17: memref<128x128xf32, #tpu.memory_space<vmem>>, %arg18: memref<1x128xf32, #tpu.memory_space<vmem>>, %arg19: memref<2000x128xf32, #tpu.memory_space<vmem>>) attributes {dimension_semantics = [#tpu.dimension_semantics<arbitrary>], iteration_bounds = array<i64: 50>, scalar_prefetch = 0 : i64, scratch_operands = 0 : i64, tpu.core_type = #tpu.core_type<tc>, window_params = [{transform_indices = @transform_0, window_bounds = array<i64: 2000, 128>}, {transform_indices = @transform_1, window_bounds = array<i64: 2000, 128>}, {transform_indices = @transform_2, window_bounds = array<i64: 2000, 128>}, {transform_indices = @transform_3, window_bounds = array<i64: 2000, 16>}, {transform_indices = @transform_4, window_bounds = array<i64: 2000, 16>}, {transform_indices = @transform_5, window_bounds = array<i64: 2000, 16>}, {transform_indices = @transform_6, window_bounds = array<i64: 2000, 16>}, {transform_indices = @transform_7, window_bounds = array<i64: 2000, 128>}, {pipeline_mode = #tpu.pipeline_mode<synchronous>, transform_indices = @transform_8, window_bounds = array<i64: 128, 128>}, {pipeline_mode = #tpu.pipeline_mode<synchronous>, transform_indices = @transform_9, window_bounds = array<i64: 1, 128>}, {pipeline_mode = #tpu.pipeline_mode<synchronous>, transform_indices = @transform_10, window_bounds = array<i64: 128, 128>}, {pipeline_mode = #tpu.pipeline_mode<synchronous>, transform_indices = @transform_11, window_bounds = array<i64: 1, 128>}, {pipeline_mode = #tpu.pipeline_mode<synchronous>, transform_indices = @transform_12, window_bounds = array<i64: 128, 128>}, {pipeline_mode = #tpu.pipeline_mode<synchronous>, transform_indices = @transform_13, window_bounds = array<i64: 1, 128>}, {pipeline_mode = #tpu.pipeline_mode<synchronous>, transform_indices = @transform_14, window_bounds = array<i64: 128, 128>}, {pipeline_mode = #tpu.pipeline_mode<synchronous>, transform_indices = @transform_15, window_bounds = array<i64: 1, 128>}, {pipeline_mode = #tpu.pipeline_mode<synchronous>, transform_indices = @transform_16, window_bounds = array<i64: 128, 128>}, {pipeline_mode = #tpu.pipeline_mode<synchronous>, transform_indices = @transform_17, window_bounds = array<i64: 1, 128>}, {transform_indices = @transform_18, window_bounds = array<i64: 2000, 128>}]} {
    %get3A = arith.constant 0 : index
    %get3A_0 = arith.constant 0 : index
    %get3A_1 = vector.load %arg4[%get3A, %get3A_0] : memref<2000x16xf32, #tpu.memory_space<vmem>>, vector<2000x16xf32>
    %get3A_2 = arith.constant 0 : index
    %get3A_3 = arith.constant 0 : index
    %get3A_4 = vector.load %arg5[%get3A_2, %get3A_3] : memref<2000x16xf32, #tpu.memory_space<vmem>>, vector<2000x16xf32>
    %get3A_5 = arith.constant 0 : index
    %get3A_6 = arith.constant 0 : index
    %get3A_7 = vector.load %arg6[%get3A_5, %get3A_6] : memref<2000x16xf32, #tpu.memory_space<vmem>>, vector<2000x16xf32>
    %add3A = arith.addf %get3A_1, %get3A_4 : vector<2000x16xf32>
    %add3A_8 = arith.addf %add3A, %get3A_7 : vector<2000x16xf32>
    %mul3A = arith.constant 0.333333343 : f32
    %mul3A_9 = vector.broadcast %mul3A : f32 to vector<2000x16xf32>
    %mul3A_10 = arith.mulf %add3A_8, %mul3A_9 : vector<2000x16xf32>
    %sub3A = arith.subf %get3A_4, %get3A_1 : vector<2000x16xf32>
    %sub3A_11 = arith.subf %get3A_7, %get3A_1 : vector<2000x16xf32>
    %get3A_12 = arith.constant 0 : index
    %get3A_13 = arith.constant 0 : index
    %get3A_14 = vector.load %arg7[%get3A_12, %get3A_13] : memref<2000x16xf32, #tpu.memory_space<vmem>>, vector<2000x16xf32>
    %sub3A_15 = arith.subf %get3A_14, %mul3A_10 : vector<2000x16xf32>
    %slice3A = vector.extract_strided_slice %sub3A {offsets = [0, 1], sizes = [2000, 1], strides = [1, 1]} : vector<2000x16xf32> to vector<2000x1xf32>
    %slice3A_16 = vector.extract_strided_slice %sub3A_11 {offsets = [0, 2], sizes = [2000, 1], strides = [1, 1]} : vector<2000x16xf32> to vector<2000x1xf32>
    %mul3A_17 = arith.mulf %slice3A, %slice3A_16 : vector<2000x1xf32>
    %slice3A_18 = vector.extract_strided_slice %sub3A {offsets = [0, 2], sizes = [2000, 1], strides = [1, 1]} : vector<2000x16xf32> to vector<2000x1xf32>
    %slice3A_19 = vector.extract_strided_slice %sub3A_11 {offsets = [0, 1], sizes = [2000, 1], strides = [1, 1]} : vector<2000x16xf32> to vector<2000x1xf32>
    %mul3A_20 = arith.mulf %slice3A_18, %slice3A_19 : vector<2000x1xf32>
    %sub3A_21 = arith.subf %mul3A_17, %mul3A_20 : vector<2000x1xf32>
    %slice3A_22 = vector.extract_strided_slice %sub3A {offsets = [0, 2], sizes = [2000, 1], strides = [1, 1]} : vector<2000x16xf32> to vector<2000x1xf32>
    %slice3A_23 = vector.extract_strided_slice %sub3A_11 {offsets = [0, 0], sizes = [2000, 1], strides = [1, 1]} : vector<2000x16xf32> to vector<2000x1xf32>
    %mul3A_24 = arith.mulf %slice3A_22, %slice3A_23 : vector<2000x1xf32>
    %slice3A_25 = vector.extract_strided_slice %sub3A {offsets = [0, 0], sizes = [2000, 1], strides = [1, 1]} : vector<2000x16xf32> to vector<2000x1xf32>
    %slice3A_26 = vector.extract_strided_slice %sub3A_11 {offsets = [0, 2], sizes = [2000, 1], strides = [1, 1]} : vector<2000x16xf32> to vector<2000x1xf32>
    %mul3A_27 = arith.mulf %slice3A_25, %slice3A_26 : vector<2000x1xf32>
    %sub3A_28 = arith.subf %mul3A_24, %mul3A_27 : vector<2000x1xf32>
    %slice3A_29 = vector.extract_strided_slice %sub3A {offsets = [0, 0], sizes = [2000, 1], strides = [1, 1]} : vector<2000x16xf32> to vector<2000x1xf32>
    %slice3A_30 = vector.extract_strided_slice %sub3A_11 {offsets = [0, 1], sizes = [2000, 1], strides = [1, 1]} : vector<2000x16xf32> to vector<2000x1xf32>
    %mul3A_31 = arith.mulf %slice3A_29, %slice3A_30 : vector<2000x1xf32>
    %slice3A_32 = vector.extract_strided_slice %sub3A {offsets = [0, 1], sizes = [2000, 1], strides = [1, 1]} : vector<2000x16xf32> to vector<2000x1xf32>
    %slice3A_33 = vector.extract_strided_slice %sub3A_11 {offsets = [0, 0], sizes = [2000, 1], strides = [1, 1]} : vector<2000x16xf32> to vector<2000x1xf32>
    %mul3A_34 = arith.mulf %slice3A_32, %slice3A_33 : vector<2000x1xf32>
    %sub3A_35 = arith.subf %mul3A_31, %mul3A_34 : vector<2000x1xf32>
    %slice3A_36 = vector.extract_strided_slice %sub3A_15 {offsets = [0, 0], sizes = [2000, 1], strides = [1, 1]} : vector<2000x16xf32> to vector<2000x1xf32>
    %mul3A_37 = arith.mulf %sub3A_21, %slice3A_36 : vector<2000x1xf32>
    %slice3A_38 = vector.extract_strided_slice %sub3A_15 {offsets = [0, 1], sizes = [2000, 1], strides = [1, 1]} : vector<2000x16xf32> to vector<2000x1xf32>
    %mul3A_39 = arith.mulf %sub3A_28, %slice3A_38 : vector<2000x1xf32>
    %add3A_40 = arith.addf %mul3A_37, %mul3A_39 : vector<2000x1xf32>
    %slice3A_41 = vector.extract_strided_slice %sub3A_15 {offsets = [0, 2], sizes = [2000, 1], strides = [1, 1]} : vector<2000x16xf32> to vector<2000x1xf32>
    %mul3A_42 = arith.mulf %sub3A_35, %slice3A_41 : vector<2000x1xf32>
    %add3A_43 = arith.addf %add3A_40, %mul3A_42 : vector<2000x1xf32>
    %lt3A = arith.constant 0.000000e+00 : f32
    %lt3A_44 = vector.broadcast %lt3A : f32 to vector<2000x1xf32>
    %lt3A_45 = arith.cmpf olt, %add3A_43, %lt3A_44 : vector<2000x1xf32>
    %jit3A = arith.constant -1.000000e+00 : f32
    %jit3A_46 = arith.constant 1.000000e+00 : f32
    %broadcast_in_dim3A = vector.broadcast %jit3A : f32 to vector<2000x1xf32>
    %broadcast_in_dim3A_47 = vector.broadcast %jit3A_46 : f32 to vector<2000x1xf32>
    %select_n3A = arith.select %lt3A_45, %broadcast_in_dim3A, %broadcast_in_dim3A_47 : vector<2000x1xi1>, vector<2000x1xf32>
    %get3A_48 = arith.constant 0 : index
    %get3A_49 = arith.constant 0 : index
    %get3A_50 = vector.load %arg9[%get3A_48, %get3A_49] : memref<128x128xf32, #tpu.memory_space<vmem>>, vector<128x128xf32>
    %get3A_51 = arith.constant 0 : index
    %get3A_52 = arith.constant 0 : index
    %get3A_53 = vector.load %arg1[%get3A_51, %get3A_52] : memref<2000x128xf32, #tpu.memory_space<vmem>>, vector<2000x128xf32>
    %dot_general3A = arith.constant dense<0.000000e+00> : vector<2000x128xf32>
    %dot_general3A_54 = tpu.matmul %get3A_53, %get3A_50, %dot_general3A {dimension_numbers = #tpu.dot_dimension_numbers<[1], [1], [0], [0], [0, 0, 1, 0], [], []>, transpose_lhs_hint = false} : vector<2000x128xf32>, vector<128x128xf32>, vector<2000x128xf32> -> vector<2000x128xf32>
    %get3A_55 = arith.constant 0 : index
    %get3A_56 = arith.constant 0 : index
    %get3A_57 = vector.load %arg10[%get3A_55, %get3A_56] : memref<1x128xf32, #tpu.memory_space<vmem>>, vector<1x128xf32>
    %add3A_58 = vector.broadcast %get3A_57 : vector<1x128xf32> to vector<2000x128xf32>
    %add3A_59 = arith.addf %dot_general3A_54, %add3A_58 : vector<2000x128xf32>
    %get3A_60 = arith.constant 0 : index
    %get3A_61 = arith.constant 0 : index
    %get3A_62 = vector.load %arg2[%get3A_60, %get3A_61] : memref<2000x128xf32, #tpu.memory_space<vmem>>, vector<2000x128xf32>
    %dot_general3A_63 = arith.constant dense<0.000000e+00> : vector<2000x128xf32>
    %dot_general3A_64 = tpu.matmul %get3A_62, %get3A_50, %dot_general3A_63 {dimension_numbers = #tpu.dot_dimension_numbers<[1], [1], [0], [0], [0, 0, 1, 0], [], []>, transpose_lhs_hint = false} : vector<2000x128xf32>, vector<128x128xf32>, vector<2000x128xf32> -> vector<2000x128xf32>
    %get3A_65 = arith.constant 0 : index
    %get3A_66 = arith.constant 0 : index
    %get3A_67 = vector.load %arg10[%get3A_65, %get3A_66] : memref<1x128xf32, #tpu.memory_space<vmem>>, vector<1x128xf32>
    %add3A_68 = vector.broadcast %get3A_67 : vector<1x128xf32> to vector<2000x128xf32>
    %add3A_69 = arith.addf %dot_general3A_64, %add3A_68 : vector<2000x128xf32>
    %get3A_70 = arith.constant 0 : index
    %get3A_71 = arith.constant 0 : index
    %get3A_72 = vector.load %arg3[%get3A_70, %get3A_71] : memref<2000x128xf32, #tpu.memory_space<vmem>>, vector<2000x128xf32>
    %dot_general3A_73 = arith.constant dense<0.000000e+00> : vector<2000x128xf32>
    %dot_general3A_74 = tpu.matmul %get3A_72, %get3A_50, %dot_general3A_73 {dimension_numbers = #tpu.dot_dimension_numbers<[1], [1], [0], [0], [0, 0, 1, 0], [], []>, transpose_lhs_hint = false} : vector<2000x128xf32>, vector<128x128xf32>, vector<2000x128xf32> -> vector<2000x128xf32>
    %get3A_75 = arith.constant 0 : index
    %get3A_76 = arith.constant 0 : index
    %get3A_77 = vector.load %arg10[%get3A_75, %get3A_76] : memref<1x128xf32, #tpu.memory_space<vmem>>, vector<1x128xf32>
    %add3A_78 = vector.broadcast %get3A_77 : vector<1x128xf32> to vector<2000x128xf32>
    %add3A_79 = arith.addf %dot_general3A_74, %add3A_78 : vector<2000x128xf32>
    %sub3A_80 = arith.subf %add3A_79, %add3A_69 : vector<2000x128xf32>
    %mul3A_81 = vector.broadcast %select_n3A : vector<2000x1xf32> to vector<2000x128xf32>
    %mul3A_82 = arith.mulf %mul3A_81, %sub3A_80 : vector<2000x128xf32>
    %sub3A_83 = arith.subf %add3A_59, %add3A_79 : vector<2000x128xf32>
    %mul3A_84 = vector.broadcast %select_n3A : vector<2000x1xf32> to vector<2000x128xf32>
    %mul3A_85 = arith.mulf %mul3A_84, %sub3A_83 : vector<2000x128xf32>
    %sub3A_86 = arith.subf %add3A_69, %add3A_59 : vector<2000x128xf32>
    %mul3A_87 = vector.broadcast %select_n3A : vector<2000x1xf32> to vector<2000x128xf32>
    %mul3A_88 = arith.mulf %mul3A_87, %sub3A_86 : vector<2000x128xf32>
    %get3A_89 = arith.constant 0 : index
    %get3A_90 = arith.constant 0 : index
    %get3A_91 = vector.load %arg11[%get3A_89, %get3A_90] : memref<128x128xf32, #tpu.memory_space<vmem>>, vector<128x128xf32>
    %get3A_92 = arith.constant 0 : index
    %get3A_93 = arith.constant 0 : index
    %get3A_94 = vector.load %arg13[%get3A_92, %get3A_93] : memref<128x128xf32, #tpu.memory_space<vmem>>, vector<128x128xf32>
    %get3A_95 = arith.constant 0 : index
    %get3A_96 = arith.constant 0 : index
    %get3A_97 = vector.load %arg15[%get3A_95, %get3A_96] : memref<128x128xf32, #tpu.memory_space<vmem>>, vector<128x128xf32>
    %get3A_98 = arith.constant 0 : index
    %get3A_99 = arith.constant 0 : index
    %get3A_100 = vector.load %arg17[%get3A_98, %get3A_99] : memref<128x128xf32, #tpu.memory_space<vmem>>, vector<128x128xf32>
    %get3A_101 = arith.constant 0 : index
    %get3A_102 = arith.constant 0 : index
    %get3A_103 = vector.load %arg12[%get3A_101, %get3A_102] : memref<1x128xf32, #tpu.memory_space<vmem>>, vector<1x128xf32>
    %get3A_104 = arith.constant 0 : index
    %get3A_105 = arith.constant 0 : index
    %get3A_106 = vector.load %arg14[%get3A_104, %get3A_105] : memref<1x128xf32, #tpu.memory_space<vmem>>, vector<1x128xf32>
    %get3A_107 = arith.constant 0 : index
    %get3A_108 = arith.constant 0 : index
    %get3A_109 = vector.load %arg16[%get3A_107, %get3A_108] : memref<1x128xf32, #tpu.memory_space<vmem>>, vector<1x128xf32>
    %get3A_110 = arith.constant 0 : index
    %get3A_111 = arith.constant 0 : index
    %get3A_112 = vector.load %arg18[%get3A_110, %get3A_111] : memref<1x128xf32, #tpu.memory_space<vmem>>, vector<1x128xf32>
    %get3A_113 = arith.constant 0 : index
    %get3A_114 = arith.constant 0 : index
    %get3A_115 = vector.load %arg8[%get3A_113, %get3A_114] : memref<2000x128xf32, #tpu.memory_space<vmem>>, vector<2000x128xf32>
    %dot_general3A_116 = arith.constant dense<0.000000e+00> : vector<2000x128xf32>
    %dot_general3A_117 = tpu.matmul %mul3A_82, %get3A_91, %dot_general3A_116 {dimension_numbers = #tpu.dot_dimension_numbers<[1], [1], [0], [0], [0, 0, 1, 0], [], []>, transpose_lhs_hint = false} : vector<2000x128xf32>, vector<128x128xf32>, vector<2000x128xf32> -> vector<2000x128xf32>
    %add3A_118 = vector.broadcast %get3A_103 : vector<1x128xf32> to vector<2000x128xf32>
    %add3A_119 = arith.addf %dot_general3A_117, %add3A_118 : vector<2000x128xf32>
    %logistic3A = arith.negf %add3A_119 : vector<2000x128xf32>
    %logistic3A_120 = math.exp %logistic3A : vector<2000x128xf32>
    %logistic3A_121 = arith.constant 1.000000e+00 : f32
    %logistic3A_122 = vector.broadcast %logistic3A_121 : f32 to vector<2000x128xf32>
    %logistic3A_123 = arith.addf %logistic3A_122, %logistic3A_120 : vector<2000x128xf32>
    %logistic3A_124 = arith.divf %logistic3A_122, %logistic3A_123 : vector<2000x128xf32>
    %mul3A_125 = arith.mulf %add3A_119, %logistic3A_124 : vector<2000x128xf32>
    %dot_general3A_126 = arith.constant dense<0.000000e+00> : vector<2000x128xf32>
    %dot_general3A_127 = tpu.matmul %mul3A_125, %get3A_94, %dot_general3A_126 {dimension_numbers = #tpu.dot_dimension_numbers<[1], [1], [0], [0], [0, 0, 1, 0], [], []>, transpose_lhs_hint = false} : vector<2000x128xf32>, vector<128x128xf32>, vector<2000x128xf32> -> vector<2000x128xf32>
    %add3A_128 = vector.broadcast %get3A_106 : vector<1x128xf32> to vector<2000x128xf32>
    %add3A_129 = arith.addf %dot_general3A_127, %add3A_128 : vector<2000x128xf32>
    %add3A_130 = arith.addf %add3A_59, %add3A_129 : vector<2000x128xf32>
    %dot_general3A_131 = arith.constant dense<0.000000e+00> : vector<2000x128xf32>
    %dot_general3A_132 = tpu.matmul %add3A_130, %get3A_97, %dot_general3A_131 {dimension_numbers = #tpu.dot_dimension_numbers<[1], [1], [0], [0], [0, 0, 1, 0], [], []>, transpose_lhs_hint = false} : vector<2000x128xf32>, vector<128x128xf32>, vector<2000x128xf32> -> vector<2000x128xf32>
    %add3A_133 = vector.broadcast %get3A_109 : vector<1x128xf32> to vector<2000x128xf32>
    %add3A_134 = arith.addf %dot_general3A_132, %add3A_133 : vector<2000x128xf32>
    %logistic3A_135 = arith.negf %add3A_134 : vector<2000x128xf32>
    %logistic3A_136 = math.exp %logistic3A_135 : vector<2000x128xf32>
    %logistic3A_137 = arith.constant 1.000000e+00 : f32
    %logistic3A_138 = vector.broadcast %logistic3A_137 : f32 to vector<2000x128xf32>
    %logistic3A_139 = arith.addf %logistic3A_138, %logistic3A_136 : vector<2000x128xf32>
    %logistic3A_140 = arith.divf %logistic3A_138, %logistic3A_139 : vector<2000x128xf32>
    %mul3A_141 = arith.mulf %add3A_134, %logistic3A_140 : vector<2000x128xf32>
    %dot_general3A_142 = arith.constant dense<0.000000e+00> : vector<2000x128xf32>
    %dot_general3A_143 = tpu.matmul %mul3A_141, %get3A_100, %dot_general3A_142 {dimension_numbers = #tpu.dot_dimension_numbers<[1], [1], [0], [0], [0, 0, 1, 0], [], []>, transpose_lhs_hint = false} : vector<2000x128xf32>, vector<128x128xf32>, vector<2000x128xf32> -> vector<2000x128xf32>
    %add3A_144 = vector.broadcast %get3A_112 : vector<1x128xf32> to vector<2000x128xf32>
    %add3A_145 = arith.addf %dot_general3A_143, %add3A_144 : vector<2000x128xf32>
    %add3A_146 = arith.addf %get3A_115, %add3A_145 : vector<2000x128xf32>
    %dot_general3A_147 = arith.constant dense<0.000000e+00> : vector<2000x128xf32>
    %dot_general3A_148 = tpu.matmul %mul3A_85, %get3A_91, %dot_general3A_147 {dimension_numbers = #tpu.dot_dimension_numbers<[1], [1], [0], [0], [0, 0, 1, 0], [], []>, transpose_lhs_hint = false} : vector<2000x128xf32>, vector<128x128xf32>, vector<2000x128xf32> -> vector<2000x128xf32>
    %add3A_149 = vector.broadcast %get3A_103 : vector<1x128xf32> to vector<2000x128xf32>
    %add3A_150 = arith.addf %dot_general3A_148, %add3A_149 : vector<2000x128xf32>
    %logistic3A_151 = arith.negf %add3A_150 : vector<2000x128xf32>
    %logistic3A_152 = math.exp %logistic3A_151 : vector<2000x128xf32>
    %logistic3A_153 = arith.constant 1.000000e+00 : f32
    %logistic3A_154 = vector.broadcast %logistic3A_153 : f32 to vector<2000x128xf32>
    %logistic3A_155 = arith.addf %logistic3A_154, %logistic3A_152 : vector<2000x128xf32>
    %logistic3A_156 = arith.divf %logistic3A_154, %logistic3A_155 : vector<2000x128xf32>
    %mul3A_157 = arith.mulf %add3A_150, %logistic3A_156 : vector<2000x128xf32>
    %dot_general3A_158 = arith.constant dense<0.000000e+00> : vector<2000x128xf32>
    %dot_general3A_159 = tpu.matmul %mul3A_157, %get3A_94, %dot_general3A_158 {dimension_numbers = #tpu.dot_dimension_numbers<[1], [1], [0], [0], [0, 0, 1, 0], [], []>, transpose_lhs_hint = false} : vector<2000x128xf32>, vector<128x128xf32>, vector<2000x128xf32> -> vector<2000x128xf32>
    %add3A_160 = vector.broadcast %get3A_106 : vector<1x128xf32> to vector<2000x128xf32>
    %add3A_161 = arith.addf %dot_general3A_159, %add3A_160 : vector<2000x128xf32>
    %add3A_162 = arith.addf %add3A_69, %add3A_161 : vector<2000x128xf32>
    %dot_general3A_163 = arith.constant dense<0.000000e+00> : vector<2000x128xf32>
    %dot_general3A_164 = tpu.matmul %add3A_162, %get3A_97, %dot_general3A_163 {dimension_numbers = #tpu.dot_dimension_numbers<[1], [1], [0], [0], [0, 0, 1, 0], [], []>, transpose_lhs_hint = false} : vector<2000x128xf32>, vector<128x128xf32>, vector<2000x128xf32> -> vector<2000x128xf32>
    %add3A_165 = vector.broadcast %get3A_109 : vector<1x128xf32> to vector<2000x128xf32>
    %add3A_166 = arith.addf %dot_general3A_164, %add3A_165 : vector<2000x128xf32>
    %logistic3A_167 = arith.negf %add3A_166 : vector<2000x128xf32>
    %logistic3A_168 = math.exp %logistic3A_167 : vector<2000x128xf32>
    %logistic3A_169 = arith.constant 1.000000e+00 : f32
    %logistic3A_170 = vector.broadcast %logistic3A_169 : f32 to vector<2000x128xf32>
    %logistic3A_171 = arith.addf %logistic3A_170, %logistic3A_168 : vector<2000x128xf32>
    %logistic3A_172 = arith.divf %logistic3A_170, %logistic3A_171 : vector<2000x128xf32>
    %mul3A_173 = arith.mulf %add3A_166, %logistic3A_172 : vector<2000x128xf32>
    %dot_general3A_174 = arith.constant dense<0.000000e+00> : vector<2000x128xf32>
    %dot_general3A_175 = tpu.matmul %mul3A_173, %get3A_100, %dot_general3A_174 {dimension_numbers = #tpu.dot_dimension_numbers<[1], [1], [0], [0], [0, 0, 1, 0], [], []>, transpose_lhs_hint = false} : vector<2000x128xf32>, vector<128x128xf32>, vector<2000x128xf32> -> vector<2000x128xf32>
    %add3A_176 = vector.broadcast %get3A_112 : vector<1x128xf32> to vector<2000x128xf32>
    %add3A_177 = arith.addf %dot_general3A_175, %add3A_176 : vector<2000x128xf32>
    %add3A_178 = arith.addf %add3A_146, %add3A_177 : vector<2000x128xf32>
    %dot_general3A_179 = arith.constant dense<0.000000e+00> : vector<2000x128xf32>
    %dot_general3A_180 = tpu.matmul %mul3A_88, %get3A_91, %dot_general3A_179 {dimension_numbers = #tpu.dot_dimension_numbers<[1], [1], [0], [0], [0, 0, 1, 0], [], []>, transpose_lhs_hint = false} : vector<2000x128xf32>, vector<128x128xf32>, vector<2000x128xf32> -> vector<2000x128xf32>
    %add3A_181 = vector.broadcast %get3A_103 : vector<1x128xf32> to vector<2000x128xf32>
    %add3A_182 = arith.addf %dot_general3A_180, %add3A_181 : vector<2000x128xf32>
    %logistic3A_183 = arith.negf %add3A_182 : vector<2000x128xf32>
    %logistic3A_184 = math.exp %logistic3A_183 : vector<2000x128xf32>
    %logistic3A_185 = arith.constant 1.000000e+00 : f32
    %logistic3A_186 = vector.broadcast %logistic3A_185 : f32 to vector<2000x128xf32>
    %logistic3A_187 = arith.addf %logistic3A_186, %logistic3A_184 : vector<2000x128xf32>
    %logistic3A_188 = arith.divf %logistic3A_186, %logistic3A_187 : vector<2000x128xf32>
    %mul3A_189 = arith.mulf %add3A_182, %logistic3A_188 : vector<2000x128xf32>
    %dot_general3A_190 = arith.constant dense<0.000000e+00> : vector<2000x128xf32>
    %dot_general3A_191 = tpu.matmul %mul3A_189, %get3A_94, %dot_general3A_190 {dimension_numbers = #tpu.dot_dimension_numbers<[1], [1], [0], [0], [0, 0, 1, 0], [], []>, transpose_lhs_hint = false} : vector<2000x128xf32>, vector<128x128xf32>, vector<2000x128xf32> -> vector<2000x128xf32>
    %add3A_192 = vector.broadcast %get3A_106 : vector<1x128xf32> to vector<2000x128xf32>
    %add3A_193 = arith.addf %dot_general3A_191, %add3A_192 : vector<2000x128xf32>
    %add3A_194 = arith.addf %add3A_79, %add3A_193 : vector<2000x128xf32>
    %dot_general3A_195 = arith.constant dense<0.000000e+00> : vector<2000x128xf32>
    %dot_general3A_196 = tpu.matmul %add3A_194, %get3A_97, %dot_general3A_195 {dimension_numbers = #tpu.dot_dimension_numbers<[1], [1], [0], [0], [0, 0, 1, 0], [], []>, transpose_lhs_hint = false} : vector<2000x128xf32>, vector<128x128xf32>, vector<2000x128xf32> -> vector<2000x128xf32>
    %add3A_197 = vector.broadcast %get3A_109 : vector<1x128xf32> to vector<2000x128xf32>
    %add3A_198 = arith.addf %dot_general3A_196, %add3A_197 : vector<2000x128xf32>
    %logistic3A_199 = arith.negf %add3A_198 : vector<2000x128xf32>
    %logistic3A_200 = math.exp %logistic3A_199 : vector<2000x128xf32>
    %logistic3A_201 = arith.constant 1.000000e+00 : f32
    %logistic3A_202 = vector.broadcast %logistic3A_201 : f32 to vector<2000x128xf32>
    %logistic3A_203 = arith.addf %logistic3A_202, %logistic3A_200 : vector<2000x128xf32>
    %logistic3A_204 = arith.divf %logistic3A_202, %logistic3A_203 : vector<2000x128xf32>
    %mul3A_205 = arith.mulf %add3A_198, %logistic3A_204 : vector<2000x128xf32>
    %dot_general3A_206 = arith.constant dense<0.000000e+00> : vector<2000x128xf32>
    %dot_general3A_207 = tpu.matmul %mul3A_205, %get3A_100, %dot_general3A_206 {dimension_numbers = #tpu.dot_dimension_numbers<[1], [1], [0], [0], [0, 0, 1, 0], [], []>, transpose_lhs_hint = false} : vector<2000x128xf32>, vector<128x128xf32>, vector<2000x128xf32> -> vector<2000x128xf32>
    %add3A_208 = vector.broadcast %get3A_112 : vector<1x128xf32> to vector<2000x128xf32>
    %add3A_209 = arith.addf %dot_general3A_207, %add3A_208 : vector<2000x128xf32>
    %add3A_210 = arith.addf %add3A_178, %add3A_209 : vector<2000x128xf32>
    %swap3A = arith.constant 0 : index
    %swap3A_211 = arith.constant 0 : index
    %swap3A_212 = vector.load %arg19[%swap3A, %swap3A_211] : memref<2000x128xf32, #tpu.memory_space<vmem>>, vector<2000x128xf32>
    tpu.vector_store %arg19[%swap3A, %swap3A_211], %add3A_210 {strides = array<i32>} : memref<2000x128xf32, #tpu.memory_space<vmem>>, vector<2000x128xf32>,
    return
  }
  func.func @transform_0(%arg0: i32) -> (i32, i32) {
    %c0_i32 = arith.constant 0 : i32
    %c0_i32_0 = arith.constant 0 : i32
    return %arg0, %c0_i32 : i32, i32
  }
  func.func @transform_1(%arg0: i32) -> (i32, i32) {
    %c0_i32 = arith.constant 0 : i32
    %c0_i32_0 = arith.constant 0 : i32
    return %arg0, %c0_i32 : i32, i32
  }
  func.func @transform_2(%arg0: i32) -> (i32, i32) {
    %c0_i32 = arith.constant 0 : i32
    %c0_i32_0 = arith.constant 0 : i32
    return %arg0, %c0_i32 : i32, i32
  }
  func.func @transform_3(%arg0: i32) -> (i32, i32) {
    %c0_i32 = arith.constant 0 : i32
    %c0_i32_0 = arith.constant 0 : i32
    return %arg0, %c0_i32 : i32, i32
  }
  func.func @transform_4(%arg0: i32) -> (i32, i32) {
    %c0_i32 = arith.constant 0 : i32
    %c0_i32_0 = arith.constant 0 : i32
    return %arg0, %c0_i32 : i32, i32
  }
  func.func @transform_5(%arg0: i32) -> (i32, i32) {
    %c0_i32 = arith.constant 0 : i32
    %c0_i32_0 = arith.constant 0 : i32
    return %arg0, %c0_i32 : i32, i32
  }
  func.func @transform_6(%arg0: i32) -> (i32, i32) {
    %c0_i32 = arith.constant 0 : i32
    %c0_i32_0 = arith.constant 0 : i32
    return %arg0, %c0_i32 : i32, i32
  }
  func.func @transform_7(%arg0: i32) -> (i32, i32) {
    %c0_i32 = arith.constant 0 : i32
    %c0_i32_0 = arith.constant 0 : i32
    return %arg0, %c0_i32 : i32, i32
  }
  func.func @transform_8(%arg0: i32) -> (i32, i32) {
    %c0_i32 = arith.constant 0 : i32
    %c0_i32_0 = arith.constant 0 : i32
    %c0_i32_1 = arith.constant 0 : i32
    return %c0_i32, %c0_i32_0 : i32, i32
  }
  func.func @transform_9(%arg0: i32) -> (i32, i32) {
    %c0_i32 = arith.constant 0 : i32
    %c0_i32_0 = arith.constant 0 : i32
    %c0_i32_1 = arith.constant 0 : i32
    return %c0_i32, %c0_i32_0 : i32, i32
  }
  func.func @transform_10(%arg0: i32) -> (i32, i32) {
    %c0_i32 = arith.constant 0 : i32
    %c0_i32_0 = arith.constant 0 : i32
    %c0_i32_1 = arith.constant 0 : i32
    return %c0_i32, %c0_i32_0 : i32, i32
  }
  func.func @transform_11(%arg0: i32) -> (i32, i32) {
    %c0_i32 = arith.constant 0 : i32
    %c0_i32_0 = arith.constant 0 : i32
    %c0_i32_1 = arith.constant 0 : i32
    return %c0_i32, %c0_i32_0 : i32, i32
  }
  func.func @transform_12(%arg0: i32) -> (i32, i32) {
    %c0_i32 = arith.constant 0 : i32
    %c0_i32_0 = arith.constant 0 : i32
    %c0_i32_1 = arith.constant 0 : i32
    return %c0_i32, %c0_i32_0 : i32, i32
  }
  func.func @transform_13(%arg0: i32) -> (i32, i32) {
    %c0_i32 = arith.constant 0 : i32
    %c0_i32_0 = arith.constant 0 : i32
    %c0_i32_1 = arith.constant 0 : i32
    return %c0_i32, %c0_i32_0 : i32, i32
  }
  func.func @transform_14(%arg0: i32) -> (i32, i32) {
    %c0_i32 = arith.constant 0 : i32
    %c0_i32_0 = arith.constant 0 : i32
    %c0_i32_1 = arith.constant 0 : i32
    return %c0_i32, %c0_i32_0 : i32, i32
  }
  func.func @transform_15(%arg0: i32) -> (i32, i32) {
    %c0_i32 = arith.constant 0 : i32
    %c0_i32_0 = arith.constant 0 : i32
    %c0_i32_1 = arith.constant 0 : i32
    return %c0_i32, %c0_i32_0 : i32, i32
  }
  func.func @transform_16(%arg0: i32) -> (i32, i32) {
    %c0_i32 = arith.constant 0 : i32
    %c0_i32_0 = arith.constant 0 : i32
    %c0_i32_1 = arith.constant 0 : i32
    return %c0_i32, %c0_i32_0 : i32, i32
  }
  func.func @transform_17(%arg0: i32) -> (i32, i32) {
    %c0_i32 = arith.constant 0 : i32
    %c0_i32_0 = arith.constant 0 : i32
    %c0_i32_1 = arith.constant 0 : i32
    return %c0_i32, %c0_i32_0 : i32, i32
  }
  func.func @transform_18(%arg0: i32) -> (i32, i32) {
    %c0_i32 = arith.constant 0 : i32
    %c0_i32_0 = arith.constant 0 : i32
    return %arg0, %c0_i32 : i32, i32
  }
}

</mosaic_0001>

<sc_bundles>
// kernel: kernel.4.cloned.1.call-start
scs
__scs_entry_jumppad:
0x0: {  	(pc) =	sbr.rel $0x88, $3  }
0x1: {  	(tag) =	ssettag $0x0;
	lr =	simm.s32 $0x1  }
0x2: {  	[smem:$0x3F93] =	sst lr;
	_ =	strace $0xD0000000  }
0x3: {  	_ = 	snop  }
0x4: {  	_ = 	snop  }
0x5: {  	_ = 	snop  }
0x6: {  	_ = 	snop  }
0x7: {  	_ = 	snop  }
__scs_overlays_trampoline_lowered:
0x8: {  	[smem:$0x3FA2] =	sst s0  }
0x9: {  	[smem:$0x3FA3] =	sst s1  }
0xa: {  	[smem:$0x3FA4] =	sst s2  }
0xb: {  	[smem:$0x3FA5] =	sst s3  }
0xc: {  	[smem:$0x3FA6] =	sst s4  }
0xd: {  	[smem:$0x3FA7] =	sst s5  }
0xe: {  	[smem:$0x3FA8] =	sst s6  }
0xf: {  	[smem:$0x3FA9] =	sst s7  }
0x10: {  	[smem:$0x3FAA] =	sst s8  }
0x11: {  	[smem:$0x3FAB] =	sst s9;
	s0 =	simm.s32 @!p0 $0x0  }
0x12: {  	s1 =	sld [smem:$0x3F91];
	s0 =	simm.s32 @p0 $0x1  }
0x13: {  	[smem:$0x3FAC] =	sst s0;
	s0 =	simm.s32 @!p1 $0x0  }
0x14: {  	s2 =	sld [smem:$0x3F90];
	s0 =	simm.s32 @p1 $0x1  }
0x15: {  	[smem:$0x3FAD] =	sst s0;
	s0 =	simm.s32 @!p2 $0x0  }
0x16: {  	s3 =	sld [smem:$0x3FDB];
	s0 =	simm.s32 @p2 $0x1  }
0x17: {  	s4 =	simm.s32 $0x1BF5;
	[smem:$0x3FAF] =	sst s0  }
0x18: {  	s0 =	sld [smem:$0x3F92];
	_ =	swait.ge [sflag:s4], $0x0  }
0x19: {  	s7 =	sld [smem:$0x3F93]  }
0x1a: {  	s8 =	sadd.s32 $0xFFFFE003, lr  }
0x1b: {  	s9 =	sadd.s32 $0xFFFFFEF7, lr;
	s5 =	simm.s32 $0xFFFFFFFF;
	p2 =	slt.u32 s8, $0xFFFFF086  }
0x1c: {  	p1 =	slt.u32 s9, $0xF7A;
	s5 =	simm.s32 @!p2 $0x0  }
0x1d: {  	s5 =	simm.s32 @p1 $0x1;
	p0 =	seq.s32 s7, s2  }
0x1e: {  	s7 =	smul.u32 @!p0 $0xF7A, s2;
	p2 =	seq.s32 @!p0 s5, $0x0  }
0x1f: {  	s9 =	smul.u32 $0xF7A, s1;
	s8 =	simm.s32 @!p0 $0x1BF5;
	p2 =	por !p2, p0  }
0x20: {  	[sflag:s8] =	ssyncset.s32 @!p0 $0xFFFFF086;
	s6 =	sadd.s32 @!p0 s3, s7;
	s7 =	simm.s32 @!p0 $0x108  }
0x21: {  	s3 =	sadd.s32 s3, s9;
	s6 =	sadd.s32 @!p0 $0x88, s6;
	s7 =	simm.s32 @p2 $0x1082  }
0x22: {  	[simem:s7], [sflag:s8] =	dma.local @!p0 [hbm:s6], $0xF7A  }
0x23: {  	s9 =	sor.u32 $0xD0000000, s2;
	s6 =	simm.s32 $0x108;
	_ =	swait.ge @!p0 [sflag:s8], $0x0  }
0x24: {  	s3 =	sadd.s32 $0x88, s3;
	s6 =	simm.s32 @!p1 $0x1082;
	[sflag:s4] =	ssyncset.s32 $0xFFFFF086  }
0x25: {  	[simem:s6], [sflag:s4] =	dma.local [hbm:s3], $0xF7A  }
0x26: {  	[smem:$0x3F93] =	sst s1;
	(tag) =	ssettag s2;
	_ =	strace s9  }
0x27: {  	s1 =	sld [smem:$0x3FA3]  }
0x28: {  	s2 =	sld [smem:$0x3FA4]  }
0x29: {  	s4 =	sld [smem:$0x3FA6]  }
0x2a: {  	p0 =	seq.s32 s5, $0x0;
	s5 =	sld [smem:$0x3FA7]  }
0x2b: {  	s6 =	sld [smem:$0x3FA8]  }
0x2c: {  	s7 =	sld [smem:$0x3FA9]  }
0x2d: {  	s3 =	simm.s32 $0x108;
	s8 =	sld [smem:$0x3FAA]  }
0x2e: {  	s3 =	simm.s32 @!p0 $0x1082;
	s9 =	sld [smem:$0x3FAB]  }
0x2f: {  	lr =	sadd.s32 s0, s3;
	s0 =	sld [smem:$0x3FA2]  }
0x30: {  	s3 =	sld [smem:$0x3FA5]  }
0x31: {  	[smem:$0x3FAE] =	sst s10  }
0x32: {  	s10 =	sld [smem:$0x3FAC];
	_ =	sdelay $0x3  }
0x33: {  	p0 =	seq.s32 s10, $0x1;
	s10 =	sld [smem:$0x3FAE];
	_ =	sdelay $0x3  }
0x34: {  	[smem:$0x3FAE] =	sst s10  }
0x35: {  	s10 =	sld [smem:$0x3FAD];
	_ =	sdelay $0x3  }
0x36: {  	p1 =	seq.s32 s10, $0x1;
	s10 =	sld [smem:$0x3FAE];
	_ =	sdelay $0x3  }
0x37: {  	[smem:$0x3FAE] =	sst s10  }
0x38: {  	s10 =	sld [smem:$0x3FAF]  }
0x39: {  	_ = 	snop;
	(pc) =	sbr.ind lr, $3  }
0x3a: {  	_ = 	snop  }
0x3b: {  	_ = 	snop  }
0x3c: {  	p2 =	seq.s32 s10, $0x1;
	s10 =	sld [smem:$0x3FAE]  }
0x3d: {  	_ =	shalt  }
0x3e: {  	_ =	shalt  }
0x3f: {  	_ =	shalt  }
0x40: {  	_ =	shalt  }
0x41: {  	_ =	shalt  }
0x42: {  	_ =	shalt  }
0x43: {  	_ =	shalt  }
0x44: {  	_ =	shalt  }
0x45: {  	_ =	shalt  }
0x46: {  	_ =	shalt  }
0x47: {  	_ =	shalt  }
0x48: {  	_ =	shalt  }
0x49: {  	_ =	shalt  }
0x4a: {  	_ =	shalt  }
0x4b: {  	_ =	shalt  }
0x4c: {  	_ =	shalt  }
0x4d: {  	_ =	shalt  }
0x4e: {  	_ =	shalt  }
0x4f: {  	_ =	shalt  }
0x50: {  	_ =	shalt  }
0x51: {  	_ =	shalt  }
0x52: {  	_ =	shalt  }
0x53: {  	_ =	shalt  }
0x54: {  	_ =	shalt  }
0x55: {  	_ =	shalt  }
0x56: {  	_ =	shalt  }
0x57: {  	_ =	shalt  }
0x58: {  	_ =	shalt  }
0x59: {  	_ =	shalt  }
0x5a: {  	_ =	shalt  }
0x5b: {  	_ =	shalt  }
0x5c: {  	_ =	shalt  }
0x5d: {  	_ =	shalt  }
0x5e: {  	_ =	shalt  }
0x5f: {  	_ =	shalt  }
0x60: {  	_ =	shalt  }
0x61: {  	_ =	shalt  }
0x62: {  	_ =	shalt  }
0x63: {  	_ =	shalt  }
0x64: {  	_ =	shalt  }
0x65: {  	_ =	shalt  }
0x66: {  	_ =	shalt  }
0x67: {  	_ =	shalt  }
0x68: {  	_ =	shalt  }
0x69: {  	_ =	shalt  }
0x6a: {  	_ =	shalt  }
0x6b: {  	_ =	shalt  }
0x6c: {  	_ =	shalt  }
0x6d: {  	_ =	shalt  }
0x6e: {  	_ =	shalt  }
0x6f: {  	_ =	shalt  }
0x70: {  	_ =	shalt  }
0x71: {  	_ =	shalt  }
0x72: {  	_ =	shalt  }
0x73: {  	_ =	shalt  }
0x74: {  	_ =	shalt  }
0x75: {  	_ =	shalt  }
0x76: {  	_ =	shalt  }
0x77: {  	_ =	shalt  }
0x78: {  	_ =	shalt  }
0x79: {  	_ =	shalt  }
0x7a: {  	_ =	shalt  }
0x7b: {  	_ =	shalt  }
0x7c: {  	_ =	shalt  }
0x7d: {  	_ =	shalt  }
0x7e: {  	_ =	shalt  }
0x7f: {  	_ =	shalt  }
0x80: {  	_ =	shalt  }
0x81: {  	_ =	shalt  }
0x82: {  	_ =	shalt  }
0x83: {  	_ =	shalt  }
0x84: {  	_ =	shalt  }
0x85: {  	_ =	shalt  }
0x86: {  	_ =	shalt  }
0x87: {  	_ =	shalt  }
.Lfunc_end0:
.L_simem_size_0:
called_computation_lowered:
.L_overlay_start_0:
0x88: {  	s2 =	sld [smem:$0x3FD9]  }
0x89: {  	s3 =	sld [smem:$0x3FFE];
	_ =	sdelay $0x1  }
0x8a: {  	s1 =	srdreg.scid  }
0x8b: {  	s0 =	sand.u32 $0x1, s1  }
0x8c: {  	s17 =	sshll.u32 s0, $0xA;
	s2 =	sadd.s32 s3, s2  }
0x8d: {  	s2 =	sadd.s32 s2, s17  }
0x8e: {  	[smem:$0x3FBA] =	sst s2  }
0x8f: {  	_ = 	snop  }
0x90: {  	s2 =	sld [smem:$0x3FC9]  }
0x91: {  	s18 =	sld [smem:$0x3FD0];
	(tm) =	ssettm $0x1  }
0x92: {  	s4 =	sld [smem:$0x3FFB];
	_ =	sdelay $0x3  }
0x93: {  	_ =	strace s4  }
0x94: {  	s4 =	sld [smem:$0x3FFC];
	_ =	sdelay $0x3  }
0x95: {  	_ =	strace s4  }
0x96: {  	s4 =	sld [smem:$0x3FFD];
	_ =	sdelay $0x3  }
0x97: {  	_ =	strace s4  }
0x98: {  	_ =	strace $0x8FFFFFFF  }
0x99: {  	s19 =	sld [smem:$0x3FDB];
	_ =	sdelay $0x1  }
0x9a: {  	s5 =	simm.s32 $_scs_section_size  }
0x9b: {  	s6 =	simm.s32 $_size__tile_overlayer_lowered;
	s7 =	simm.s32 $_tile_overlayer_lowered  }
0x9c: {  	s22 =	simm.s32 $0x1BFF;
	s21 =	sshll.u32 s7, $0x1;
	s4 =	sadd.s32 s5, s19  }
0x9d: {  	s8 =	simm.s32 $0x0;
	s20 =	sshll.u32 s6, $0x1;
	s6 =	sadd.s32 s21, s4  }
0x9e: {  	[timem:s8], [sflag:s22] =	dma.local [hbm:s6], s20  }
0x9f: {  	_ =	swait.ge [sflag:s22], s20  }
0xa0: {  	s5 =	ssub.s32 $0x0, s20;
	[sflag:s22] =	ssyncset.done $0x0  }
0xa1: {  	[sflag:s22] =	ssyncadd.s32 s5;
	_ =	sdelay $0x1  }
0xa2: {  	s23 =	simm.s32 $0x1B8B  }
0xa3: {  	_ =	swait.ge [sflag:s23], $0x1  }
0xa4: {  	[sflag:s23] =	ssyncset.done $0x0  }
0xa5: {  	s25 =	simm.s32 $0x1B8E;
	s24 =	sld [smem:$0x3FFE];
	[sflag:s23] =	ssyncadd.s32 $0xFFFFFFFF  }
0xa6: {  	s26 =	simm.s32 $execute0_lowered;
	[smem:$0x3FD2] =	sst s25  }
0xa7: {  	s6 =	sshll.u32 s26, $0x1;
	_ =	strace $0x80000046;
	[dreg:$0x1] =	wrdreg $0xFFFFFFFF  }
0xa8: {  	s28 =	simm.s32 $_size_execute0_lowered;
	s4 =	sadd.s32 s4, s6;
	[dreg:$0x0] =	wrdreg $0x0  }
0xa9: {  	s6 =	sshll.u32 s28, $0x1;
	[dreg:$0x2] =	wrdreg s4  }
0xaa: {  	[dreg:$0x3] =	wrdreg s6  }
0xab: {  	[dreg:$0x4] =	wrdreg $0xC0  }
0xac: {  	_ =	task [dreg:s8], $0x5FFFF  }
0xad: {  	[dreg:$0x1] =	wrdreg $0xFFFFFFFF  }
0xae: {  	[dreg:$0x0] =	wrdreg $0x60  }
0xaf: {  	[dreg:$0x2] =	wrdreg s2  }
0xb0: {  	[dreg:$0x3] =	wrdreg s24  }
0xb1: {  	[dreg:$0x4] =	wrdreg s18  }
0xb2: {  	[dreg:$0x5] =	wrdreg $0x9  }
0xb3: {  	_ =	task.clear_ibuf [dreg:s8], $0x6FFFF;
	_ =	strace $0x90000046  }
0xb4: {  	s29 =	simm.s32 $0x9;
	_ =	strace $0x80000048  }
0xb5: {  	_ =	swait.ge [sflag:s29], $0x1  }
0xb6: {  	[sflag:s29] =	ssyncadd.s32 $0xFFFFFFFF  }
0xb7: {  	_ =	strace $0x90000048  }
0xb8: {  	_ =	sfence  }
0xb9: {  	s30 =	sld [smem:$0x0];
	_ =	sdelay $0x2  }
0xba: {  	s31 =	sshll.u32 s1, $0xD;
	s1 =	sshrl.u32 s1, $0x2  }
0xbb: {  	s3 =	sand.u32 $0x4000, s31;
	s1 =	sadd.s32 s1, s30  }
0xbc: {  	s0 =	sor.u32 s3, s0;
	s1 =	sshll.u32 s1, $0x11  }
0xbd: {  	s0 =	sor.u32 s1, s0  }
0xbe: {  	s0 =	sadd.s32 $0x8F2B, s0  }
0xbf: {  	[sflag:s0] =	ssyncadd.remote.s32 $0x1  }
0xc0: {  	_ =	sfence.sel $0xFFFF  }
0xc1: {  	[dreg:$0x0] =	wrdreg $0xFFFFFFFF;
	(pc) =	sbr.abs _section_cstart, $3  }
0xc2: {  	[dreg:$0x1] =	wrdreg $0xFFFFFFFF  }
0xc3: {  	_ =	task.clear_ibuf [dreg:s8], $0x2FFFF;
	_ =	strace $0x9FFFFFFF  }
0xc4: {  	(tm) =	ssettm $0x7FFFFFFF  }
0xc5: {  	_ =	shalt  }
tec
execute0_lowered:
.L_overlay_start_1:
0x0: {  	(tag) =	ssettag $0x1  }
0x1: {  	s0 =	srdreg.scid;
	s17 =	stileid.u32;
	s1 =	simm.s32 $0x0  }
0x2: {  	s4 =	rddreg [dreg:$0x2];
	s30 =	simm.s32 $0x6;
	s31 =	simm.s32 $0x8  }
0x3: {  	s2 =	sand.u32 $0x1, s0;
	s0 =	rddreg [dreg:$0x1];
	s12 =	smul.u32 $0x1880, s17  }
0x4: {  	s3 =	sshll.u32 s17, $0x1;
	[smem:$0x7FF] =	sst s1;
	s24 =	smul.u32 $0x3100, s17  }
0x5: {  	s3 =	sor.u32 s2, s3;
	s5 =	sadd.s32 $0x223C00, s0;
	s6 =	sadd.s32 $0x3ABC00, s0  }
0x6: {  	s7 =	sadd.s32 $0x533C00, s0;
	s9 =	ssub.s32 $0x2, s2;
	s13 =	smul.u32 $0xC40, s2  }
0x7: {  	s8 =	sadd.s32 $0x1C1C00, s0;
	s3 =	smul.u32 $0xC40, s3;
	s11 =	sshrl.u32 s9, $0x1  }
0x8: {  	s10 =	sadd.s32 $0x1F2C00, s0;
	s29 =	sadd.s32 $0x190E00, s0;
	s9 =	ssub.s32 s9, s11  }
0x9: {  	s12 =	sadd.s32 s13, s12;
	s19 =	sadd.s32 $0xA80, s3;
	s14 =	sadd.s32 $0xB60, s3  }
0xa: {  	s12 =	sadd.s32 $0xE0, s12;
	s3 =	sshrl.u32 s3, $0x3;
	s11 =	sshll.u32 s19, $0x1  }
0xb: {  	s15 =	sshll.u32 s19, $0x4;
	s20 =	sshll.u32 s14, $0x1;
	s16 =	sadd.s32 s4, s11  }
0xc: {  	s12 =	sshrl.u32 s12, $0x5;
	s21 =	sadd.s32 s4, s20;
	[dreg:$0x4] =	wrdreg s16  }
0xd: {  	s19 =	smul.u32 $0x1880, s2;
	s22 =	sadd.s32 s8, s11;
	[dreg:$0x5] =	wrdreg s21  }
0xe: {  	s2 =	smul.u32 $0xC400, s2;
	s23 =	sadd.s32 s8, s20;
	[dreg:$0x6] =	wrdreg s22  }
0xf: {  	s3 =	sadd.s32 s3, s0;
	s11 =	sadd.s32 s10, s11;
	[dreg:$0x7] =	wrdreg s23  }
0x10: {  	s25 =	sadd.s32 s10, s20;
	s26 =	sshll.u32 s12, $0x6;
	[dreg:$0x8] =	wrdreg s11  }
0x11: {  	s20 =	sadd.s32 s5, s15;
	s13 =	sshll.u32 s12, $0x9;
	[dreg:$0x9] =	wrdreg s25  }
0x12: {  	s18 =	sadd.s32 s26, s4;
	s4 =	sadd.s32 s24, s4;
	[dreg:$0xd] =	wrdreg s20  }
0x13: {  	s11 =	sadd.s32 s26, s10;
	s10 =	sadd.s32 s24, s10;
	[dreg:$0xa] =	wrdreg s18  }
0x14: {  	s21 =	sshll.u32 s14, $0x4;
	s25 =	sadd.s32 s7, s15;
	[dreg:$0xc] =	wrdreg s11  }
0x15: {  	s20 =	sadd.s32 s13, s5;
	s18 =	sadd.s32 s26, s8;
	[dreg:$0x12] =	wrdreg s25  }
0x16: {  	s8 =	sadd.s32 s24, s8;
	s4 =	sadd.s32 s19, s4;
	[dreg:$0xb] =	wrdreg s18  }
0x17: {  	s23 =	sadd.s32 s19, s10;
	s24 =	sadd.s32 s6, s15;
	[dreg:$0xe] =	wrdreg s4  }
0x18: {  	s26 =	smul.u32 $0x18800, s17;
	s14 =	sadd.s32 s5, s21;
	[dreg:$0x10] =	wrdreg s23  }
0x19: {  	s15 =	sadd.s32 s6, s21;
	s16 =	sadd.s32 s7, s21;
	[dreg:$0x11] =	wrdreg s24  }
0x1a: {  	s17 =	sadd.s32 $0x7200, s3;
	s21 =	smax.u32 s9, $0x1;
	[dreg:$0x13] =	wrdreg s14  }
0x1b: {  	s11 =	simm.s32 $0x1;
	s22 =	sadd.s32 s19, s8;
	[dreg:$0x14] =	wrdreg s15  }
0x1c: {  	[dreg:$0x15] =	wrdreg s16;
	s23 =	sadd.s32 s13, s6;
	s24 =	sadd.s32 s13, s7  }
0x1d: {  	s18 =	sadd.s32 $0x4000, s3;
	s19 =	sadd.s32 $0xE00, s3;
	s3 =	simm.s32 $0xE0  }
0x1e: {  	s15 =	simm.s32 $0x3;
	s16 =	simm.s32 $0x5;
	[dreg:$0xf] =	wrdreg s22  }
0x1f: {  	s5 =	sadd.s32 s26, s5;
	s22 =	rddreg [dreg:$0x0];
	s6 =	sadd.s32 s26, s6  }
0x20: {  	s4 =	sadd.s32 s26, s7;
	_ =	strace $0x80000047;
	[dreg:$0x16] =	wrdreg s17  }
0x21: {  	s7 =	simm.s32 $0xFA40;
	s25 =	sadd.s32 s2, s5;
	[dreg:$0x17] =	wrdreg s18  }
0x22: {  	s26 =	sadd.s32 s2, s6;
	s28 =	sadd.s32 s2, s4;
	[dreg:$0x18] =	wrdreg s19  }
0x23: {  	[dreg:$0x19] =	wrdreg s21;
	s2 =	simm.s32 $0x9;
	s4 =	simm.s32 $0xC40  }
0x24: {  	s5 =	simm.s32 $0xEC40;
	s6 =	simm.s32 $0x7C40;
	s17 =	simm.s32 $0x7  }
0x25: {  	s18 =	simm.s32 $0x2;
	s19 =	simm.s32 $0x4;
	s21 =	simm.s32 $0x0  }
.LBB2_1:
0x26: {  	s0 =	rddreg [dreg:$0x16]  }
0x27: {  	[tilespmem:s1], [sflag:$0x9] =	stream.linear.gather [hbm4b:s0+s1], $0xC40, $0x38;
	[tilespmem:$0x10840] =	vst v63  }
0x28: {  	_ =	swait.ge [sflag:s2], $0xC40  }
0x29: {  	[sflag:s2] =	ssyncset.done $0x0  }
0x2a: {  	[sflag:s2] =	ssyncadd.s32 $0xFFFFF3C0  }
0x2b: {  	[tilespmem:s4], [sflag:$0x1] =	stream.indirect.gather [hbm4b:s22+s3], $0x80, s1, s3, $0xb8;
	[tilespmem:$0x10840] =	vst v63  }
0x2c: {  	_ = 	snop  }
0x2d: {  	[tilespmem:s5], [sflag:$0x3] =	stream.indirect.gather [hbm4b:s29+s3], $0x10, s1, s3, $0xb8;
	[tilespmem:$0x10840] =	vst v63  }
0x2e: {  	_ = 	snop  }
0x2f: {  	[tilespmem:s6], [sflag:$0x2] =	stream.indirect.gather [hbm4b:s22+s3], $0x80, s3, s3, $0xb8;
	[tilespmem:$0x10840] =	vst v63  }
0x30: {  	_ = 	snop  }
0x31: {  	[tilespmem:s7], [sflag:$0x4] =	stream.indirect.gather [hbm4b:s29+s3], $0x10, s3, s3, $0xb8;
	[tilespmem:$0x10840] =	vst v63  }
0x32: {  	_ =	swait.ge [sflag:s11], $0x7000  }
0x33: {  	[sflag:s11] =	ssyncset.done $0x0  }
0x34: {  	[sflag:s11] =	ssyncadd.s32 $0xFFFF9000  }
0x35: {  	_ =	swait.ge [sflag:s15], $0xE00  }
0x36: {  	[sflag:s15] =	ssyncset.done $0x0  }
0x37: {  	[sflag:s15] =	ssyncadd.s32 $0xFFFFF200  }
0x38: {  	[hbm4b:s25+s1] =	stream.linear.scatter [tilespmem:s4], [sflag:$0x5], $0x7000, $0x38;
	[tilespmem:$0x10840] =	vst v63  }
0x39: {  	s12 =	rddreg [dreg:$0xe]  }
0x3a: {  	[hbm4b:s12+s1] =	stream.linear.scatter [tilespmem:s5], [sflag:$0x7], $0xE00, $0x38;
	[tilespmem:$0x10840] =	vst v63  }
0x3b: {  	_ =	swait.ge [sflag:s16], $0x7000  }
0x3c: {  	[sflag:s16] =	ssyncset.done $0x0  }
0x3d: {  	[sflag:s16] =	ssyncadd.s32 $0xFFFF9000  }
0x3e: {  	_ =	swait.ge [sflag:s17], $0xE00  }
0x3f: {  	[sflag:s17] =	ssyncset.done $0x0  }
0x40: {  	s14 =	simm.s32 $0x1C0;
	[sflag:s17] =	ssyncadd.s32 $0xFFFFF200  }
0x41: {  	[tilespmem:s4], [sflag:$0x1] =	stream.indirect.gather [hbm4b:s22+s3], $0x80, s14, s3, $0xb8;
	[tilespmem:$0x10840] =	vst v63  }
0x42: {  	_ = 	snop  }
0x43: {  	[tilespmem:s5], [sflag:$0x3] =	stream.indirect.gather [hbm4b:s29+s3], $0x10, s14, s3, $0xb8;
	[tilespmem:$0x10840] =	vst v63  }
0x44: {  	_ =	swait.ge [sflag:s18], $0x7000  }
0x45: {  	[sflag:s18] =	ssyncset.done $0x0  }
0x46: {  	[sflag:s18] =	ssyncadd.s32 $0xFFFF9000  }
0x47: {  	_ =	swait.ge [sflag:s19], $0xE00  }
0x48: {  	[sflag:s19] =	ssyncset.done $0x0  }
0x49: {  	[sflag:s19] =	ssyncadd.s32 $0xFFFFF200  }
0x4a: {  	[hbm4b:s20+s1] =	stream.linear.scatter [tilespmem:s6], [sflag:$0x6], $0x7000, $0x38;
	[tilespmem:$0x10840] =	vst v63  }
0x4b: {  	s9 =	rddreg [dreg:$0xa]  }
0x4c: {  	[hbm4b:s9+s1] =	stream.linear.scatter [tilespmem:s7], [sflag:$0x8], $0xE00, $0x38;
	[tilespmem:$0x10840] =	vst v63  }
0x4d: {  	_ =	swait.ge [sflag:s30], $0x7000  }
0x4e: {  	[sflag:s30] =	ssyncset.done $0x0  }
0x4f: {  	[sflag:s30] =	ssyncadd.s32 $0xFFFF9000  }
0x50: {  	s13 =	simm.s32 $0x2A0;
	s8 =	sadd.s32 $0x1C00, s25;
	_ =	swait.ge [sflag:s31], $0xE00  }
0x51: {  	s10 =	sadd.s32 $0x1C00, s20;
	s0 =	simm.s32 $0x700;
	[sflag:s31] =	ssyncset.done $0x0  }
0x52: {  	s12 =	sadd.s32 $0x380, s12;
	s9 =	sadd.s32 $0x380, s9;
	[sflag:s31] =	ssyncadd.s32 $0xFFFFF200  }
0x53: {  	[tilespmem:s6], [sflag:$0x2] =	stream.indirect.gather [hbm4b:s22+s3], $0x80, s13, s3, $0xb8;
	[tilespmem:$0x10840] =	vst v63  }
.LBB2_2:
0x54: {  	[tilespmem:s7], [sflag:$0x4] =	stream.indirect.gather [hbm4b:s29+s3], $0x10, s13, s3, $0xb8;
	[tilespmem:$0x10840] =	vst v63  }
0x55: {  	s13 =	smov.u32 s0  }
0x56: {  	p0 =	sne.s32 s0, $0x2300;
	s0 =	sadd.s32 $0x700, s0;
	_ =	swait.ge [sflag:s11], $0x7000  }
0x57: {  	[sflag:s11] =	ssyncset.done $0x0  }
0x58: {  	[sflag:s11] =	ssyncadd.s32 $0xFFFF9000  }
0x59: {  	_ =	swait.ge [sflag:s15], $0xE00  }
0x5a: {  	[sflag:s15] =	ssyncset.done $0x0  }
0x5b: {  	[sflag:s15] =	ssyncadd.s32 $0xFFFFF200  }
0x5c: {  	[hbm4b:s8+s1] =	stream.linear.scatter [tilespmem:s4], [sflag:$0x5], $0x7000, $0x38;
	[tilespmem:$0x10840] =	vst v63  }
0x5d: {  	_ = 	snop  }
0x5e: {  	[hbm4b:s12+s1] =	stream.linear.scatter [tilespmem:s5], [sflag:$0x7], $0xE00, $0x38;
	[tilespmem:$0x10840] =	vst v63  }
0x5f: {  	_ =	swait.ge [sflag:s16], $0x7000  }
0x60: {  	[sflag:s16] =	ssyncset.done $0x0  }
0x61: {  	[sflag:s16] =	ssyncadd.s32 $0xFFFF9000  }
0x62: {  	_ =	swait.ge [sflag:s17], $0xE00  }
0x63: {  	s13 =	sshra.s32 s13, $0x2;
	[sflag:s17] =	ssyncset.done $0x0  }
0x64: {  	s14 =	sadd.s32 $0x1C0, s13;
	[sflag:s17] =	ssyncadd.s32 $0xFFFFF200  }
0x65: {  	[tilespmem:s4], [sflag:$0x1] =	stream.indirect.gather [hbm4b:s22+s3], $0x80, s14, s3, $0xb8;
	[tilespmem:$0x10840] =	vst v63  }
0x66: {  	_ = 	snop  }
0x67: {  	[tilespmem:s5], [sflag:$0x3] =	stream.indirect.gather [hbm4b:s29+s3], $0x10, s14, s3, $0xb8;
	[tilespmem:$0x10840] =	vst v63  }
0x68: {  	_ =	swait.ge [sflag:s18], $0x7000  }
0x69: {  	[sflag:s18] =	ssyncset.done $0x0  }
0x6a: {  	[sflag:s18] =	ssyncadd.s32 $0xFFFF9000  }
0x6b: {  	_ =	swait.ge [sflag:s19], $0xE00  }
0x6c: {  	[sflag:s19] =	ssyncset.done $0x0  }
0x6d: {  	[sflag:s19] =	ssyncadd.s32 $0xFFFFF200  }
0x6e: {  	[hbm4b:s10+s1] =	stream.linear.scatter [tilespmem:s6], [sflag:$0x6], $0x7000, $0x38;
	[tilespmem:$0x10840] =	vst v63  }
0x6f: {  	_ = 	snop  }
0x70: {  	[hbm4b:s9+s1] =	stream.linear.scatter [tilespmem:s7], [sflag:$0x8], $0xE00, $0x38;
	[tilespmem:$0x10840] =	vst v63  }
0x71: {  	_ =	swait.ge [sflag:s30], $0x7000  }
0x72: {  	[sflag:s30] =	ssyncset.done $0x0  }
0x73: {  	[sflag:s30] =	ssyncadd.s32 $0xFFFF9000  }
.Ltmp0:
0x74: {  	_ =	swait.ge [sflag:s31], $0xE00;
	(pc) =	sbr.rel @p0 .LBB2_2-.Ltmp0, $4  }
0x75: {  	[sflag:s31] =	ssyncset.done $0x0  }
0x76: {  	s13 =	sadd.s32 $0x2A0, s13;
	s8 =	sadd.s32 $0x1C00, s8;
	[sflag:s31] =	ssyncadd.s32 $0xFFFFF200  }
0x77: {  	[tilespmem:s6], [sflag:$0x2] =	stream.indirect.gather [hbm4b:s22+s3], $0x80, s13, s3, $0xb8;
	[tilespmem:$0x10840] =	vst v63  }
0x78: {  	s12 =	sadd.s32 $0x380, s12;
	s10 =	sadd.s32 $0x1C00, s10;
	s9 =	sadd.s32 $0x380, s9  }
0x79: {  	[tilespmem:s7], [sflag:$0x4] =	stream.indirect.gather [hbm4b:s29+s3], $0x10, s13, s3, $0xb8;
	[tilespmem:$0x10840] =	vst v63  }
0x7a: {  	_ =	swait.ge [sflag:s11], $0x7000  }
0x7b: {  	[sflag:s11] =	ssyncset.done $0x0  }
0x7c: {  	[sflag:s11] =	ssyncadd.s32 $0xFFFF9000  }
0x7d: {  	_ =	swait.ge [sflag:s15], $0xE00  }
0x7e: {  	[sflag:s15] =	ssyncset.done $0x0  }
0x7f: {  	s0 =	simm.s32 $0x0;
	s8 =	rddreg [dreg:$0xd];
	[sflag:s15] =	ssyncadd.s32 $0xFFFFF200  }
0x80: {  	[hbm4b:s8+s0] =	stream.linear.scatter [tilespmem:s4], [sflag:$0x5], $0x7000, $0x38;
	[tilespmem:$0x10840] =	vst v63  }
0x81: {  	s9 =	rddreg [dreg:$0x4]  }
0x82: {  	[hbm4b:s9+s0] =	stream.linear.scatter [tilespmem:s5], [sflag:$0x7], $0xE00, $0x38;
	[tilespmem:$0x10840] =	vst v63  }
0x83: {  	_ =	swait.ge [sflag:s18], $0x7000  }
0x84: {  	[sflag:s18] =	ssyncset.done $0x0  }
0x85: {  	[sflag:s18] =	ssyncadd.s32 $0xFFFF9000  }
0x86: {  	_ =	swait.ge [sflag:s19], $0xE00  }
0x87: {  	[sflag:s19] =	ssyncset.done $0x0  }
0x88: {  	s10 =	rddreg [dreg:$0x13];
	[sflag:s19] =	ssyncadd.s32 $0xFFFFF200  }
0x89: {  	[hbm4b:s10+s0] =	stream.linear.scatter [tilespmem:s6], [sflag:$0x6], $0x7000, $0x38;
	[tilespmem:$0x10840] =	vst v63  }
0x8a: {  	s12 =	rddreg [dreg:$0x5]  }
0x8b: {  	[hbm4b:s12+s0] =	stream.linear.scatter [tilespmem:s7], [sflag:$0x8], $0xE00, $0x38;
	[tilespmem:$0x10840] =	vst v63  }
0x8c: {  	s13 =	rddreg [dreg:$0x17]  }
0x8d: {  	[tilespmem:s0], [sflag:$0x9] =	stream.linear.gather [hbm4b:s13+s0], $0xC40, $0x38;
	[tilespmem:$0x10840] =	vst v63  }
0x8e: {  	_ =	swait.ge [sflag:s2], $0xC40  }
0x8f: {  	[sflag:s2] =	ssyncset.done $0x0  }
0x90: {  	[sflag:s2] =	ssyncadd.s32 $0xFFFFF3C0  }
0x91: {  	_ =	swait.ge [sflag:s16], $0x7000  }
0x92: {  	[sflag:s16] =	ssyncset.done $0x0  }
0x93: {  	[sflag:s16] =	ssyncadd.s32 $0xFFFF9000  }
0x94: {  	_ =	swait.ge [sflag:s17], $0xE00  }
0x95: {  	[sflag:s17] =	ssyncset.done $0x0  }
0x96: {  	[sflag:s17] =	ssyncadd.s32 $0xFFFFF200  }
0x97: {  	[tilespmem:s4], [sflag:$0x1] =	stream.indirect.gather [hbm4b:s22+s3], $0x80, s0, s3, $0xb8;
	[tilespmem:$0x10840] =	vst v63  }
0x98: {  	_ = 	snop  }
0x99: {  	[tilespmem:s5], [sflag:$0x3] =	stream.indirect.gather [hbm4b:s29+s3], $0x10, s0, s3, $0xb8;
	[tilespmem:$0x10840] =	vst v63  }
0x9a: {  	_ =	swait.ge [sflag:s30], $0x7000  }
0x9b: {  	[sflag:s30] =	ssyncset.done $0x0  }
0x9c: {  	[sflag:s30] =	ssyncadd.s32 $0xFFFF9000  }
0x9d: {  	_ =	swait.ge [sflag:s31], $0xE00  }
0x9e: {  	[sflag:s31] =	ssyncset.done $0x0  }
0x9f: {  	[sflag:s31] =	ssyncadd.s32 $0xFFFFF200  }
0xa0: {  	[tilespmem:s6], [sflag:$0x2] =	stream.indirect.gather [hbm4b:s22+s3], $0x80, s3, s3, $0xb8;
	[tilespmem:$0x10840] =	vst v63  }
0xa1: {  	_ = 	snop  }
0xa2: {  	[tilespmem:s7], [sflag:$0x4] =	stream.indirect.gather [hbm4b:s29+s3], $0x10, s3, s3, $0xb8;
	[tilespmem:$0x10840] =	vst v63  }
0xa3: {  	_ =	swait.ge [sflag:s11], $0x7000  }
0xa4: {  	[sflag:s11] =	ssyncset.done $0x0  }
0xa5: {  	[sflag:s11] =	ssyncadd.s32 $0xFFFF9000  }
0xa6: {  	_ =	swait.ge [sflag:s15], $0xE00  }
0xa7: {  	[sflag:s15] =	ssyncset.done $0x0  }
0xa8: {  	[sflag:s15] =	ssyncadd.s32 $0xFFFFF200  }
0xa9: {  	[hbm4b:s26+s1] =	stream.linear.scatter [tilespmem:s4], [sflag:$0x5], $0x7000, $0x38;
	[tilespmem:$0x10840] =	vst v63  }
0xaa: {  	s12 =	rddreg [dreg:$0xf]  }
0xab: {  	[hbm4b:s12+s1] =	stream.linear.scatter [tilespmem:s5], [sflag:$0x7], $0xE00, $0x38;
	[tilespmem:$0x10840] =	vst v63  }
0xac: {  	_ =	swait.ge [sflag:s16], $0x7000  }
0xad: {  	[sflag:s16] =	ssyncset.done $0x0  }
0xae: {  	[sflag:s16] =	ssyncadd.s32 $0xFFFF9000  }
0xaf: {  	_ =	swait.ge [sflag:s17], $0xE00  }
0xb0: {  	[sflag:s17] =	ssyncset.done $0x0  }
0xb1: {  	s14 =	simm.s32 $0x1C0;
	[sflag:s17] =	ssyncadd.s32 $0xFFFFF200  }
0xb2: {  	[tilespmem:s4], [sflag:$0x1] =	stream.indirect.gather [hbm4b:s22+s3], $0x80, s14, s3, $0xb8;
	[tilespmem:$0x10840] =	vst v63  }
0xb3: {  	_ = 	snop  }
0xb4: {  	[tilespmem:s5], [sflag:$0x3] =	stream.indirect.gather [hbm4b:s29+s3], $0x10, s14, s3, $0xb8;
	[tilespmem:$0x10840] =	vst v63  }
0xb5: {  	_ =	swait.ge [sflag:s18], $0x7000  }
0xb6: {  	[sflag:s18] =	ssyncset.done $0x0  }
0xb7: {  	[sflag:s18] =	ssyncadd.s32 $0xFFFF9000  }
0xb8: {  	_ =	swait.ge [sflag:s19], $0xE00  }
0xb9: {  	[sflag:s19] =	ssyncset.done $0x0  }
0xba: {  	[sflag:s19] =	ssyncadd.s32 $0xFFFFF200  }
0xbb: {  	[hbm4b:s23+s1] =	stream.linear.scatter [tilespmem:s6], [sflag:$0x6], $0x7000, $0x38;
	[tilespmem:$0x10840] =	vst v63  }
0xbc: {  	s9 =	rddreg [dreg:$0xb]  }
0xbd: {  	[hbm4b:s9+s1] =	stream.linear.scatter [tilespmem:s7], [sflag:$0x8], $0xE00, $0x38;
	[tilespmem:$0x10840] =	vst v63  }
0xbe: {  	_ =	swait.ge [sflag:s30], $0x7000  }
0xbf: {  	[sflag:s30] =	ssyncset.done $0x0  }
0xc0: {  	[sflag:s30] =	ssyncadd.s32 $0xFFFF9000  }
0xc1: {  	s8 =	sadd.s32 $0x1C00, s26;
	s10 =	sadd.s32 $0x1C00, s23;
	_ =	swait.ge [sflag:s31], $0xE00  }
0xc2: {  	s13 =	simm.s32 $0x2A0;
	s0 =	simm.s32 $0x700;
	[sflag:s31] =	ssyncset.done $0x0  }
0xc3: {  	s12 =	sadd.s32 $0x380, s12;
	s9 =	sadd.s32 $0x380, s9;
	[sflag:s31] =	ssyncadd.s32 $0xFFFFF200  }
0xc4: {  	[tilespmem:s6], [sflag:$0x2] =	stream.indirect.gather [hbm4b:s22+s3], $0x80, s13, s3, $0xb8;
	[tilespmem:$0x10840] =	vst v63  }
.LBB2_4:
0xc5: {  	[tilespmem:s7], [sflag:$0x4] =	stream.indirect.gather [hbm4b:s29+s3], $0x10, s13, s3, $0xb8;
	[tilespmem:$0x10840] =	vst v63  }
0xc6: {  	s13 =	smov.u32 s0  }
0xc7: {  	p0 =	sne.s32 s0, $0x2300;
	s0 =	sadd.s32 $0x700, s0;
	_ =	swait.ge [sflag:s11], $0x7000  }
0xc8: {  	[sflag:s11] =	ssyncset.done $0x0  }
0xc9: {  	[sflag:s11] =	ssyncadd.s32 $0xFFFF9000  }
0xca: {  	_ =	swait.ge [sflag:s15], $0xE00  }
0xcb: {  	[sflag:s15] =	ssyncset.done $0x0  }
0xcc: {  	[sflag:s15] =	ssyncadd.s32 $0xFFFFF200  }
0xcd: {  	[hbm4b:s8+s1] =	stream.linear.scatter [tilespmem:s4], [sflag:$0x5], $0x7000, $0x38;
	[tilespmem:$0x10840] =	vst v63  }
0xce: {  	_ = 	snop  }
0xcf: {  	[hbm4b:s12+s1] =	stream.linear.scatter [tilespmem:s5], [sflag:$0x7], $0xE00, $0x38;
	[tilespmem:$0x10840] =	vst v63  }
0xd0: {  	_ =	swait.ge [sflag:s16], $0x7000  }
0xd1: {  	[sflag:s16] =	ssyncset.done $0x0  }
0xd2: {  	[sflag:s16] =	ssyncadd.s32 $0xFFFF9000  }
0xd3: {  	_ =	swait.ge [sflag:s17], $0xE00  }
0xd4: {  	s13 =	sshra.s32 s13, $0x2;
	[sflag:s17] =	ssyncset.done $0x0  }
0xd5: {  	s14 =	sadd.s32 $0x1C0, s13;
	[sflag:s17] =	ssyncadd.s32 $0xFFFFF200  }
0xd6: {  	[tilespmem:s4], [sflag:$0x1] =	stream.indirect.gather [hbm4b:s22+s3], $0x80, s14, s3, $0xb8;
	[tilespmem:$0x10840] =	vst v63  }
0xd7: {  	_ = 	snop  }
0xd8: {  	[tilespmem:s5], [sflag:$0x3] =	stream.indirect.gather [hbm4b:s29+s3], $0x10, s14, s3, $0xb8;
	[tilespmem:$0x10840] =	vst v63  }
0xd9: {  	_ =	swait.ge [sflag:s18], $0x7000  }
0xda: {  	[sflag:s18] =	ssyncset.done $0x0  }
0xdb: {  	[sflag:s18] =	ssyncadd.s32 $0xFFFF9000  }
0xdc: {  	_ =	swait.ge [sflag:s19], $0xE00  }
0xdd: {  	[sflag:s19] =	ssyncset.done $0x0  }
0xde: {  	[sflag:s19] =	ssyncadd.s32 $0xFFFFF200  }
0xdf: {  	[hbm4b:s10+s1] =	stream.linear.scatter [tilespmem:s6], [sflag:$0x6], $0x7000, $0x38;
	[tilespmem:$0x10840] =	vst v63  }
0xe0: {  	_ = 	snop  }
0xe1: {  	[hbm4b:s9+s1] =	stream.linear.scatter [tilespmem:s7], [sflag:$0x8], $0xE00, $0x38;
	[tilespmem:$0x10840] =	vst v63  }
0xe2: {  	_ =	swait.ge [sflag:s30], $0x7000  }
0xe3: {  	[sflag:s30] =	ssyncset.done $0x0  }
0xe4: {  	[sflag:s30] =	ssyncadd.s32 $0xFFFF9000  }
.Ltmp1:
0xe5: {  	_ =	swait.ge [sflag:s31], $0xE00;
	(pc) =	sbr.rel @p0 .LBB2_4-.Ltmp1, $4  }
0xe6: {  	[sflag:s31] =	ssyncset.done $0x0  }
0xe7: {  	s13 =	sadd.s32 $0x2A0, s13;
	s8 =	sadd.s32 $0x1C00, s8;
	[sflag:s31] =	ssyncadd.s32 $0xFFFFF200  }
0xe8: {  	[tilespmem:s6], [sflag:$0x2] =	stream.indirect.gather [hbm4b:s22+s3], $0x80, s13, s3, $0xb8;
	[tilespmem:$0x10840] =	vst v63  }
0xe9: {  	s12 =	sadd.s32 $0x380, s12;
	s10 =	sadd.s32 $0x1C00, s10;
	s9 =	sadd.s32 $0x380, s9  }
0xea: {  	[tilespmem:s7], [sflag:$0x4] =	stream.indirect.gather [hbm4b:s29+s3], $0x10, s13, s3, $0xb8;
	[tilespmem:$0x10840] =	vst v63  }
0xeb: {  	_ =	swait.ge [sflag:s11], $0x7000  }
0xec: {  	[sflag:s11] =	ssyncset.done $0x0  }
0xed: {  	[sflag:s11] =	ssyncadd.s32 $0xFFFF9000  }
0xee: {  	_ =	swait.ge [sflag:s15], $0xE00  }
0xef: {  	[sflag:s15] =	ssyncset.done $0x0  }
0xf0: {  	s0 =	simm.s32 $0x0;
	s8 =	rddreg [dreg:$0x11];
	[sflag:s15] =	ssyncadd.s32 $0xFFFFF200  }
0xf1: {  	[hbm4b:s8+s0] =	stream.linear.scatter [tilespmem:s4], [sflag:$0x5], $0x7000, $0x38;
	[tilespmem:$0x10840] =	vst v63  }
0xf2: {  	s9 =	rddreg [dreg:$0x6]  }
0xf3: {  	[hbm4b:s9+s0] =	stream.linear.scatter [tilespmem:s5], [sflag:$0x7], $0xE00, $0x38;
	[tilespmem:$0x10840] =	vst v63  }
0xf4: {  	_ =	swait.ge [sflag:s18], $0x7000  }
0xf5: {  	[sflag:s18] =	ssyncset.done $0x0  }
0xf6: {  	[sflag:s18] =	ssyncadd.s32 $0xFFFF9000  }
0xf7: {  	_ =	swait.ge [sflag:s19], $0xE00  }
0xf8: {  	[sflag:s19] =	ssyncset.done $0x0  }
0xf9: {  	s10 =	rddreg [dreg:$0x14];
	[sflag:s19] =	ssyncadd.s32 $0xFFFFF200  }
0xfa: {  	[hbm4b:s10+s0] =	stream.linear.scatter [tilespmem:s6], [sflag:$0x6], $0x7000, $0x38;
	[tilespmem:$0x10840] =	vst v63  }
0xfb: {  	s12 =	rddreg [dreg:$0x7]  }
0xfc: {  	[hbm4b:s12+s0] =	stream.linear.scatter [tilespmem:s7], [sflag:$0x8], $0xE00, $0x38;
	[tilespmem:$0x10840] =	vst v63  }
0xfd: {  	s13 =	rddreg [dreg:$0x18]  }
0xfe: {  	[tilespmem:s0], [sflag:$0x9] =	stream.linear.gather [hbm4b:s13+s0], $0xC40, $0x38;
	[tilespmem:$0x10840] =	vst v63  }
0xff: {  	_ =	swait.ge [sflag:s2], $0xC40  }
0x100: {  	[sflag:s2] =	ssyncset.done $0x0  }
0x101: {  	[sflag:s2] =	ssyncadd.s32 $0xFFFFF3C0  }
0x102: {  	_ =	swait.ge [sflag:s16], $0x7000  }
0x103: {  	[sflag:s16] =	ssyncset.done $0x0  }
0x104: {  	[sflag:s16] =	ssyncadd.s32 $0xFFFF9000  }
0x105: {  	_ =	swait.ge [sflag:s17], $0xE00  }
0x106: {  	[sflag:s17] =	ssyncset.done $0x0  }
0x107: {  	[sflag:s17] =	ssyncadd.s32 $0xFFFFF200  }
0x108: {  	[tilespmem:s4], [sflag:$0x1] =	stream.indirect.gather [hbm4b:s22+s3], $0x80, s0, s3, $0xb8;
	[tilespmem:$0x10840] =	vst v63  }
0x109: {  	_ = 	snop  }
0x10a: {  	[tilespmem:s5], [sflag:$0x3] =	stream.indirect.gather [hbm4b:s29+s3], $0x10, s0, s3, $0xb8;
	[tilespmem:$0x10840] =	vst v63  }
0x10b: {  	_ =	swait.ge [sflag:s30], $0x7000  }
0x10c: {  	[sflag:s30] =	ssyncset.done $0x0  }
0x10d: {  	[sflag:s30] =	ssyncadd.s32 $0xFFFF9000  }
0x10e: {  	_ =	swait.ge [sflag:s31], $0xE00  }
0x10f: {  	[sflag:s31] =	ssyncset.done $0x0  }
0x110: {  	[sflag:s31] =	ssyncadd.s32 $0xFFFFF200  }
0x111: {  	[tilespmem:s6], [sflag:$0x2] =	stream.indirect.gather [hbm4b:s22+s3], $0x80, s3, s3, $0xb8;
	[tilespmem:$0x10840] =	vst v63  }
0x112: {  	_ = 	snop  }
0x113: {  	[tilespmem:s7], [sflag:$0x4] =	stream.indirect.gather [hbm4b:s29+s3], $0x10, s3, s3, $0xb8;
	[tilespmem:$0x10840] =	vst v63  }
0x114: {  	_ =	swait.ge [sflag:s11], $0x7000  }
0x115: {  	[sflag:s11] =	ssyncset.done $0x0  }
0x116: {  	[sflag:s11] =	ssyncadd.s32 $0xFFFF9000  }
0x117: {  	_ =	swait.ge [sflag:s15], $0xE00  }
0x118: {  	[sflag:s15] =	ssyncset.done $0x0  }
0x119: {  	[sflag:s15] =	ssyncadd.s32 $0xFFFFF200  }
0x11a: {  	[hbm4b:s28+s1] =	stream.linear.scatter [tilespmem:s4], [sflag:$0x5], $0x7000, $0x38;
	[tilespmem:$0x10840] =	vst v63  }
0x11b: {  	s12 =	rddreg [dreg:$0x10]  }
0x11c: {  	[hbm4b:s12+s1] =	stream.linear.scatter [tilespmem:s5], [sflag:$0x7], $0xE00, $0x38;
	[tilespmem:$0x10840] =	vst v63  }
0x11d: {  	_ =	swait.ge [sflag:s16], $0x7000  }
0x11e: {  	[sflag:s16] =	ssyncset.done $0x0  }
0x11f: {  	[sflag:s16] =	ssyncadd.s32 $0xFFFF9000  }
0x120: {  	_ =	swait.ge [sflag:s17], $0xE00  }
0x121: {  	[sflag:s17] =	ssyncset.done $0x0  }
0x122: {  	s14 =	simm.s32 $0x1C0;
	[sflag:s17] =	ssyncadd.s32 $0xFFFFF200  }
0x123: {  	[tilespmem:s4], [sflag:$0x1] =	stream.indirect.gather [hbm4b:s22+s3], $0x80, s14, s3, $0xb8;
	[tilespmem:$0x10840] =	vst v63  }
0x124: {  	_ = 	snop  }
0x125: {  	[tilespmem:s5], [sflag:$0x3] =	stream.indirect.gather [hbm4b:s29+s3], $0x10, s14, s3, $0xb8;
	[tilespmem:$0x10840] =	vst v63  }
0x126: {  	_ =	swait.ge [sflag:s18], $0x7000  }
0x127: {  	[sflag:s18] =	ssyncset.done $0x0  }
0x128: {  	[sflag:s18] =	ssyncadd.s32 $0xFFFF9000  }
0x129: {  	_ =	swait.ge [sflag:s19], $0xE00  }
0x12a: {  	[sflag:s19] =	ssyncset.done $0x0  }
0x12b: {  	[sflag:s19] =	ssyncadd.s32 $0xFFFFF200  }
0x12c: {  	[hbm4b:s24+s1] =	stream.linear.scatter [tilespmem:s6], [sflag:$0x6], $0x7000, $0x38;
	[tilespmem:$0x10840] =	vst v63  }
0x12d: {  	s9 =	rddreg [dreg:$0xc]  }
0x12e: {  	[hbm4b:s9+s1] =	stream.linear.scatter [tilespmem:s7], [sflag:$0x8], $0xE00, $0x38;
	[tilespmem:$0x10840] =	vst v63  }
0x12f: {  	_ =	swait.ge [sflag:s30], $0x7000  }
0x130: {  	[sflag:s30] =	ssyncset.done $0x0  }
0x131: {  	[sflag:s30] =	ssyncadd.s32 $0xFFFF9000  }
0x132: {  	s8 =	sadd.s32 $0x1C00, s28;
	s10 =	sadd.s32 $0x1C00, s24;
	_ =	swait.ge [sflag:s31], $0xE00  }
0x133: {  	s13 =	simm.s32 $0x2A0;
	s0 =	simm.s32 $0x700;
	[sflag:s31] =	ssyncset.done $0x0  }
0x134: {  	s12 =	sadd.s32 $0x380, s12;
	s9 =	sadd.s32 $0x380, s9;
	[sflag:s31] =	ssyncadd.s32 $0xFFFFF200  }
0x135: {  	[tilespmem:s6], [sflag:$0x2] =	stream.indirect.gather [hbm4b:s22+s3], $0x80, s13, s3, $0xb8;
	[tilespmem:$0x10840] =	vst v63  }
.LBB2_6:
0x136: {  	[tilespmem:s7], [sflag:$0x4] =	stream.indirect.gather [hbm4b:s29+s3], $0x10, s13, s3, $0xb8;
	[tilespmem:$0x10840] =	vst v63  }
0x137: {  	s13 =	smov.u32 s0  }
0x138: {  	p0 =	sne.s32 s0, $0x2300;
	s0 =	sadd.s32 $0x700, s0;
	_ =	swait.ge [sflag:s11], $0x7000  }
0x139: {  	[sflag:s11] =	ssyncset.done $0x0  }
0x13a: {  	[sflag:s11] =	ssyncadd.s32 $0xFFFF9000  }
0x13b: {  	_ =	swait.ge [sflag:s15], $0xE00  }
0x13c: {  	[sflag:s15] =	ssyncset.done $0x0  }
0x13d: {  	[sflag:s15] =	ssyncadd.s32 $0xFFFFF200  }
0x13e: {  	[hbm4b:s8+s1] =	stream.linear.scatter [tilespmem:s4], [sflag:$0x5], $0x7000, $0x38;
	[tilespmem:$0x10840] =	vst v63  }
0x13f: {  	_ = 	snop  }
0x140: {  	[hbm4b:s12+s1] =	stream.linear.scatter [tilespmem:s5], [sflag:$0x7], $0xE00, $0x38;
	[tilespmem:$0x10840] =	vst v63  }
0x141: {  	_ =	swait.ge [sflag:s16], $0x7000  }
0x142: {  	[sflag:s16] =	ssyncset.done $0x0  }
0x143: {  	[sflag:s16] =	ssyncadd.s32 $0xFFFF9000  }
0x144: {  	_ =	swait.ge [sflag:s17], $0xE00  }
0x145: {  	s13 =	sshra.s32 s13, $0x2;
	[sflag:s17] =	ssyncset.done $0x0  }
0x146: {  	s14 =	sadd.s32 $0x1C0, s13;
	[sflag:s17] =	ssyncadd.s32 $0xFFFFF200  }
0x147: {  	[tilespmem:s4], [sflag:$0x1] =	stream.indirect.gather [hbm4b:s22+s3], $0x80, s14, s3, $0xb8;
	[tilespmem:$0x10840] =	vst v63  }
0x148: {  	_ = 	snop  }
0x149: {  	[tilespmem:s5], [sflag:$0x3] =	stream.indirect.gather [hbm4b:s29+s3], $0x10, s14, s3, $0xb8;
	[tilespmem:$0x10840] =	vst v63  }
0x14a: {  	_ =	swait.ge [sflag:s18], $0x7000  }
0x14b: {  	[sflag:s18] =	ssyncset.done $0x0  }
0x14c: {  	[sflag:s18] =	ssyncadd.s32 $0xFFFF9000  }
0x14d: {  	_ =	swait.ge [sflag:s19], $0xE00  }
0x14e: {  	[sflag:s19] =	ssyncset.done $0x0  }
0x14f: {  	[sflag:s19] =	ssyncadd.s32 $0xFFFFF200  }
0x150: {  	[hbm4b:s10+s1] =	stream.linear.scatter [tilespmem:s6], [sflag:$0x6], $0x7000, $0x38;
	[tilespmem:$0x10840] =	vst v63  }
0x151: {  	_ = 	snop  }
0x152: {  	[hbm4b:s9+s1] =	stream.linear.scatter [tilespmem:s7], [sflag:$0x8], $0xE00, $0x38;
	[tilespmem:$0x10840] =	vst v63  }
0x153: {  	_ =	swait.ge [sflag:s30], $0x7000  }
0x154: {  	[sflag:s30] =	ssyncset.done $0x0  }
0x155: {  	[sflag:s30] =	ssyncadd.s32 $0xFFFF9000  }
.Ltmp2:
0x156: {  	_ =	swait.ge [sflag:s31], $0xE00;
	(pc) =	sbr.rel @p0 .LBB2_6-.Ltmp2, $4  }
0x157: {  	[sflag:s31] =	ssyncset.done $0x0  }
0x158: {  	s13 =	sadd.s32 $0x2A0, s13;
	s8 =	sadd.s32 $0x1C00, s8;
	[sflag:s31] =	ssyncadd.s32 $0xFFFFF200  }
0x159: {  	[tilespmem:s6], [sflag:$0x2] =	stream.indirect.gather [hbm4b:s22+s3], $0x80, s13, s3, $0xb8;
	[tilespmem:$0x10840] =	vst v63  }
0x15a: {  	s12 =	sadd.s32 $0x380, s12;
	s10 =	sadd.s32 $0x1C00, s10;
	s9 =	sadd.s32 $0x380, s9  }
0x15b: {  	[tilespmem:s7], [sflag:$0x4] =	stream.indirect.gather [hbm4b:s29+s3], $0x10, s13, s3, $0xb8;
	[tilespmem:$0x10840] =	vst v63  }
0x15c: {  	_ =	swait.ge [sflag:s11], $0x7000  }
0x15d: {  	[sflag:s11] =	ssyncset.done $0x0  }
0x15e: {  	[sflag:s11] =	ssyncadd.s32 $0xFFFF9000  }
0x15f: {  	_ =	swait.ge [sflag:s15], $0xE00  }
0x160: {  	[sflag:s15] =	ssyncset.done $0x0  }
0x161: {  	s0 =	rddreg [dreg:$0x12];
	[sflag:s15] =	ssyncadd.s32 $0xFFFFF200  }
0x162: {  	[hbm4b:s0+s1] =	stream.linear.scatter [tilespmem:s4], [sflag:$0x5], $0x7000, $0x38;
	[tilespmem:$0x10840] =	vst v63  }
0x163: {  	s10 =	rddreg [dreg:$0x8]  }
0x164: {  	[hbm4b:s10+s1] =	stream.linear.scatter [tilespmem:s5], [sflag:$0x7], $0xE00, $0x38;
	[tilespmem:$0x10840] =	vst v63  }
0x165: {  	_ =	swait.ge [sflag:s18], $0x7000  }
0x166: {  	[sflag:s18] =	ssyncset.done $0x0  }
0x167: {  	[sflag:s18] =	ssyncadd.s32 $0xFFFF9000  }
0x168: {  	_ =	swait.ge [sflag:s19], $0xE00  }
0x169: {  	[sflag:s19] =	ssyncset.done $0x0  }
0x16a: {  	s12 =	rddreg [dreg:$0x15];
	[sflag:s19] =	ssyncadd.s32 $0xFFFFF200  }
0x16b: {  	[hbm4b:s12+s1] =	stream.linear.scatter [tilespmem:s6], [sflag:$0x6], $0x7000, $0x38;
	[tilespmem:$0x10840] =	vst v63  }
0x16c: {  	s13 =	rddreg [dreg:$0x9]  }
0x16d: {  	[hbm4b:s13+s1] =	stream.linear.scatter [tilespmem:s7], [sflag:$0x8], $0xE00, $0x38;
	[tilespmem:$0x10840] =	vst v63  }
0x16e: {  	_ =	swait.ge [sflag:s16], $0x7000  }
0x16f: {  	[sflag:s16] =	ssyncset.done $0x0  }
0x170: {  	[sflag:s16] =	ssyncadd.s32 $0xFFFF9000  }
0x171: {  	_ =	swait.ge [sflag:s17], $0xE00  }
0x172: {  	[sflag:s17] =	ssyncset.done $0x0  }
0x173: {  	[sflag:s17] =	ssyncadd.s32 $0xFFFFF200  }
0x174: {  	_ =	swait.ge [sflag:s30], $0x7000  }
0x175: {  	[sflag:s30] =	ssyncset.done $0x0  }
0x176: {  	[sflag:s30] =	ssyncadd.s32 $0xFFFF9000  }
0x177: {  	_ =	swait.ge [sflag:s31], $0xE00  }
0x178: {  	s21 =	sadd.s32 $0x1, s21;
	s14 =	rddreg [dreg:$0x19]  }
0x179: {  	p0 =	sne.s32 s21, s14  }
.Ltmp3:
0x17a: {  	_ = 	snop;
	(pc) =	sbr.rel @p0 .LBB2_1-.Ltmp3, $3  }
0x17b: {  	_ =	sdelay $0x1  }
0x17c: {  	[sflag:s31] =	ssyncset.done $0x0  }
0x17d: {  	[sflag:s31] =	ssyncadd.s32 $0xFFFFF200  }
0x17e: {  	_ =	sfence.sel $0x180000  }
0x17f: {  	[bflag:$0x0] =	sbarrier.arrive $0xFFFF  }
0x180: {  	_ =	strace $0x90000047  }
0x181: {  	s0 =	stileid.u32;
	[bflag:$0x2] =	sbarrier.arrive $0xFFFF  }
0x182: {  	p0 =	sne.s32 s0, $0x0;
	s0 =	rddreg [dreg:$0x3]  }
0x183: {  	s0 =	sadd.s32 @!p0 $0x100000, s0  }
0x184: {  	[sflag:s0] =	ssyncadd.tile.s32 @!p0 $0x1;
	_ =	shalt  }
.Lfunc_end2:
_tile_overlayer_lowered:
.L_overlay_start_2:
0x185: {  	(tag) =	ssettag $0x2  }
0x186: {  	s0 =	rddreg [dreg:$0x0];
	s2 =	stileid.u32  }
0x187: {  	s1 =	rddreg [dreg:$0x1];
	p0 =	sne.s32 s2, $0x0  }
0x188: {  	s3 =	rddreg [dreg:$0x2];
	[bflag:$0x3] =	sbarrier.arrive $0xFFFF;
	s2 =	simm.s32 @!p0 $0x1C09  }
0x189: {  	[timem:s3], [sflag:s2] =	dma.local @!p0 [hbm:s0], s1  }
0x18a: {  	s0 =	simm.s32 @!p0 $0x9  }
0x18b: {  	_ =	swait.ge @!p0 [sflag:s0], s1  }
0x18c: {  	s1 =	ssub.s32 @!p0 $0x0, s1;
	[sflag:s0] =	ssyncset.done @!p0 $0x0  }
0x18d: {  	[sflag:s0] =	ssyncadd.s32 @!p0 s1  }
0x18e: {  	[bflag:$0x3] =	sbarrier.arrive $0xFFFF  }
0x18f: {  	_ =	shalt  }

</sc_bundles>
